<compile_context>
chip_gen: v7x
topology: tpu7x:2x2x1
jax: 0.10.2.dev20260603
libtpu: 0.0.44.dev20260713+nightly
codegen_flags: <defaults>
</compile_context>

<pallas_src>
import functools

import jax
import jax.numpy as jnp
from jax import lax
from jax.experimental import pallas as pl
from jax.experimental.pallas import tpu as pltpu
from jax.experimental.pallas import tpu_sc as plsc

N = 10000
E = 320000
H = 128
G = 64
C = 10

NC, NS = 2, 16
NW = NC * NS
EPT = E // NW
KE = 40
NCH = EPT // KE
NBUF = 5
NGRP = NCH // NBUF
ZR = 624
ZTAIL = N - NS * ZR


@functools.cache
def _make_sc_aggregate():
    mesh = plsc.VectorSubcoreMesh(core_axis_name="c", subcore_axis_name="s")

    @functools.partial(
        pl.kernel,
        out_type=jax.ShapeDtypeStruct((2 * N, H), jnp.float32),
        mesh=mesh,
        scratch_types=(
            [pltpu.VMEM((EPT,), jnp.int32),
             pltpu.VMEM((EPT,), jnp.int32),
             pltpu.VMEM_SHARED((N, H), jnp.float32)]
            + [pltpu.VMEM((KE, H), jnp.float32)] * NBUF
            + [pltpu.SemaphoreType.DMA] * (2 * NBUF)
        ),
    )
    def _sc_aggregate(x_hbm, src_hbm, dst_hbm, zeros_hbm, out_hbm,
                      src_v, dst_v, acc, *bufs_and_sems):
        bufs = bufs_and_sems[:NBUF]
        gsems = bufs_and_sems[NBUF:2 * NBUF]
        ssems = bufs_and_sems[2 * NBUF:]
        cid = lax.axis_index("c")
        sid = lax.axis_index("s")
        wid = sid * NC + cid
        pltpu.sync_copy(zeros_hbm.at[pl.ds(0, ZR)],
                        acc.at[pl.ds(sid * ZR, ZR)])

        @pl.when(sid == 0)
        def _zero_tail():
            pltpu.sync_copy(zeros_hbm.at[pl.ds(0, ZTAIL)],
                            acc.at[pl.ds(NS * ZR, ZTAIL)])
        pltpu.sync_copy(src_hbm.at[wid], src_v)
        pltpu.sync_copy(dst_hbm.at[wid], dst_v)
        plsc.subcore_barrier()

        for b in range(NBUF):
            pltpu.async_copy(x_hbm.at[src_v.at[pl.ds(b * KE, KE)]],
                             bufs[b], gsems[b])

        @pl.loop(0, NGRP)
        def _grp(i):
            for b in range(NBUF):
                c = i * NBUF + b
                pltpu.make_async_copy(
                    x_hbm.at[src_v.at[pl.ds(c * KE, KE)]], bufs[b],
                    gsems[b]).wait()
                pltpu.async_copy(bufs[b],
                                 acc.at[dst_v.at[pl.ds(c * KE, KE)]],
                                 ssems[b], add=True)
            for b in range(NBUF):
                c = i * NBUF + b
                pltpu.make_async_copy(
                    bufs[b], acc.at[dst_v.at[pl.ds(c * KE, KE)]],
                    ssems[b]).wait()

                @pl.when(i + 1 < NGRP)
                def _next_gather():
                    pltpu.async_copy(
                        x_hbm.at[src_v.at[pl.ds((c + NBUF) * KE, KE)]],
                        bufs[b], gsems[b])

        @pl.loop(NGRP * NBUF, NCH)
        def _epi(c):
            pltpu.async_copy(x_hbm.at[src_v.at[pl.ds(c * KE, KE)]],
                             bufs[0], gsems[0]).wait()
            pltpu.async_copy(bufs[0], acc.at[dst_v.at[pl.ds(c * KE, KE)]],
                             ssems[0], add=True).wait()

        plsc.subcore_barrier()
        pltpu.sync_copy(acc.at[pl.ds(sid * ZR, ZR)],
                        out_hbm.at[pl.ds(cid * N + sid * ZR, ZR)])

        @pl.when(sid == 0)
        def _write_tail():
            pltpu.sync_copy(acc.at[pl.ds(NS * ZR, ZTAIL)],
                            out_hbm.at[pl.ds(cid * N + NS * ZR, ZTAIL)])

    return _sc_aggregate


def _prep_body(batch_row_ref, batch_col_ref, scale_ref, inv_ref):
    br = batch_row_ref[...]
    bc = batch_col_ref[...]
    gcol = lax.broadcasted_iota(jnp.int32, (G, 1), 0)
    grow = lax.broadcasted_iota(jnp.int32, (1, G), 1)
    onehot = (br == gcol).astype(jnp.float32)
    counts = jnp.sum(onehot, axis=1, keepdims=True)
    inv = jnp.where(counts > 0, 1.0 / counts, 0.0)
    onehot_t = (bc == grow).astype(jnp.float32)
    scale_ref[...] = lax.dot_general(
        onehot_t, inv, (((1,), (0,)), ((), ())),
        preferred_element_type=jnp.float32)
    inv_ref[...] = inv


_prep = pl.pallas_call(
    _prep_body,
    out_shape=(jax.ShapeDtypeStruct((N, 1), jnp.float32),
               jax.ShapeDtypeStruct((G, 1), jnp.float32)),
)

BLK = 1000


def _layer_body(a0_ref, a1_ref, h_ref, scale_ref, wrel_ref, brel_ref,
                wroot_ref, out_ref):
    agg = a0_ref[...] + a1_ref[...]
    out_ref[...] = scale_ref[...] * (
        jnp.dot(agg, wrel_ref[...], preferred_element_type=jnp.float32)
        + brel_ref[...]
        + jnp.dot(h_ref[...], wroot_ref[...],
                  preferred_element_type=jnp.float32))


_layer = pl.pallas_call(
    _layer_body,
    grid=(N // BLK,),
    in_specs=[
        pl.BlockSpec((BLK, H), lambda i: (i, 0)),
        pl.BlockSpec((BLK, H), lambda i: (i + N // BLK, 0)),
        pl.BlockSpec((BLK, H), lambda i: (i, 0)),
        pl.BlockSpec((BLK, 1), lambda i: (i, 0)),
        pl.BlockSpec((H, H), lambda i: (0, 0)),
        pl.BlockSpec((1, H), lambda i: (0, 0)),
        pl.BlockSpec((H, H), lambda i: (0, 0)),
    ],
    out_specs=pl.BlockSpec((BLK, H), lambda i: (i, 0)),
    out_shape=jax.ShapeDtypeStruct((N, H), jnp.float32),
)


def _layer3_head_body(a0_ref, a1_ref, h_ref, scale_ref, wrel_ref, brel_ref,
                      wroot_ref, batch_row_ref, inv_ref, w1_ref, b1_ref,
                      w2_ref, b2_ref, out_ref, pool_acc):
    i = pl.program_id(0)
    h3 = scale_ref[...] * (
        (a0_ref[...] + a1_ref[...]) @ wrel_ref[...]
        + brel_ref[...]
        + h_ref[...] @ wroot_ref[...])
    grow = lax.broadcasted_iota(jnp.int32, (1, G), 1)
    onehot_t = (batch_row_ref[...] == grow).astype(jnp.float32)
    blk_pool = lax.dot_general(
        onehot_t, h3, (((0,), (0,)), ((), ())),
        preferred_element_type=jnp.float32)

    @pl.when(i == 0)
    def _init():
        pool_acc[...] = blk_pool

    @pl.when(i > 0)
    def _accum():
        pool_acc[...] = pool_acc[...] + blk_pool

    @pl.when(i == N // BLK - 1)
    def _finish():
        pooled = pool_acc[...] * inv_ref[...]
        z = jnp.maximum(
            jnp.dot(pooled, w1_ref[...], preferred_element_type=jnp.float32)
            + b1_ref[...], 0.0)
        logits = (jnp.dot(z, w2_ref[...], preferred_element_type=jnp.float32)
                  + b2_ref[...])
        m = jnp.max(logits, axis=1, keepdims=True)
        lse = jnp.log(jnp.sum(jnp.exp(logits - m), axis=1,
                              keepdims=True)) + m
        out_ref[...] = logits - lse


_layer3_head = pl.pallas_call(
    _layer3_head_body,
    grid=(N // BLK,),
    in_specs=[
        pl.BlockSpec((BLK, H), lambda i: (i, 0)),
        pl.BlockSpec((BLK, H), lambda i: (i + N // BLK, 0)),
        pl.BlockSpec((BLK, H), lambda i: (i, 0)),
        pl.BlockSpec((BLK, 1), lambda i: (i, 0)),
        pl.BlockSpec((H, H), lambda i: (0, 0)),
        pl.BlockSpec((1, H), lambda i: (0, 0)),
        pl.BlockSpec((H, H), lambda i: (0, 0)),
        pl.BlockSpec((BLK, 1), lambda i: (i, 0)),
        pl.BlockSpec((G, 1), lambda i: (0, 0)),
        pl.BlockSpec((H, H), lambda i: (0, 0)),
        pl.BlockSpec((1, H), lambda i: (0, 0)),
        pl.BlockSpec((H, C), lambda i: (0, 0)),
        pl.BlockSpec((1, C), lambda i: (0, 0)),
    ],
    out_specs=pl.BlockSpec((G, C), lambda i: (0, 0)),
    out_shape=jax.ShapeDtypeStruct((G, C), jnp.float32),
    scratch_shapes=[pltpu.VMEM((G, H), jnp.float32)],
)


def kernel(x, edge_index, batch,
           W_rel1, b_rel1, W_root1,
           W_rel2, b_rel2, W_root2,
           W_rel3, b_rel3, W_root3,
           lin1_W, lin1_b, lin2_W, lin2_b):
    src2 = edge_index[0].reshape(NW, EPT)
    dst2 = edge_index[1].reshape(NW, EPT)
    batch_row = batch.reshape(1, N)
    batch_col = batch.reshape(N, 1)
    zeros = jnp.zeros((ZR, H), jnp.float32)

    scale, inv = _prep(batch_row, batch_col)

    h = x
    for w_rel, b_rel, w_root in ((W_rel1, b_rel1, W_root1),
                                 (W_rel2, b_rel2, W_root2)):
        agg2 = _make_sc_aggregate()(h, src2, dst2, zeros)
        h = _layer(agg2, agg2, h, scale, w_rel, b_rel.reshape(1, H), w_root)

    agg2 = _make_sc_aggregate()(h, src2, dst2, zeros)
    return _layer3_head(agg2, agg2, h, scale, W_rel3,
                        b_rel3.reshape(1, H), W_root3,
                        batch_col, inv,
                        lin1_W, lin1_b.reshape(1, H), lin2_W,
                        lin2_b.reshape(1, C))

# --- scband reference (transcript-rebuilt; emitter-appended) ---
"""Pipeline reference for scband-gc-meanpool-39917426049438 (READ-ONLY COPY).

The authoritative reference and input builder live on the scoring server;
editing this copy changes nothing except your own understanding.
"""

import jax, jax.numpy as jnp
import numpy as np

N = 10000
E = 320000
D = 128
H = 128
C = 10
G = 64


def setup_inputs(seed: int = 0) -> dict:
    key = jax.random.key(seed)
    ks = jax.random.split(key, 20)
    s = 0.05
    inp = {
        "x": jax.random.normal(ks[0], (N, D), dtype=jnp.float32),
        "edge_index": jax.random.randint(ks[1], (2, E), 0, N, dtype=jnp.int32),
        "batch": jnp.sort(jax.random.randint(ks[2], (N,), 0, G, dtype=jnp.int32)),
        "W_rel1": jax.random.normal(ks[3], (D, H), dtype=jnp.float32) * s,
        "b_rel1": jnp.zeros((H,), dtype=jnp.float32),
        "W_root1": jax.random.normal(ks[4], (D, H), dtype=jnp.float32) * s,
        "W_rel2": jax.random.normal(ks[5], (H, H), dtype=jnp.float32) * s,
        "b_rel2": jnp.zeros((H,), dtype=jnp.float32),
        "W_root2": jax.random.normal(ks[6], (H, H), dtype=jnp.float32) * s,
        "W_rel3": jax.random.normal(ks[7], (H, H), dtype=jnp.float32) * s,
        "b_rel3": jnp.zeros((H,), dtype=jnp.float32),
        "W_root3": jax.random.normal(ks[8], (H, H), dtype=jnp.float32) * s,
        "lin1_W": jax.random.normal(ks[9], (H, H), dtype=jnp.float32) * s,
        "lin1_b": jnp.zeros((H,), dtype=jnp.float32),
        "lin2_W": jax.random.normal(ks[10], (H, C), dtype=jnp.float32) * s,
        "lin2_b": jnp.zeros((C,), dtype=jnp.float32),
    }
    return inp


def _graph_conv(x, edge_index, W_rel, b_rel, W_root):
    # PyG GraphConv: out = lin_rel(sum_{j in N(i)} x_j) + lin_root(x_i)
    src = edge_index[0]
    dst = edge_index[1]
    agg = jnp.zeros((x.shape[0], x.shape[1]), dtype=x.dtype).at[dst].add(x[src])
    return agg @ W_rel + b_rel + x @ W_root


def reference(x, edge_index, batch,
              W_rel1, b_rel1, W_root1,
              W_rel2, b_rel2, W_root2,
              W_rel3, b_rel3, W_root3,
              lin1_W, lin1_b, lin2_W, lin2_b):
    counts = jax.ops.segment_sum(jnp.ones((x.shape[0],), dtype=x.dtype), batch, num_segments=G)
    inv_graph_size = jnp.where(counts > 0, 1.0 / counts, 0.0)

    h = _graph_conv(x, edge_index, W_rel1, b_rel1, W_root1)
    h = h * inv_graph_size[batch][:, None]
    h = _graph_conv(h, edge_index, W_rel2, b_rel2, W_root2)
    h = h * inv_graph_size[batch][:, None]
    h = _graph_conv(h, edge_index, W_rel3, b_rel3, W_root3)
    h = h * inv_graph_size[batch][:, None]

    # global_mean_pool
    pooled = jax.ops.segment_sum(h, batch, num_segments=G) * inv_graph_size[:, None]

    z = jnp.maximum(pooled @ lin1_W + lin1_b, 0.0)
    # dropout is identity in eval mode
    logits = z @ lin2_W + lin2_b
    return jax.nn.log_softmax(logits, axis=-1)

if __name__ == "__main__":
    import jax
    _d = setup_inputs()
    print(jax.jit(kernel)(*tuple(_d.values())))

</pallas_src>

<mosaic_0001>
#map = affine_map<(d0, d1) -> (0, 0)>
module attributes {stable_mosaic.version = 14 : i64} {
  func.func @_sc_aggregate(%arg0: i32, %arg1: i32, %arg2: memref<10000x128xf32, #tpu.memory_space<hbm>>, %arg3: memref<32x10000xi32, #tpu.memory_space<hbm>>, %arg4: memref<32x10000xi32, #tpu.memory_space<hbm>>, %arg5: memref<624x128xf32, #tpu.memory_space<hbm>>, %arg6: memref<20000x128xf32, #tpu.memory_space<hbm>>, %arg7: memref<10000xi32, #tpu.memory_space<vmem>>, %arg8: memref<10000xi32, #tpu.memory_space<vmem>>, %arg9: memref<10000x128xf32, #tpu.memory_space<vmem_shared>>, %arg10: memref<40x128xf32, #tpu.memory_space<vmem>>, %arg11: memref<40x128xf32, #tpu.memory_space<vmem>>, %arg12: memref<40x128xf32, #tpu.memory_space<vmem>>, %arg13: memref<40x128xf32, #tpu.memory_space<vmem>>, %arg14: memref<40x128xf32, #tpu.memory_space<vmem>>, %arg15: memref<!tpu.dma_semaphore, #tpu.memory_space<semaphore_mem>>, %arg16: memref<!tpu.dma_semaphore, #tpu.memory_space<semaphore_mem>>, %arg17: memref<!tpu.dma_semaphore, #tpu.memory_space<semaphore_mem>>, %arg18: memref<!tpu.dma_semaphore, #tpu.memory_space<semaphore_mem>>, %arg19: memref<!tpu.dma_semaphore, #tpu.memory_space<semaphore_mem>>, %arg20: memref<!tpu.dma_semaphore, #tpu.memory_space<semaphore_mem>>, %arg21: memref<!tpu.dma_semaphore, #tpu.memory_space<semaphore_mem>>, %arg22: memref<!tpu.dma_semaphore, #tpu.memory_space<semaphore_mem>>, %arg23: memref<!tpu.dma_semaphore, #tpu.memory_space<semaphore_mem>>, %arg24: memref<!tpu.dma_semaphore, #tpu.memory_space<semaphore_mem>>) attributes {dimension_semantics = [#tpu.dimension_semantics<core_parallel>, #tpu.dimension_semantics<subcore_parallel>], iteration_bounds = array<i64: 2, 16>, scalar_prefetch = 0 : i64, scratch_operands = 18 : i64, tpu.core_type = #tpu.core_type<sc_vector_subcore>, window_params = [{transform_indices = #map}, {transform_indices = #map}, {transform_indices = #map}, {transform_indices = #map}, {transform_indices = #map}]} {
    %mul3A = arith.constant 2 : i32
    %mul3A_0 = arith.muli %arg1, %mul3A : i32
    %add3A = arith.addi %mul3A_0, %arg0 : i32
    %mul3A_1 = arith.constant 624 : i32
    %mul3A_2 = arith.muli %arg1, %mul3A_1 : i32
    "tpu.region"() ({
      %run_scoped3A = tpu.sem_alloc : memref<!tpu.dma_semaphore, #tpu.memory_space<semaphore_mem>>
      %dma_start3A_50 = arith.constant 0 : i32
      %dma_start3A_51 = tpu.memref_slice %arg9[%mul3A_2, %dma_start3A_50] : memref<10000x128xf32, #tpu.memory_space<vmem_shared>> -> memref<624x128xf32, #tpu.memory_space<vmem_shared>>
      %dma_start3A_52 = arith.constant 0 : i32
      %dma_start3A_53 = arith.constant 0 : i32
      %dma_start3A_54 = tpu.memref_slice %arg5[%dma_start3A_52, %dma_start3A_53] : memref<624x128xf32, #tpu.memory_space<hbm>> -> memref<624x128xf32, #tpu.memory_space<hbm>>
      tpu.enqueue_dma source(%dma_start3A_54 : memref<624x128xf32, #tpu.memory_space<hbm>>) target(%dma_start3A_51 : memref<624x128xf32, #tpu.memory_space<vmem_shared>>) target_semaphore(%run_scoped3A : memref<!tpu.dma_semaphore, #tpu.memory_space<semaphore_mem>>)
      %dma_wait3A = arith.constant 0 : i32
      %dma_wait3A_55 = tpu.memref_slice %arg9[%mul3A_2, %dma_wait3A] : memref<10000x128xf32, #tpu.memory_space<vmem_shared>> -> memref<624x128xf32, #tpu.memory_space<vmem_shared>>
      %dma_wait3A_56 = arith.constant 0 : i32
      %dma_wait3A_57 = arith.constant 0 : i32
      %dma_wait3A_58 = tpu.memref_slice %arg5[%dma_wait3A_56, %dma_wait3A_57] : memref<624x128xf32, #tpu.memory_space<hbm>> -> memref<624x128xf32, #tpu.memory_space<hbm>>
      tpu.wait_dma2 semaphore(%run_scoped3A : memref<!tpu.dma_semaphore, #tpu.memory_space<semaphore_mem>>) src(%dma_wait3A_58 : memref<624x128xf32, #tpu.memory_space<hbm>>) dst(%dma_wait3A_55 : memref<624x128xf32, #tpu.memory_space<vmem_shared>>)
      tpu.yield
    }) : () -> ()
    %eq3A = arith.constant 0 : i32
    %eq3A_3 = arith.cmpi eq, %arg1, %eq3A : i32
    %convert_element_type3A = arith.extui %eq3A_3 : i1 to i32
    %cond3A = arith.constant 0 : i32
    %cond3A_4 = arith.cmpi ne, %convert_element_type3A, %cond3A : i32
    scf.if %cond3A_4 {
      "tpu.region"() ({
        %run_scoped3A = tpu.sem_alloc : memref<!tpu.dma_semaphore, #tpu.memory_space<semaphore_mem>>
        %dma_start3A_50 = arith.constant 9984 : i32
        %dma_start3A_51 = arith.constant 0 : i32
        %dma_start3A_52 = tpu.memref_slice %arg9[%dma_start3A_50, %dma_start3A_51] : memref<10000x128xf32, #tpu.memory_space<vmem_shared>> -> memref<16x128xf32, #tpu.memory_space<vmem_shared>>
        %dma_start3A_53 = arith.constant 0 : i32
        %dma_start3A_54 = arith.constant 0 : i32
        %dma_start3A_55 = tpu.memref_slice %arg5[%dma_start3A_53, %dma_start3A_54] : memref<624x128xf32, #tpu.memory_space<hbm>> -> memref<16x128xf32, #tpu.memory_space<hbm>>
        tpu.enqueue_dma source(%dma_start3A_55 : memref<16x128xf32, #tpu.memory_space<hbm>>) target(%dma_start3A_52 : memref<16x128xf32, #tpu.memory_space<vmem_shared>>) target_semaphore(%run_scoped3A : memref<!tpu.dma_semaphore, #tpu.memory_space<semaphore_mem>>)
        %dma_wait3A = arith.constant 9984 : i32
        %dma_wait3A_56 = arith.constant 0 : i32
        %dma_wait3A_57 = tpu.memref_slice %arg9[%dma_wait3A, %dma_wait3A_56] : memref<10000x128xf32, #tpu.memory_space<vmem_shared>> -> memref<16x128xf32, #tpu.memory_space<vmem_shared>>
        %dma_wait3A_58 = arith.constant 0 : i32
        %dma_wait3A_59 = arith.constant 0 : i32
        %dma_wait3A_60 = tpu.memref_slice %arg5[%dma_wait3A_58, %dma_wait3A_59] : memref<624x128xf32, #tpu.memory_space<hbm>> -> memref<16x128xf32, #tpu.memory_space<hbm>>
        tpu.wait_dma2 semaphore(%run_scoped3A : memref<!tpu.dma_semaphore, #tpu.memory_space<semaphore_mem>>) src(%dma_wait3A_60 : memref<16x128xf32, #tpu.memory_space<hbm>>) dst(%dma_wait3A_57 : memref<16x128xf32, #tpu.memory_space<vmem_shared>>)
        tpu.yield
      }) : () -> ()
    } else {
    }
    "tpu.region"() ({
      %run_scoped3A = tpu.sem_alloc : memref<!tpu.dma_semaphore, #tpu.memory_space<semaphore_mem>>
      %dma_start3A_50 = arith.constant 0 : i32
      %dma_start3A_51 = tpu.memref_slice %arg3[%add3A, %dma_start3A_50] : memref<32x10000xi32, #tpu.memory_space<hbm>> -> memref<1x10000xi32, #tpu.memory_space<hbm>>
      %dma_start3A_52 = tpu.memref_squeeze %dma_start3A_51 : memref<1x10000xi32, #tpu.memory_space<hbm>> -> memref<10000xi32, #tpu.memory_space<hbm>>
      %dma_start3A_53 = arith.constant 0 : i32
      %dma_start3A_54 = tpu.memref_slice %arg3[%add3A, %dma_start3A_53] : memref<32x10000xi32, #tpu.memory_space<hbm>> -> memref<1x10000xi32, #tpu.memory_space<hbm>>
      %dma_start3A_55 = tpu.memref_squeeze %dma_start3A_54 : memref<1x10000xi32, #tpu.memory_space<hbm>> -> memref<10000xi32, #tpu.memory_space<hbm>>
      tpu.enqueue_dma source(%dma_start3A_55 : memref<10000xi32, #tpu.memory_space<hbm>>) target(%arg7 : memref<10000xi32, #tpu.memory_space<vmem>>) target_semaphore(%run_scoped3A : memref<!tpu.dma_semaphore, #tpu.memory_space<semaphore_mem>>)
      %dma_wait3A = arith.constant 0 : i32
      %dma_wait3A_56 = tpu.memref_slice %arg3[%add3A, %dma_wait3A] : memref<32x10000xi32, #tpu.memory_space<hbm>> -> memref<1x10000xi32, #tpu.memory_space<hbm>>
      %dma_wait3A_57 = tpu.memref_squeeze %dma_wait3A_56 : memref<1x10000xi32, #tpu.memory_space<hbm>> -> memref<10000xi32, #tpu.memory_space<hbm>>
      %dma_wait3A_58 = arith.constant 0 : i32
      %dma_wait3A_59 = tpu.memref_slice %arg3[%add3A, %dma_wait3A_58] : memref<32x10000xi32, #tpu.memory_space<hbm>> -> memref<1x10000xi32, #tpu.memory_space<hbm>>
      %dma_wait3A_60 = tpu.memref_squeeze %dma_wait3A_59 : memref<1x10000xi32, #tpu.memory_space<hbm>> -> memref<10000xi32, #tpu.memory_space<hbm>>
      tpu.wait_dma2 semaphore(%run_scoped3A : memref<!tpu.dma_semaphore, #tpu.memory_space<semaphore_mem>>) src(%dma_wait3A_60 : memref<10000xi32, #tpu.memory_space<hbm>>) dst(%arg7 : memref<10000xi32, #tpu.memory_space<vmem>>)
      tpu.yield
    }) : () -> ()
    "tpu.region"() ({
      %run_scoped3A = tpu.sem_alloc : memref<!tpu.dma_semaphore, #tpu.memory_space<semaphore_mem>>
      %dma_start3A_50 = arith.constant 0 : i32
      %dma_start3A_51 = tpu.memref_slice %arg4[%add3A, %dma_start3A_50] : memref<32x10000xi32, #tpu.memory_space<hbm>> -> memref<1x10000xi32, #tpu.memory_space<hbm>>
      %dma_start3A_52 = tpu.memref_squeeze %dma_start3A_51 : memref<1x10000xi32, #tpu.memory_space<hbm>> -> memref<10000xi32, #tpu.memory_space<hbm>>
      %dma_start3A_53 = arith.constant 0 : i32
      %dma_start3A_54 = tpu.memref_slice %arg4[%add3A, %dma_start3A_53] : memref<32x10000xi32, #tpu.memory_space<hbm>> -> memref<1x10000xi32, #tpu.memory_space<hbm>>
      %dma_start3A_55 = tpu.memref_squeeze %dma_start3A_54 : memref<1x10000xi32, #tpu.memory_space<hbm>> -> memref<10000xi32, #tpu.memory_space<hbm>>
      tpu.enqueue_dma source(%dma_start3A_55 : memref<10000xi32, #tpu.memory_space<hbm>>) target(%arg8 : memref<10000xi32, #tpu.memory_space<vmem>>) target_semaphore(%run_scoped3A : memref<!tpu.dma_semaphore, #tpu.memory_space<semaphore_mem>>)
      %dma_wait3A = arith.constant 0 : i32
      %dma_wait3A_56 = tpu.memref_slice %arg4[%add3A, %dma_wait3A] : memref<32x10000xi32, #tpu.memory_space<hbm>> -> memref<1x10000xi32, #tpu.memory_space<hbm>>
      %dma_wait3A_57 = tpu.memref_squeeze %dma_wait3A_56 : memref<1x10000xi32, #tpu.memory_space<hbm>> -> memref<10000xi32, #tpu.memory_space<hbm>>
      %dma_wait3A_58 = arith.constant 0 : i32
      %dma_wait3A_59 = tpu.memref_slice %arg4[%add3A, %dma_wait3A_58] : memref<32x10000xi32, #tpu.memory_space<hbm>> -> memref<1x10000xi32, #tpu.memory_space<hbm>>
      %dma_wait3A_60 = tpu.memref_squeeze %dma_wait3A_59 : memref<1x10000xi32, #tpu.memory_space<hbm>> -> memref<10000xi32, #tpu.memory_space<hbm>>
      tpu.wait_dma2 semaphore(%run_scoped3A : memref<!tpu.dma_semaphore, #tpu.memory_space<semaphore_mem>>) src(%dma_wait3A_60 : memref<10000xi32, #tpu.memory_space<hbm>>) dst(%arg8 : memref<10000xi32, #tpu.memory_space<vmem>>)
      tpu.yield
    }) : () -> ()
    %barrier3A = arith.constant 0 : index
    tpu.barrier barrier_id(%barrier3A)
    %dma_start3A = arith.constant 0 : i32
    %dma_start3A_5 = tpu.memref_slice %arg7[%dma_start3A] : memref<10000xi32, #tpu.memory_space<vmem>> -> memref<40xi32, #tpu.memory_space<vmem>>
    %dma_start3A_6 = arith.constant 0 : i32
    %dma_start3A_7 = arith.constant 0 : i32
    %dma_start3A_8 = tpu.memref_slice %arg2[%dma_start3A_6, %dma_start3A_7] : memref<10000x128xf32, #tpu.memory_space<hbm>> -> memref<10000x128xf32, #tpu.memory_space<hbm>>
    tpu.enqueue_indirect_dma source(%dma_start3A_8 : memref<10000x128xf32, #tpu.memory_space<hbm>>) target(%arg10 : memref<40x128xf32, #tpu.memory_space<vmem>>) offsets(%dma_start3A_5 : memref<40xi32, #tpu.memory_space<vmem>>) semaphore(%arg15 : memref<!tpu.dma_semaphore, #tpu.memory_space<semaphore_mem>>)
    %dma_start3A_9 = arith.constant 40 : i32
    %dma_start3A_10 = tpu.memref_slice %arg7[%dma_start3A_9] : memref<10000xi32, #tpu.memory_space<vmem>> -> memref<40xi32, #tpu.memory_space<vmem>>
    %dma_start3A_11 = arith.constant 0 : i32
    %dma_start3A_12 = arith.constant 0 : i32
    %dma_start3A_13 = tpu.memref_slice %arg2[%dma_start3A_11, %dma_start3A_12] : memref<10000x128xf32, #tpu.memory_space<hbm>> -> memref<10000x128xf32, #tpu.memory_space<hbm>>
    tpu.enqueue_indirect_dma source(%dma_start3A_13 : memref<10000x128xf32, #tpu.memory_space<hbm>>) target(%arg11 : memref<40x128xf32, #tpu.memory_space<vmem>>) offsets(%dma_start3A_10 : memref<40xi32, #tpu.memory_space<vmem>>) semaphore(%arg16 : memref<!tpu.dma_semaphore, #tpu.memory_space<semaphore_mem>>)
    %dma_start3A_14 = arith.constant 80 : i32
    %dma_start3A_15 = tpu.memref_slice %arg7[%dma_start3A_14] : memref<10000xi32, #tpu.memory_space<vmem>> -> memref<40xi32, #tpu.memory_space<vmem>>
    %dma_start3A_16 = arith.constant 0 : i32
    %dma_start3A_17 = arith.constant 0 : i32
    %dma_start3A_18 = tpu.memref_slice %arg2[%dma_start3A_16, %dma_start3A_17] : memref<10000x128xf32, #tpu.memory_space<hbm>> -> memref<10000x128xf32, #tpu.memory_space<hbm>>
    tpu.enqueue_indirect_dma source(%dma_start3A_18 : memref<10000x128xf32, #tpu.memory_space<hbm>>) target(%arg12 : memref<40x128xf32, #tpu.memory_space<vmem>>) offsets(%dma_start3A_15 : memref<40xi32, #tpu.memory_space<vmem>>) semaphore(%arg17 : memref<!tpu.dma_semaphore, #tpu.memory_space<semaphore_mem>>)
    %dma_start3A_19 = arith.constant 120 : i32
    %dma_start3A_20 = tpu.memref_slice %arg7[%dma_start3A_19] : memref<10000xi32, #tpu.memory_space<vmem>> -> memref<40xi32, #tpu.memory_space<vmem>>
    %dma_start3A_21 = arith.constant 0 : i32
    %dma_start3A_22 = arith.constant 0 : i32
    %dma_start3A_23 = tpu.memref_slice %arg2[%dma_start3A_21, %dma_start3A_22] : memref<10000x128xf32, #tpu.memory_space<hbm>> -> memref<10000x128xf32, #tpu.memory_space<hbm>>
    tpu.enqueue_indirect_dma source(%dma_start3A_23 : memref<10000x128xf32, #tpu.memory_space<hbm>>) target(%arg13 : memref<40x128xf32, #tpu.memory_space<vmem>>) offsets(%dma_start3A_20 : memref<40xi32, #tpu.memory_space<vmem>>) semaphore(%arg18 : memref<!tpu.dma_semaphore, #tpu.memory_space<semaphore_mem>>)
    %dma_start3A_24 = arith.constant 160 : i32
    %dma_start3A_25 = tpu.memref_slice %arg7[%dma_start3A_24] : memref<10000xi32, #tpu.memory_space<vmem>> -> memref<40xi32, #tpu.memory_space<vmem>>
    %dma_start3A_26 = arith.constant 0 : i32
    %dma_start3A_27 = arith.constant 0 : i32
    %dma_start3A_28 = tpu.memref_slice %arg2[%dma_start3A_26, %dma_start3A_27] : memref<10000x128xf32, #tpu.memory_space<hbm>> -> memref<10000x128xf32, #tpu.memory_space<hbm>>
    tpu.enqueue_indirect_dma source(%dma_start3A_28 : memref<10000x128xf32, #tpu.memory_space<hbm>>) target(%arg14 : memref<40x128xf32, #tpu.memory_space<vmem>>) offsets(%dma_start3A_25 : memref<40xi32, #tpu.memory_space<vmem>>) semaphore(%arg19 : memref<!tpu.dma_semaphore, #tpu.memory_space<semaphore_mem>>)
    %scan3A = arith.constant 0 : i32
    %scan3A_29 = arith.constant 50 : i32
    %scan3A_30 = arith.addi %scan3A, %scan3A_29 : i32
    %scan3A_31 = arith.constant 1 : i32
    scf.for %scan3A_50 = %scan3A to %scan3A_30 step %scan3A_31  : i32 {
      %mul3A_51 = arith.constant 1 : i32
      %mul3A_52 = arith.muli %scan3A_50, %mul3A_51 : i32
      %add3A_53 = arith.constant 0 : i32
      %add3A_54 = arith.addi %add3A_53, %mul3A_52 : i32
      %mul3A_55 = arith.constant 5 : i32
      %mul3A_56 = arith.muli %add3A_54, %mul3A_55 : i32
      %add3A_57 = arith.constant 0 : i32
      %add3A_58 = arith.addi %mul3A_56, %add3A_57 : i32
      %mul3A_59 = arith.constant 40 : i32
      %mul3A_60 = arith.muli %add3A_58, %mul3A_59 : i32
      %dma_wait3A = tpu.memref_slice %arg7[%mul3A_60] : memref<10000xi32, #tpu.memory_space<vmem>> -> memref<40xi32, #tpu.memory_space<vmem>>
      %dma_wait3A_61 = arith.constant 0 : i32
      %dma_wait3A_62 = arith.constant 0 : i32
      %dma_wait3A_63 = tpu.memref_slice %arg2[%dma_wait3A_61, %dma_wait3A_62] : memref<10000x128xf32, #tpu.memory_space<hbm>> -> memref<10000x128xf32, #tpu.memory_space<hbm>>
      tpu.wait_indirect_dma semaphore(%arg15 : memref<!tpu.dma_semaphore, #tpu.memory_space<semaphore_mem>>) src(%dma_wait3A_63 : memref<10000x128xf32, #tpu.memory_space<hbm>>) dst(%arg10 : memref<40x128xf32, #tpu.memory_space<vmem>>)
      %mul3A_64 = arith.constant 40 : i32
      %mul3A_65 = arith.muli %add3A_58, %mul3A_64 : i32
      %dma_start3A_66 = tpu.memref_slice %arg8[%mul3A_65] : memref<10000xi32, #tpu.memory_space<vmem>> -> memref<40xi32, #tpu.memory_space<vmem>>
      %dma_start3A_67 = arith.constant 0 : i32
      %dma_start3A_68 = arith.constant 0 : i32
      %dma_start3A_69 = tpu.memref_slice %arg9[%dma_start3A_67, %dma_start3A_68] : memref<10000x128xf32, #tpu.memory_space<vmem_shared>> -> memref<10000x128xf32, #tpu.memory_space<vmem_shared>>
      tpu.enqueue_indirect_dma source(%arg10 : memref<40x128xf32, #tpu.memory_space<vmem>>) target(%dma_start3A_69 : memref<10000x128xf32, #tpu.memory_space<vmem_shared>>) offsets(%dma_start3A_66 : memref<40xi32, #tpu.memory_space<vmem>>) semaphore(%arg20 : memref<!tpu.dma_semaphore, #tpu.memory_space<semaphore_mem>>) {add = true}
      %mul3A_70 = arith.constant 5 : i32
      %mul3A_71 = arith.muli %add3A_54, %mul3A_70 : i32
      %add3A_72 = arith.constant 1 : i32
      %add3A_73 = arith.addi %mul3A_71, %add3A_72 : i32
      %mul3A_74 = arith.constant 40 : i32
      %mul3A_75 = arith.muli %add3A_73, %mul3A_74 : i32
      %dma_wait3A_76 = tpu.memref_slice %arg7[%mul3A_75] : memref<10000xi32, #tpu.memory_space<vmem>> -> memref<40xi32, #tpu.memory_space<vmem>>
      %dma_wait3A_77 = arith.constant 0 : i32
      %dma_wait3A_78 = arith.constant 0 : i32
      %dma_wait3A_79 = tpu.memref_slice %arg2[%dma_wait3A_77, %dma_wait3A_78] : memref<10000x128xf32, #tpu.memory_space<hbm>> -> memref<10000x128xf32, #tpu.memory_space<hbm>>
      tpu.wait_indirect_dma semaphore(%arg16 : memref<!tpu.dma_semaphore, #tpu.memory_space<semaphore_mem>>) src(%dma_wait3A_79 : memref<10000x128xf32, #tpu.memory_space<hbm>>) dst(%arg11 : memref<40x128xf32, #tpu.memory_space<vmem>>)
      %mul3A_80 = arith.constant 40 : i32
      %mul3A_81 = arith.muli %add3A_73, %mul3A_80 : i32
      %dma_start3A_82 = tpu.memref_slice %arg8[%mul3A_81] : memref<10000xi32, #tpu.memory_space<vmem>> -> memref<40xi32, #tpu.memory_space<vmem>>
      %dma_start3A_83 = arith.constant 0 : i32
      %dma_start3A_84 = arith.constant 0 : i32
      %dma_start3A_85 = tpu.memref_slice %arg9[%dma_start3A_83, %dma_start3A_84] : memref<10000x128xf32, #tpu.memory_space<vmem_shared>> -> memref<10000x128xf32, #tpu.memory_space<vmem_shared>>
      tpu.enqueue_indirect_dma source(%arg11 : memref<40x128xf32, #tpu.memory_space<vmem>>) target(%dma_start3A_85 : memref<10000x128xf32, #tpu.memory_space<vmem_shared>>) offsets(%dma_start3A_82 : memref<40xi32, #tpu.memory_space<vmem>>) semaphore(%arg21 : memref<!tpu.dma_semaphore, #tpu.memory_space<semaphore_mem>>) {add = true}
      %mul3A_86 = arith.constant 5 : i32
      %mul3A_87 = arith.muli %add3A_54, %mul3A_86 : i32
      %add3A_88 = arith.constant 2 : i32
      %add3A_89 = arith.addi %mul3A_87, %add3A_88 : i32
      %mul3A_90 = arith.constant 40 : i32
      %mul3A_91 = arith.muli %add3A_89, %mul3A_90 : i32
      %dma_wait3A_92 = tpu.memref_slice %arg7[%mul3A_91] : memref<10000xi32, #tpu.memory_space<vmem>> -> memref<40xi32, #tpu.memory_space<vmem>>
      %dma_wait3A_93 = arith.constant 0 : i32
      %dma_wait3A_94 = arith.constant 0 : i32
      %dma_wait3A_95 = tpu.memref_slice %arg2[%dma_wait3A_93, %dma_wait3A_94] : memref<10000x128xf32, #tpu.memory_space<hbm>> -> memref<10000x128xf32, #tpu.memory_space<hbm>>
      tpu.wait_indirect_dma semaphore(%arg17 : memref<!tpu.dma_semaphore, #tpu.memory_space<semaphore_mem>>) src(%dma_wait3A_95 : memref<10000x128xf32, #tpu.memory_space<hbm>>) dst(%arg12 : memref<40x128xf32, #tpu.memory_space<vmem>>)
      %mul3A_96 = arith.constant 40 : i32
      %mul3A_97 = arith.muli %add3A_89, %mul3A_96 : i32
      %dma_start3A_98 = tpu.memref_slice %arg8[%mul3A_97] : memref<10000xi32, #tpu.memory_space<vmem>> -> memref<40xi32, #tpu.memory_space<vmem>>
      %dma_start3A_99 = arith.constant 0 : i32
      %dma_start3A_100 = arith.constant 0 : i32
      %dma_start3A_101 = tpu.memref_slice %arg9[%dma_start3A_99, %dma_start3A_100] : memref<10000x128xf32, #tpu.memory_space<vmem_shared>> -> memref<10000x128xf32, #tpu.memory_space<vmem_shared>>
      tpu.enqueue_indirect_dma source(%arg12 : memref<40x128xf32, #tpu.memory_space<vmem>>) target(%dma_start3A_101 : memref<10000x128xf32, #tpu.memory_space<vmem_shared>>) offsets(%dma_start3A_98 : memref<40xi32, #tpu.memory_space<vmem>>) semaphore(%arg22 : memref<!tpu.dma_semaphore, #tpu.memory_space<semaphore_mem>>) {add = true}
      %mul3A_102 = arith.constant 5 : i32
      %mul3A_103 = arith.muli %add3A_54, %mul3A_102 : i32
      %add3A_104 = arith.constant 3 : i32
      %add3A_105 = arith.addi %mul3A_103, %add3A_104 : i32
      %mul3A_106 = arith.constant 40 : i32
      %mul3A_107 = arith.muli %add3A_105, %mul3A_106 : i32
      %dma_wait3A_108 = tpu.memref_slice %arg7[%mul3A_107] : memref<10000xi32, #tpu.memory_space<vmem>> -> memref<40xi32, #tpu.memory_space<vmem>>
      %dma_wait3A_109 = arith.constant 0 : i32
      %dma_wait3A_110 = arith.constant 0 : i32
      %dma_wait3A_111 = tpu.memref_slice %arg2[%dma_wait3A_109, %dma_wait3A_110] : memref<10000x128xf32, #tpu.memory_space<hbm>> -> memref<10000x128xf32, #tpu.memory_space<hbm>>
      tpu.wait_indirect_dma semaphore(%arg18 : memref<!tpu.dma_semaphore, #tpu.memory_space<semaphore_mem>>) src(%dma_wait3A_111 : memref<10000x128xf32, #tpu.memory_space<hbm>>) dst(%arg13 : memref<40x128xf32, #tpu.memory_space<vmem>>)
      %mul3A_112 = arith.constant 40 : i32
      %mul3A_113 = arith.muli %add3A_105, %mul3A_112 : i32
      %dma_start3A_114 = tpu.memref_slice %arg8[%mul3A_113] : memref<10000xi32, #tpu.memory_space<vmem>> -> memref<40xi32, #tpu.memory_space<vmem>>
      %dma_start3A_115 = arith.constant 0 : i32
      %dma_start3A_116 = arith.constant 0 : i32
      %dma_start3A_117 = tpu.memref_slice %arg9[%dma_start3A_115, %dma_start3A_116] : memref<10000x128xf32, #tpu.memory_space<vmem_shared>> -> memref<10000x128xf32, #tpu.memory_space<vmem_shared>>
      tpu.enqueue_indirect_dma source(%arg13 : memref<40x128xf32, #tpu.memory_space<vmem>>) target(%dma_start3A_117 : memref<10000x128xf32, #tpu.memory_space<vmem_shared>>) offsets(%dma_start3A_114 : memref<40xi32, #tpu.memory_space<vmem>>) semaphore(%arg23 : memref<!tpu.dma_semaphore, #tpu.memory_space<semaphore_mem>>) {add = true}
      %mul3A_118 = arith.constant 5 : i32
      %mul3A_119 = arith.muli %add3A_54, %mul3A_118 : i32
      %add3A_120 = arith.constant 4 : i32
      %add3A_121 = arith.addi %mul3A_119, %add3A_120 : i32
      %mul3A_122 = arith.constant 40 : i32
      %mul3A_123 = arith.muli %add3A_121, %mul3A_122 : i32
      %dma_wait3A_124 = tpu.memref_slice %arg7[%mul3A_123] : memref<10000xi32, #tpu.memory_space<vmem>> -> memref<40xi32, #tpu.memory_space<vmem>>
      %dma_wait3A_125 = arith.constant 0 : i32
      %dma_wait3A_126 = arith.constant 0 : i32
      %dma_wait3A_127 = tpu.memref_slice %arg2[%dma_wait3A_125, %dma_wait3A_126] : memref<10000x128xf32, #tpu.memory_space<hbm>> -> memref<10000x128xf32, #tpu.memory_space<hbm>>
      tpu.wait_indirect_dma semaphore(%arg19 : memref<!tpu.dma_semaphore, #tpu.memory_space<semaphore_mem>>) src(%dma_wait3A_127 : memref<10000x128xf32, #tpu.memory_space<hbm>>) dst(%arg14 : memref<40x128xf32, #tpu.memory_space<vmem>>)
      %mul3A_128 = arith.constant 40 : i32
      %mul3A_129 = arith.muli %add3A_121, %mul3A_128 : i32
      %dma_start3A_130 = tpu.memref_slice %arg8[%mul3A_129] : memref<10000xi32, #tpu.memory_space<vmem>> -> memref<40xi32, #tpu.memory_space<vmem>>
      %dma_start3A_131 = arith.constant 0 : i32
      %dma_start3A_132 = arith.constant 0 : i32
      %dma_start3A_133 = tpu.memref_slice %arg9[%dma_start3A_131, %dma_start3A_132] : memref<10000x128xf32, #tpu.memory_space<vmem_shared>> -> memref<10000x128xf32, #tpu.memory_space<vmem_shared>>
      tpu.enqueue_indirect_dma source(%arg14 : memref<40x128xf32, #tpu.memory_space<vmem>>) target(%dma_start3A_133 : memref<10000x128xf32, #tpu.memory_space<vmem_shared>>) offsets(%dma_start3A_130 : memref<40xi32, #tpu.memory_space<vmem>>) semaphore(%arg24 : memref<!tpu.dma_semaphore, #tpu.memory_space<semaphore_mem>>) {add = true}
      %mul3A_134 = arith.constant 5 : i32
      %mul3A_135 = arith.muli %add3A_54, %mul3A_134 : i32
      %add3A_136 = arith.constant 0 : i32
      %add3A_137 = arith.addi %mul3A_135, %add3A_136 : i32
      %mul3A_138 = arith.constant 40 : i32
      %mul3A_139 = arith.muli %add3A_137, %mul3A_138 : i32
      %dma_wait3A_140 = tpu.memref_slice %arg8[%mul3A_139] : memref<10000xi32, #tpu.memory_space<vmem>> -> memref<40xi32, #tpu.memory_space<vmem>>
      %dma_wait3A_141 = arith.constant 0 : i32
      %dma_wait3A_142 = arith.constant 0 : i32
      %dma_wait3A_143 = tpu.memref_slice %arg9[%dma_wait3A_141, %dma_wait3A_142] : memref<10000x128xf32, #tpu.memory_space<vmem_shared>> -> memref<10000x128xf32, #tpu.memory_space<vmem_shared>>
      tpu.wait_indirect_dma semaphore(%arg20 : memref<!tpu.dma_semaphore, #tpu.memory_space<semaphore_mem>>) src(%arg10 : memref<40x128xf32, #tpu.memory_space<vmem>>) dst(%dma_wait3A_143 : memref<10000x128xf32, #tpu.memory_space<vmem_shared>>)
      %add3A_144 = arith.constant 1 : i32
      %add3A_145 = arith.addi %add3A_54, %add3A_144 : i32
      %lt3A = arith.constant 50 : i32
      %lt3A_146 = arith.cmpi slt, %add3A_145, %lt3A : i32
      %convert_element_type3A_147 = arith.extui %lt3A_146 : i1 to i32
      %cond3A_148 = arith.constant 0 : i32
      %cond3A_149 = arith.cmpi ne, %convert_element_type3A_147, %cond3A_148 : i32
      scf.if %cond3A_149 {
        %add3A_218 = arith.constant 5 : i32
        %add3A_219 = arith.addi %add3A_137, %add3A_218 : i32
        %mul3A_220 = arith.constant 40 : i32
        %mul3A_221 = arith.muli %add3A_219, %mul3A_220 : i32
        %dma_start3A_222 = tpu.memref_slice %arg7[%mul3A_221] : memref<10000xi32, #tpu.memory_space<vmem>> -> memref<40xi32, #tpu.memory_space<vmem>>
        %dma_start3A_223 = arith.constant 0 : i32
        %dma_start3A_224 = arith.constant 0 : i32
        %dma_start3A_225 = tpu.memref_slice %arg2[%dma_start3A_223, %dma_start3A_224] : memref<10000x128xf32, #tpu.memory_space<hbm>> -> memref<10000x128xf32, #tpu.memory_space<hbm>>
        tpu.enqueue_indirect_dma source(%dma_start3A_225 : memref<10000x128xf32, #tpu.memory_space<hbm>>) target(%arg10 : memref<40x128xf32, #tpu.memory_space<vmem>>) offsets(%dma_start3A_222 : memref<40xi32, #tpu.memory_space<vmem>>) semaphore(%arg15 : memref<!tpu.dma_semaphore, #tpu.memory_space<semaphore_mem>>)
      } else {
      }
      %mul3A_150 = arith.constant 5 : i32
      %mul3A_151 = arith.muli %add3A_54, %mul3A_150 : i32
      %add3A_152 = arith.constant 1 : i32
      %add3A_153 = arith.addi %mul3A_151, %add3A_152 : i32
      %mul3A_154 = arith.constant 40 : i32
      %mul3A_155 = arith.muli %add3A_153, %mul3A_154 : i32
      %dma_wait3A_156 = tpu.memref_slice %arg8[%mul3A_155] : memref<10000xi32, #tpu.memory_space<vmem>> -> memref<40xi32, #tpu.memory_space<vmem>>
      %dma_wait3A_157 = arith.constant 0 : i32
      %dma_wait3A_158 = arith.constant 0 : i32
      %dma_wait3A_159 = tpu.memref_slice %arg9[%dma_wait3A_157, %dma_wait3A_158] : memref<10000x128xf32, #tpu.memory_space<vmem_shared>> -> memref<10000x128xf32, #tpu.memory_space<vmem_shared>>
      tpu.wait_indirect_dma semaphore(%arg21 : memref<!tpu.dma_semaphore, #tpu.memory_space<semaphore_mem>>) src(%arg11 : memref<40x128xf32, #tpu.memory_space<vmem>>) dst(%dma_wait3A_159 : memref<10000x128xf32, #tpu.memory_space<vmem_shared>>)
      %add3A_160 = arith.constant 1 : i32
      %add3A_161 = arith.addi %add3A_54, %add3A_160 : i32
      %lt3A_162 = arith.constant 50 : i32
      %lt3A_163 = arith.cmpi slt, %add3A_161, %lt3A_162 : i32
      %convert_element_type3A_164 = arith.extui %lt3A_163 : i1 to i32
      %cond3A_165 = arith.constant 0 : i32
      %cond3A_166 = arith.cmpi ne, %convert_element_type3A_164, %cond3A_165 : i32
      scf.if %cond3A_166 {
        %add3A_218 = arith.constant 5 : i32
        %add3A_219 = arith.addi %add3A_153, %add3A_218 : i32
        %mul3A_220 = arith.constant 40 : i32
        %mul3A_221 = arith.muli %add3A_219, %mul3A_220 : i32
        %dma_start3A_222 = tpu.memref_slice %arg7[%mul3A_221] : memref<10000xi32, #tpu.memory_space<vmem>> -> memref<40xi32, #tpu.memory_space<vmem>>
        %dma_start3A_223 = arith.constant 0 : i32
        %dma_start3A_224 = arith.constant 0 : i32
        %dma_start3A_225 = tpu.memref_slice %arg2[%dma_start3A_223, %dma_start3A_224] : memref<10000x128xf32, #tpu.memory_space<hbm>> -> memref<10000x128xf32, #tpu.memory_space<hbm>>
        tpu.enqueue_indirect_dma source(%dma_start3A_225 : memref<10000x128xf32, #tpu.memory_space<hbm>>) target(%arg11 : memref<40x128xf32, #tpu.memory_space<vmem>>) offsets(%dma_start3A_222 : memref<40xi32, #tpu.memory_space<vmem>>) semaphore(%arg16 : memref<!tpu.dma_semaphore, #tpu.memory_space<semaphore_mem>>)
      } else {
      }
      %mul3A_167 = arith.constant 5 : i32
      %mul3A_168 = arith.muli %add3A_54, %mul3A_167 : i32
      %add3A_169 = arith.constant 2 : i32
      %add3A_170 = arith.addi %mul3A_168, %add3A_169 : i32
      %mul3A_171 = arith.constant 40 : i32
      %mul3A_172 = arith.muli %add3A_170, %mul3A_171 : i32
      %dma_wait3A_173 = tpu.memref_slice %arg8[%mul3A_172] : memref<10000xi32, #tpu.memory_space<vmem>> -> memref<40xi32, #tpu.memory_space<vmem>>
      %dma_wait3A_174 = arith.constant 0 : i32
      %dma_wait3A_175 = arith.constant 0 : i32
      %dma_wait3A_176 = tpu.memref_slice %arg9[%dma_wait3A_174, %dma_wait3A_175] : memref<10000x128xf32, #tpu.memory_space<vmem_shared>> -> memref<10000x128xf32, #tpu.memory_space<vmem_shared>>
      tpu.wait_indirect_dma semaphore(%arg22 : memref<!tpu.dma_semaphore, #tpu.memory_space<semaphore_mem>>) src(%arg12 : memref<40x128xf32, #tpu.memory_space<vmem>>) dst(%dma_wait3A_176 : memref<10000x128xf32, #tpu.memory_space<vmem_shared>>)
      %add3A_177 = arith.constant 1 : i32
      %add3A_178 = arith.addi %add3A_54, %add3A_177 : i32
      %lt3A_179 = arith.constant 50 : i32
      %lt3A_180 = arith.cmpi slt, %add3A_178, %lt3A_179 : i32
      %convert_element_type3A_181 = arith.extui %lt3A_180 : i1 to i32
      %cond3A_182 = arith.constant 0 : i32
      %cond3A_183 = arith.cmpi ne, %convert_element_type3A_181, %cond3A_182 : i32
      scf.if %cond3A_183 {
        %add3A_218 = arith.constant 5 : i32
        %add3A_219 = arith.addi %add3A_170, %add3A_218 : i32
        %mul3A_220 = arith.constant 40 : i32
        %mul3A_221 = arith.muli %add3A_219, %mul3A_220 : i32
        %dma_start3A_222 = tpu.memref_slice %arg7[%mul3A_221] : memref<10000xi32, #tpu.memory_space<vmem>> -> memref<40xi32, #tpu.memory_space<vmem>>
        %dma_start3A_223 = arith.constant 0 : i32
        %dma_start3A_224 = arith.constant 0 : i32
        %dma_start3A_225 = tpu.memref_slice %arg2[%dma_start3A_223, %dma_start3A_224] : memref<10000x128xf32, #tpu.memory_space<hbm>> -> memref<10000x128xf32, #tpu.memory_space<hbm>>
        tpu.enqueue_indirect_dma source(%dma_start3A_225 : memref<10000x128xf32, #tpu.memory_space<hbm>>) target(%arg12 : memref<40x128xf32, #tpu.memory_space<vmem>>) offsets(%dma_start3A_222 : memref<40xi32, #tpu.memory_space<vmem>>) semaphore(%arg17 : memref<!tpu.dma_semaphore, #tpu.memory_space<semaphore_mem>>)
      } else {
      }
      %mul3A_184 = arith.constant 5 : i32
      %mul3A_185 = arith.muli %add3A_54, %mul3A_184 : i32
      %add3A_186 = arith.constant 3 : i32
      %add3A_187 = arith.addi %mul3A_185, %add3A_186 : i32
      %mul3A_188 = arith.constant 40 : i32
      %mul3A_189 = arith.muli %add3A_187, %mul3A_188 : i32
      %dma_wait3A_190 = tpu.memref_slice %arg8[%mul3A_189] : memref<10000xi32, #tpu.memory_space<vmem>> -> memref<40xi32, #tpu.memory_space<vmem>>
      %dma_wait3A_191 = arith.constant 0 : i32
      %dma_wait3A_192 = arith.constant 0 : i32
      %dma_wait3A_193 = tpu.memref_slice %arg9[%dma_wait3A_191, %dma_wait3A_192] : memref<10000x128xf32, #tpu.memory_space<vmem_shared>> -> memref<10000x128xf32, #tpu.memory_space<vmem_shared>>
      tpu.wait_indirect_dma semaphore(%arg23 : memref<!tpu.dma_semaphore, #tpu.memory_space<semaphore_mem>>) src(%arg13 : memref<40x128xf32, #tpu.memory_space<vmem>>) dst(%dma_wait3A_193 : memref<10000x128xf32, #tpu.memory_space<vmem_shared>>)
      %add3A_194 = arith.constant 1 : i32
      %add3A_195 = arith.addi %add3A_54, %add3A_194 : i32
      %lt3A_196 = arith.constant 50 : i32
      %lt3A_197 = arith.cmpi slt, %add3A_195, %lt3A_196 : i32
      %convert_element_type3A_198 = arith.extui %lt3A_197 : i1 to i32
      %cond3A_199 = arith.constant 0 : i32
      %cond3A_200 = arith.cmpi ne, %convert_element_type3A_198, %cond3A_199 : i32
      scf.if %cond3A_200 {
        %add3A_218 = arith.constant 5 : i32
        %add3A_219 = arith.addi %add3A_187, %add3A_218 : i32
        %mul3A_220 = arith.constant 40 : i32
        %mul3A_221 = arith.muli %add3A_219, %mul3A_220 : i32
        %dma_start3A_222 = tpu.memref_slice %arg7[%mul3A_221] : memref<10000xi32, #tpu.memory_space<vmem>> -> memref<40xi32, #tpu.memory_space<vmem>>
        %dma_start3A_223 = arith.constant 0 : i32
        %dma_start3A_224 = arith.constant 0 : i32
        %dma_start3A_225 = tpu.memref_slice %arg2[%dma_start3A_223, %dma_start3A_224] : memref<10000x128xf32, #tpu.memory_space<hbm>> -> memref<10000x128xf32, #tpu.memory_space<hbm>>
        tpu.enqueue_indirect_dma source(%dma_start3A_225 : memref<10000x128xf32, #tpu.memory_space<hbm>>) target(%arg13 : memref<40x128xf32, #tpu.memory_space<vmem>>) offsets(%dma_start3A_222 : memref<40xi32, #tpu.memory_space<vmem>>) semaphore(%arg18 : memref<!tpu.dma_semaphore, #tpu.memory_space<semaphore_mem>>)
      } else {
      }
      %mul3A_201 = arith.constant 5 : i32
      %mul3A_202 = arith.muli %add3A_54, %mul3A_201 : i32
      %add3A_203 = arith.constant 4 : i32
      %add3A_204 = arith.addi %mul3A_202, %add3A_203 : i32
      %mul3A_205 = arith.constant 40 : i32
      %mul3A_206 = arith.muli %add3A_204, %mul3A_205 : i32
      %dma_wait3A_207 = tpu.memref_slice %arg8[%mul3A_206] : memref<10000xi32, #tpu.memory_space<vmem>> -> memref<40xi32, #tpu.memory_space<vmem>>
      %dma_wait3A_208 = arith.constant 0 : i32
      %dma_wait3A_209 = arith.constant 0 : i32
      %dma_wait3A_210 = tpu.memref_slice %arg9[%dma_wait3A_208, %dma_wait3A_209] : memref<10000x128xf32, #tpu.memory_space<vmem_shared>> -> memref<10000x128xf32, #tpu.memory_space<vmem_shared>>
      tpu.wait_indirect_dma semaphore(%arg24 : memref<!tpu.dma_semaphore, #tpu.memory_space<semaphore_mem>>) src(%arg14 : memref<40x128xf32, #tpu.memory_space<vmem>>) dst(%dma_wait3A_210 : memref<10000x128xf32, #tpu.memory_space<vmem_shared>>)
      %add3A_211 = arith.constant 1 : i32
      %add3A_212 = arith.addi %add3A_54, %add3A_211 : i32
      %lt3A_213 = arith.constant 50 : i32
      %lt3A_214 = arith.cmpi slt, %add3A_212, %lt3A_213 : i32
      %convert_element_type3A_215 = arith.extui %lt3A_214 : i1 to i32
      %cond3A_216 = arith.constant 0 : i32
      %cond3A_217 = arith.cmpi ne, %convert_element_type3A_215, %cond3A_216 : i32
      scf.if %cond3A_217 {
        %add3A_218 = arith.constant 5 : i32
        %add3A_219 = arith.addi %add3A_204, %add3A_218 : i32
        %mul3A_220 = arith.constant 40 : i32
        %mul3A_221 = arith.muli %add3A_219, %mul3A_220 : i32
        %dma_start3A_222 = tpu.memref_slice %arg7[%mul3A_221] : memref<10000xi32, #tpu.memory_space<vmem>> -> memref<40xi32, #tpu.memory_space<vmem>>
        %dma_start3A_223 = arith.constant 0 : i32
        %dma_start3A_224 = arith.constant 0 : i32
        %dma_start3A_225 = tpu.memref_slice %arg2[%dma_start3A_223, %dma_start3A_224] : memref<10000x128xf32, #tpu.memory_space<hbm>> -> memref<10000x128xf32, #tpu.memory_space<hbm>>
        tpu.enqueue_indirect_dma source(%dma_start3A_225 : memref<10000x128xf32, #tpu.memory_space<hbm>>) target(%arg14 : memref<40x128xf32, #tpu.memory_space<vmem>>) offsets(%dma_start3A_222 : memref<40xi32, #tpu.memory_space<vmem>>) semaphore(%arg19 : memref<!tpu.dma_semaphore, #tpu.memory_space<semaphore_mem>>)
      } else {
      }
    }
    %scan3A_32 = arith.constant 50 : i32
    %scan3A_33 = arith.constant 0 : i32
    %scan3A_34 = arith.constant 0 : i32
    %scan3A_35 = arith.addi %scan3A_33, %scan3A_34 : i32
    %scan3A_36 = arith.constant 0 : i32
    %barrier3A_37 = arith.constant 0 : index
    tpu.barrier barrier_id(%barrier3A_37)
    %mul3A_38 = arith.constant 624 : i32
    %mul3A_39 = arith.muli %arg1, %mul3A_38 : i32
    %mul3A_40 = arith.constant 10000 : i32
    %mul3A_41 = arith.muli %arg0, %mul3A_40 : i32
    %mul3A_42 = arith.constant 624 : i32
    %mul3A_43 = arith.muli %arg1, %mul3A_42 : i32
    %add3A_44 = arith.addi %mul3A_41, %mul3A_43 : i32
    "tpu.region"() ({
      %run_scoped3A = tpu.sem_alloc : memref<!tpu.dma_semaphore, #tpu.memory_space<semaphore_mem>>
      %dma_start3A_50 = arith.constant 0 : i32
      %dma_start3A_51 = tpu.memref_slice %arg6[%add3A_44, %dma_start3A_50] : memref<20000x128xf32, #tpu.memory_space<hbm>> -> memref<624x128xf32, #tpu.memory_space<hbm>>
      %dma_start3A_52 = arith.constant 0 : i32
      %dma_start3A_53 = tpu.memref_slice %arg9[%mul3A_39, %dma_start3A_52] : memref<10000x128xf32, #tpu.memory_space<vmem_shared>> -> memref<624x128xf32, #tpu.memory_space<vmem_shared>>
      tpu.enqueue_dma source(%dma_start3A_53 : memref<624x128xf32, #tpu.memory_space<vmem_shared>>) target(%dma_start3A_51 : memref<624x128xf32, #tpu.memory_space<hbm>>) target_semaphore(%run_scoped3A : memref<!tpu.dma_semaphore, #tpu.memory_space<semaphore_mem>>)
      %dma_wait3A = arith.constant 0 : i32
      %dma_wait3A_54 = tpu.memref_slice %arg6[%add3A_44, %dma_wait3A] : memref<20000x128xf32, #tpu.memory_space<hbm>> -> memref<624x128xf32, #tpu.memory_space<hbm>>
      %dma_wait3A_55 = arith.constant 0 : i32
      %dma_wait3A_56 = tpu.memref_slice %arg9[%mul3A_39, %dma_wait3A_55] : memref<10000x128xf32, #tpu.memory_space<vmem_shared>> -> memref<624x128xf32, #tpu.memory_space<vmem_shared>>
      tpu.wait_dma2 semaphore(%run_scoped3A : memref<!tpu.dma_semaphore, #tpu.memory_space<semaphore_mem>>) src(%dma_wait3A_56 : memref<624x128xf32, #tpu.memory_space<vmem_shared>>) dst(%dma_wait3A_54 : memref<624x128xf32, #tpu.memory_space<hbm>>)
      tpu.yield
    }) : () -> ()
    %eq3A_45 = arith.constant 0 : i32
    %eq3A_46 = arith.cmpi eq, %arg1, %eq3A_45 : i32
    %convert_element_type3A_47 = arith.extui %eq3A_46 : i1 to i32
    %cond3A_48 = arith.constant 0 : i32
    %cond3A_49 = arith.cmpi ne, %convert_element_type3A_47, %cond3A_48 : i32
    scf.if %cond3A_49 {
      %mul3A_50 = arith.constant 10000 : i32
      %mul3A_51 = arith.muli %arg0, %mul3A_50 : i32
      %add3A_52 = arith.constant 9984 : i32
      %add3A_53 = arith.addi %mul3A_51, %add3A_52 : i32
      "tpu.region"() ({
        %run_scoped3A = tpu.sem_alloc : memref<!tpu.dma_semaphore, #tpu.memory_space<semaphore_mem>>
        %dma_start3A_54 = arith.constant 0 : i32
        %dma_start3A_55 = tpu.memref_slice %arg6[%add3A_53, %dma_start3A_54] : memref<20000x128xf32, #tpu.memory_space<hbm>> -> memref<16x128xf32, #tpu.memory_space<hbm>>
        %dma_start3A_56 = arith.constant 9984 : i32
        %dma_start3A_57 = arith.constant 0 : i32
        %dma_start3A_58 = tpu.memref_slice %arg9[%dma_start3A_56, %dma_start3A_57] : memref<10000x128xf32, #tpu.memory_space<vmem_shared>> -> memref<16x128xf32, #tpu.memory_space<vmem_shared>>
        tpu.enqueue_dma source(%dma_start3A_58 : memref<16x128xf32, #tpu.memory_space<vmem_shared>>) target(%dma_start3A_55 : memref<16x128xf32, #tpu.memory_space<hbm>>) target_semaphore(%run_scoped3A : memref<!tpu.dma_semaphore, #tpu.memory_space<semaphore_mem>>)
        %dma_wait3A = arith.constant 0 : i32
        %dma_wait3A_59 = tpu.memref_slice %arg6[%add3A_53, %dma_wait3A] : memref<20000x128xf32, #tpu.memory_space<hbm>> -> memref<16x128xf32, #tpu.memory_space<hbm>>
        %dma_wait3A_60 = arith.constant 9984 : i32
        %dma_wait3A_61 = arith.constant 0 : i32
        %dma_wait3A_62 = tpu.memref_slice %arg9[%dma_wait3A_60, %dma_wait3A_61] : memref<10000x128xf32, #tpu.memory_space<vmem_shared>> -> memref<16x128xf32, #tpu.memory_space<vmem_shared>>
        tpu.wait_dma2 semaphore(%run_scoped3A : memref<!tpu.dma_semaphore, #tpu.memory_space<semaphore_mem>>) src(%dma_wait3A_62 : memref<16x128xf32, #tpu.memory_space<vmem_shared>>) dst(%dma_wait3A_59 : memref<16x128xf32, #tpu.memory_space<hbm>>)
        tpu.yield
      }) : () -> ()
    } else {
    }
    return
  }
}

#map = affine_map<(d0, d1) -> (0, 0)>
module attributes {stable_mosaic.version = 14 : i64} {
  func.func @_sc_aggregate(%arg0: i32, %arg1: i32, %arg2: memref<10000x128xf32, #tpu.memory_space<hbm>>, %arg3: memref<32x10000xi32, #tpu.memory_space<hbm>>, %arg4: memref<32x10000xi32, #tpu.memory_space<hbm>>, %arg5: memref<624x128xf32, #tpu.memory_space<hbm>>, %arg6: memref<20000x128xf32, #tpu.memory_space<hbm>>, %arg7: memref<10000xi32, #tpu.memory_space<vmem>>, %arg8: memref<10000xi32, #tpu.memory_space<vmem>>, %arg9: memref<10000x128xf32, #tpu.memory_space<vmem_shared>>, %arg10: memref<40x128xf32, #tpu.memory_space<vmem>>, %arg11: memref<40x128xf32, #tpu.memory_space<vmem>>, %arg12: memref<40x128xf32, #tpu.memory_space<vmem>>, %arg13: memref<40x128xf32, #tpu.memory_space<vmem>>, %arg14: memref<40x128xf32, #tpu.memory_space<vmem>>, %arg15: memref<!tpu.dma_semaphore, #tpu.memory_space<semaphore_mem>>, %arg16: memref<!tpu.dma_semaphore, #tpu.memory_space<semaphore_mem>>, %arg17: memref<!tpu.dma_semaphore, #tpu.memory_space<semaphore_mem>>, %arg18: memref<!tpu.dma_semaphore, #tpu.memory_space<semaphore_mem>>, %arg19: memref<!tpu.dma_semaphore, #tpu.memory_space<semaphore_mem>>, %arg20: memref<!tpu.dma_semaphore, #tpu.memory_space<semaphore_mem>>, %arg21: memref<!tpu.dma_semaphore, #tpu.memory_space<semaphore_mem>>, %arg22: memref<!tpu.dma_semaphore, #tpu.memory_space<semaphore_mem>>, %arg23: memref<!tpu.dma_semaphore, #tpu.memory_space<semaphore_mem>>, %arg24: memref<!tpu.dma_semaphore, #tpu.memory_space<semaphore_mem>>) attributes {dimension_semantics = [#tpu.dimension_semantics<core_parallel>, #tpu.dimension_semantics<subcore_parallel>], iteration_bounds = array<i64: 2, 16>, scalar_prefetch = 0 : i64, scratch_operands = 18 : i64, tpu.core_type = #tpu.core_type<sc_vector_subcore>, window_params = [{transform_indices = #map}, {transform_indices = #map}, {transform_indices = #map}, {transform_indices = #map}, {transform_indices = #map}]} {
    %mul3A = arith.constant 2 : i32
    %mul3A_0 = arith.muli %arg1, %mul3A : i32
    %add3A = arith.addi %mul3A_0, %arg0 : i32
    %mul3A_1 = arith.constant 624 : i32
    %mul3A_2 = arith.muli %arg1, %mul3A_1 : i32
    "tpu.region"() ({
      %run_scoped3A = tpu.sem_alloc : memref<!tpu.dma_semaphore, #tpu.memory_space<semaphore_mem>>
      %dma_start3A_50 = arith.constant 0 : i32
      %dma_start3A_51 = tpu.memref_slice %arg9[%mul3A_2, %dma_start3A_50] : memref<10000x128xf32, #tpu.memory_space<vmem_shared>> -> memref<624x128xf32, #tpu.memory_space<vmem_shared>>
      %dma_start3A_52 = arith.constant 0 : i32
      %dma_start3A_53 = arith.constant 0 : i32
      %dma_start3A_54 = tpu.memref_slice %arg5[%dma_start3A_52, %dma_start3A_53] : memref<624x128xf32, #tpu.memory_space<hbm>> -> memref<624x128xf32, #tpu.memory_space<hbm>>
      tpu.enqueue_dma source(%dma_start3A_54 : memref<624x128xf32, #tpu.memory_space<hbm>>) target(%dma_start3A_51 : memref<624x128xf32, #tpu.memory_space<vmem_shared>>) target_semaphore(%run_scoped3A : memref<!tpu.dma_semaphore, #tpu.memory_space<semaphore_mem>>)
      %dma_wait3A = arith.constant 0 : i32
      %dma_wait3A_55 = tpu.memref_slice %arg9[%mul3A_2, %dma_wait3A] : memref<10000x128xf32, #tpu.memory_space<vmem_shared>> -> memref<624x128xf32, #tpu.memory_space<vmem_shared>>
      %dma_wait3A_56 = arith.constant 0 : i32
      %dma_wait3A_57 = arith.constant 0 : i32
      %dma_wait3A_58 = tpu.memref_slice %arg5[%dma_wait3A_56, %dma_wait3A_57] : memref<624x128xf32, #tpu.memory_space<hbm>> -> memref<624x128xf32, #tpu.memory_space<hbm>>
      tpu.wait_dma2 semaphore(%run_scoped3A : memref<!tpu.dma_semaphore, #tpu.memory_space<semaphore_mem>>) src(%dma_wait3A_58 : memref<624x128xf32, #tpu.memory_space<hbm>>) dst(%dma_wait3A_55 : memref<624x128xf32, #tpu.memory_space<vmem_shared>>)
      tpu.yield
    }) : () -> ()
    %eq3A = arith.constant 0 : i32
    %eq3A_3 = arith.cmpi eq, %arg1, %eq3A : i32
    %convert_element_type3A = arith.extui %eq3A_3 : i1 to i32
    %cond3A = arith.constant 0 : i32
    %cond3A_4 = arith.cmpi ne, %convert_element_type3A, %cond3A : i32
    scf.if %cond3A_4 {
      "tpu.region"() ({
        %run_scoped3A = tpu.sem_alloc : memref<!tpu.dma_semaphore, #tpu.memory_space<semaphore_mem>>
        %dma_start3A_50 = arith.constant 9984 : i32
        %dma_start3A_51 = arith.constant 0 : i32
        %dma_start3A_52 = tpu.memref_slice %arg9[%dma_start3A_50, %dma_start3A_51] : memref<10000x128xf32, #tpu.memory_space<vmem_shared>> -> memref<16x128xf32, #tpu.memory_space<vmem_shared>>
        %dma_start3A_53 = arith.constant 0 : i32
        %dma_start3A_54 = arith.constant 0 : i32
        %dma_start3A_55 = tpu.memref_slice %arg5[%dma_start3A_53, %dma_start3A_54] : memref<624x128xf32, #tpu.memory_space<hbm>> -> memref<16x128xf32, #tpu.memory_space<hbm>>
        tpu.enqueue_dma source(%dma_start3A_55 : memref<16x128xf32, #tpu.memory_space<hbm>>) target(%dma_start3A_52 : memref<16x128xf32, #tpu.memory_space<vmem_shared>>) target_semaphore(%run_scoped3A : memref<!tpu.dma_semaphore, #tpu.memory_space<semaphore_mem>>)
        %dma_wait3A = arith.constant 9984 : i32
        %dma_wait3A_56 = arith.constant 0 : i32
        %dma_wait3A_57 = tpu.memref_slice %arg9[%dma_wait3A, %dma_wait3A_56] : memref<10000x128xf32, #tpu.memory_space<vmem_shared>> -> memref<16x128xf32, #tpu.memory_space<vmem_shared>>
        %dma_wait3A_58 = arith.constant 0 : i32
        %dma_wait3A_59 = arith.constant 0 : i32
        %dma_wait3A_60 = tpu.memref_slice %arg5[%dma_wait3A_58, %dma_wait3A_59] : memref<624x128xf32, #tpu.memory_space<hbm>> -> memref<16x128xf32, #tpu.memory_space<hbm>>
        tpu.wait_dma2 semaphore(%run_scoped3A : memref<!tpu.dma_semaphore, #tpu.memory_space<semaphore_mem>>) src(%dma_wait3A_60 : memref<16x128xf32, #tpu.memory_space<hbm>>) dst(%dma_wait3A_57 : memref<16x128xf32, #tpu.memory_space<vmem_shared>>)
        tpu.yield
      }) : () -> ()
    } else {
    }
    "tpu.region"() ({
      %run_scoped3A = tpu.sem_alloc : memref<!tpu.dma_semaphore, #tpu.memory_space<semaphore_mem>>
      %dma_start3A_50 = arith.constant 0 : i32
      %dma_start3A_51 = tpu.memref_slice %arg3[%add3A, %dma_start3A_50] : memref<32x10000xi32, #tpu.memory_space<hbm>> -> memref<1x10000xi32, #tpu.memory_space<hbm>>
      %dma_start3A_52 = tpu.memref_squeeze %dma_start3A_51 : memref<1x10000xi32, #tpu.memory_space<hbm>> -> memref<10000xi32, #tpu.memory_space<hbm>>
      %dma_start3A_53 = arith.constant 0 : i32
      %dma_start3A_54 = tpu.memref_slice %arg3[%add3A, %dma_start3A_53] : memref<32x10000xi32, #tpu.memory_space<hbm>> -> memref<1x10000xi32, #tpu.memory_space<hbm>>
      %dma_start3A_55 = tpu.memref_squeeze %dma_start3A_54 : memref<1x10000xi32, #tpu.memory_space<hbm>> -> memref<10000xi32, #tpu.memory_space<hbm>>
      tpu.enqueue_dma source(%dma_start3A_55 : memref<10000xi32, #tpu.memory_space<hbm>>) target(%arg7 : memref<10000xi32, #tpu.memory_space<vmem>>) target_semaphore(%run_scoped3A : memref<!tpu.dma_semaphore, #tpu.memory_space<semaphore_mem>>)
      %dma_wait3A = arith.constant 0 : i32
      %dma_wait3A_56 = tpu.memref_slice %arg3[%add3A, %dma_wait3A] : memref<32x10000xi32, #tpu.memory_space<hbm>> -> memref<1x10000xi32, #tpu.memory_space<hbm>>
      %dma_wait3A_57 = tpu.memref_squeeze %dma_wait3A_56 : memref<1x10000xi32, #tpu.memory_space<hbm>> -> memref<10000xi32, #tpu.memory_space<hbm>>
      %dma_wait3A_58 = arith.constant 0 : i32
      %dma_wait3A_59 = tpu.memref_slice %arg3[%add3A, %dma_wait3A_58] : memref<32x10000xi32, #tpu.memory_space<hbm>> -> memref<1x10000xi32, #tpu.memory_space<hbm>>
      %dma_wait3A_60 = tpu.memref_squeeze %dma_wait3A_59 : memref<1x10000xi32, #tpu.memory_space<hbm>> -> memref<10000xi32, #tpu.memory_space<hbm>>
      tpu.wait_dma2 semaphore(%run_scoped3A : memref<!tpu.dma_semaphore, #tpu.memory_space<semaphore_mem>>) src(%dma_wait3A_60 : memref<10000xi32, #tpu.memory_space<hbm>>) dst(%arg7 : memref<10000xi32, #tpu.memory_space<vmem>>)
      tpu.yield
    }) : () -> ()
    "tpu.region"() ({
      %run_scoped3A = tpu.sem_alloc : memref<!tpu.dma_semaphore, #tpu.memory_space<semaphore_mem>>
      %dma_start3A_50 = arith.constant 0 : i32
      %dma_start3A_51 = tpu.memref_slice %arg4[%add3A, %dma_start3A_50] : memref<32x10000xi32, #tpu.memory_space<hbm>> -> memref<1x10000xi32, #tpu.memory_space<hbm>>
      %dma_start3A_52 = tpu.memref_squeeze %dma_start3A_51 : memref<1x10000xi32, #tpu.memory_space<hbm>> -> memref<10000xi32, #tpu.memory_space<hbm>>
      %dma_start3A_53 = arith.constant 0 : i32
      %dma_start3A_54 = tpu.memref_slice %arg4[%add3A, %dma_start3A_53] : memref<32x10000xi32, #tpu.memory_space<hbm>> -> memref<1x10000xi32, #tpu.memory_space<hbm>>
      %dma_start3A_55 = tpu.memref_squeeze %dma_start3A_54 : memref<1x10000xi32, #tpu.memory_space<hbm>> -> memref<10000xi32, #tpu.memory_space<hbm>>
      tpu.enqueue_dma source(%dma_start3A_55 : memref<10000xi32, #tpu.memory_space<hbm>>) target(%arg8 : memref<10000xi32, #tpu.memory_space<vmem>>) target_semaphore(%run_scoped3A : memref<!tpu.dma_semaphore, #tpu.memory_space<semaphore_mem>>)
      %dma_wait3A = arith.constant 0 : i32
      %dma_wait3A_56 = tpu.memref_slice %arg4[%add3A, %dma_wait3A] : memref<32x10000xi32, #tpu.memory_space<hbm>> -> memref<1x10000xi32, #tpu.memory_space<hbm>>
      %dma_wait3A_57 = tpu.memref_squeeze %dma_wait3A_56 : memref<1x10000xi32, #tpu.memory_space<hbm>> -> memref<10000xi32, #tpu.memory_space<hbm>>
      %dma_wait3A_58 = arith.constant 0 : i32
      %dma_wait3A_59 = tpu.memref_slice %arg4[%add3A, %dma_wait3A_58] : memref<32x10000xi32, #tpu.memory_space<hbm>> -> memref<1x10000xi32, #tpu.memory_space<hbm>>
      %dma_wait3A_60 = tpu.memref_squeeze %dma_wait3A_59 : memref<1x10000xi32, #tpu.memory_space<hbm>> -> memref<10000xi32, #tpu.memory_space<hbm>>
      tpu.wait_dma2 semaphore(%run_scoped3A : memref<!tpu.dma_semaphore, #tpu.memory_space<semaphore_mem>>) src(%dma_wait3A_60 : memref<10000xi32, #tpu.memory_space<hbm>>) dst(%arg8 : memref<10000xi32, #tpu.memory_space<vmem>>)
      tpu.yield
    }) : () -> ()
    %barrier3A = arith.constant 0 : index
    tpu.barrier barrier_id(%barrier3A)
    %dma_start3A = arith.constant 0 : i32
    %dma_start3A_5 = tpu.memref_slice %arg7[%dma_start3A] : memref<10000xi32, #tpu.memory_space<vmem>> -> memref<40xi32, #tpu.memory_space<vmem>>
    %dma_start3A_6 = arith.constant 0 : i32
    %dma_start3A_7 = arith.constant 0 : i32
    %dma_start3A_8 = tpu.memref_slice %arg2[%dma_start3A_6, %dma_start3A_7] : memref<10000x128xf32, #tpu.memory_space<hbm>> -> memref<10000x128xf32, #tpu.memory_space<hbm>>
    tpu.enqueue_indirect_dma source(%dma_start3A_8 : memref<10000x128xf32, #tpu.memory_space<hbm>>) target(%arg10 : memref<40x128xf32, #tpu.memory_space<vmem>>) offsets(%dma_start3A_5 : memref<40xi32, #tpu.memory_space<vmem>>) semaphore(%arg15 : memref<!tpu.dma_semaphore, #tpu.memory_space<semaphore_mem>>)
    %dma_start3A_9 = arith.constant 40 : i32
    %dma_start3A_10 = tpu.memref_slice %arg7[%dma_start3A_9] : memref<10000xi32, #tpu.memory_space<vmem>> -> memref<40xi32, #tpu.memory_space<vmem>>
    %dma_start3A_11 = arith.constant 0 : i32
    %dma_start3A_12 = arith.constant 0 : i32
    %dma_start3A_13 = tpu.memref_slice %arg2[%dma_start3A_11, %dma_start3A_12] : memref<10000x128xf32, #tpu.memory_space<hbm>> -> memref<10000x128xf32, #tpu.memory_space<hbm>>
    tpu.enqueue_indirect_dma source(%dma_start3A_13 : memref<10000x128xf32, #tpu.memory_space<hbm>>) target(%arg11 : memref<40x128xf32, #tpu.memory_space<vmem>>) offsets(%dma_start3A_10 : memref<40xi32, #tpu.memory_space<vmem>>) semaphore(%arg16 : memref<!tpu.dma_semaphore, #tpu.memory_space<semaphore_mem>>)
    %dma_start3A_14 = arith.constant 80 : i32
    %dma_start3A_15 = tpu.memref_slice %arg7[%dma_start3A_14] : memref<10000xi32, #tpu.memory_space<vmem>> -> memref<40xi32, #tpu.memory_space<vmem>>
    %dma_start3A_16 = arith.constant 0 : i32
    %dma_start3A_17 = arith.constant 0 : i32
    %dma_start3A_18 = tpu.memref_slice %arg2[%dma_start3A_16, %dma_start3A_17] : memref<10000x128xf32, #tpu.memory_space<hbm>> -> memref<10000x128xf32, #tpu.memory_space<hbm>>
    tpu.enqueue_indirect_dma source(%dma_start3A_18 : memref<10000x128xf32, #tpu.memory_space<hbm>>) target(%arg12 : memref<40x128xf32, #tpu.memory_space<vmem>>) offsets(%dma_start3A_15 : memref<40xi32, #tpu.memory_space<vmem>>) semaphore(%arg17 : memref<!tpu.dma_semaphore, #tpu.memory_space<semaphore_mem>>)
    %dma_start3A_19 = arith.constant 120 : i32
    %dma_start3A_20 = tpu.memref_slice %arg7[%dma_start3A_19] : memref<10000xi32, #tpu.memory_space<vmem>> -> memref<40xi32, #tpu.memory_space<vmem>>
    %dma_start3A_21 = arith.constant 0 : i32
    %dma_start3A_22 = arith.constant 0 : i32
    %dma_start3A_23 = tpu.memref_slice %arg2[%dma_start3A_21, %dma_start3A_22] : memref<10000x128xf32, #tpu.memory_space<hbm>> -> memref<10000x128xf32, #tpu.memory_space<hbm>>
    tpu.enqueue_indirect_dma source(%dma_start3A_23 : memref<10000x128xf32, #tpu.memory_space<hbm>>) target(%arg13 : memref<40x128xf32, #tpu.memory_space<vmem>>) offsets(%dma_start3A_20 : memref<40xi32, #tpu.memory_space<vmem>>) semaphore(%arg18 : memref<!tpu.dma_semaphore, #tpu.memory_space<semaphore_mem>>)
    %dma_start3A_24 = arith.constant 160 : i32
    %dma_start3A_25 = tpu.memref_slice %arg7[%dma_start3A_24] : memref<10000xi32, #tpu.memory_space<vmem>> -> memref<40xi32, #tpu.memory_space<vmem>>
    %dma_start3A_26 = arith.constant 0 : i32
    %dma_start3A_27 = arith.constant 0 : i32
    %dma_start3A_28 = tpu.memref_slice %arg2[%dma_start3A_26, %dma_start3A_27] : memref<10000x128xf32, #tpu.memory_space<hbm>> -> memref<10000x128xf32, #tpu.memory_space<hbm>>
    tpu.enqueue_indirect_dma source(%dma_start3A_28 : memref<10000x128xf32, #tpu.memory_space<hbm>>) target(%arg14 : memref<40x128xf32, #tpu.memory_space<vmem>>) offsets(%dma_start3A_25 : memref<40xi32, #tpu.memory_space<vmem>>) semaphore(%arg19 : memref<!tpu.dma_semaphore, #tpu.memory_space<semaphore_mem>>)
    %scan3A = arith.constant 0 : i32
    %scan3A_29 = arith.constant 50 : i32
    %scan3A_30 = arith.addi %scan3A, %scan3A_29 : i32
    %scan3A_31 = arith.constant 1 : i32
    scf.for %scan3A_50 = %scan3A to %scan3A_30 step %scan3A_31  : i32 {
      %mul3A_51 = arith.constant 1 : i32
      %mul3A_52 = arith.muli %scan3A_50, %mul3A_51 : i32
      %add3A_53 = arith.constant 0 : i32
      %add3A_54 = arith.addi %add3A_53, %mul3A_52 : i32
      %mul3A_55 = arith.constant 5 : i32
      %mul3A_56 = arith.muli %add3A_54, %mul3A_55 : i32
      %add3A_57 = arith.constant 0 : i32
      %add3A_58 = arith.addi %mul3A_56, %add3A_57 : i32
      %mul3A_59 = arith.constant 40 : i32
      %mul3A_60 = arith.muli %add3A_58, %mul3A_59 : i32
      %dma_wait3A = tpu.memref_slice %arg7[%mul3A_60] : memref<10000xi32, #tpu.memory_space<vmem>> -> memref<40xi32, #tpu.memory_space<vmem>>
      %dma_wait3A_61 = arith.constant 0 : i32
      %dma_wait3A_62 = arith.constant 0 : i32
      %dma_wait3A_63 = tpu.memref_slice %arg2[%dma_wait3A_61, %dma_wait3A_62] : memref<10000x128xf32, #tpu.memory_space<hbm>> -> memref<10000x128xf32, #tpu.memory_space<hbm>>
      tpu.wait_indirect_dma semaphore(%arg15 : memref<!tpu.dma_semaphore, #tpu.memory_space<semaphore_mem>>) src(%dma_wait3A_63 : memref<10000x128xf32, #tpu.memory_space<hbm>>) dst(%arg10 : memref<40x128xf32, #tpu.memory_space<vmem>>)
      %mul3A_64 = arith.constant 40 : i32
      %mul3A_65 = arith.muli %add3A_58, %mul3A_64 : i32
      %dma_start3A_66 = tpu.memref_slice %arg8[%mul3A_65] : memref<10000xi32, #tpu.memory_space<vmem>> -> memref<40xi32, #tpu.memory_space<vmem>>
      %dma_start3A_67 = arith.constant 0 : i32
      %dma_start3A_68 = arith.constant 0 : i32
      %dma_start3A_69 = tpu.memref_slice %arg9[%dma_start3A_67, %dma_start3A_68] : memref<10000x128xf32, #tpu.memory_space<vmem_shared>> -> memref<10000x128xf32, #tpu.memory_space<vmem_shared>>
      tpu.enqueue_indirect_dma source(%arg10 : memref<40x128xf32, #tpu.memory_space<vmem>>) target(%dma_start3A_69 : memref<10000x128xf32, #tpu.memory_space<vmem_shared>>) offsets(%dma_start3A_66 : memref<40xi32, #tpu.memory_space<vmem>>) semaphore(%arg20 : memref<!tpu.dma_semaphore, #tpu.memory_space<semaphore_mem>>) {add = true}
      %mul3A_70 = arith.constant 5 : i32
      %mul3A_71 = arith.muli %add3A_54, %mul3A_70 : i32
      %add3A_72 = arith.constant 1 : i32
      %add3A_73 = arith.addi %mul3A_71, %add3A_72 : i32
      %mul3A_74 = arith.constant 40 : i32
      %mul3A_75 = arith.muli %add3A_73, %mul3A_74 : i32
      %dma_wait3A_76 = tpu.memref_slice %arg7[%mul3A_75] : memref<10000xi32, #tpu.memory_space<vmem>> -> memref<40xi32, #tpu.memory_space<vmem>>
      %dma_wait3A_77 = arith.constant 0 : i32
      %dma_wait3A_78 = arith.constant 0 : i32
      %dma_wait3A_79 = tpu.memref_slice %arg2[%dma_wait3A_77, %dma_wait3A_78] : memref<10000x128xf32, #tpu.memory_space<hbm>> -> memref<10000x128xf32, #tpu.memory_space<hbm>>
      tpu.wait_indirect_dma semaphore(%arg16 : memref<!tpu.dma_semaphore, #tpu.memory_space<semaphore_mem>>) src(%dma_wait3A_79 : memref<10000x128xf32, #tpu.memory_space<hbm>>) dst(%arg11 : memref<40x128xf32, #tpu.memory_space<vmem>>)
      %mul3A_80 = arith.constant 40 : i32
      %mul3A_81 = arith.muli %add3A_73, %mul3A_80 : i32
      %dma_start3A_82 = tpu.memref_slice %arg8[%mul3A_81] : memref<10000xi32, #tpu.memory_space<vmem>> -> memref<40xi32, #tpu.memory_space<vmem>>
      %dma_start3A_83 = arith.constant 0 : i32
      %dma_start3A_84 = arith.constant 0 : i32
      %dma_start3A_85 = tpu.memref_slice %arg9[%dma_start3A_83, %dma_start3A_84] : memref<10000x128xf32, #tpu.memory_space<vmem_shared>> -> memref<10000x128xf32, #tpu.memory_space<vmem_shared>>
      tpu.enqueue_indirect_dma source(%arg11 : memref<40x128xf32, #tpu.memory_space<vmem>>) target(%dma_start3A_85 : memref<10000x128xf32, #tpu.memory_space<vmem_shared>>) offsets(%dma_start3A_82 : memref<40xi32, #tpu.memory_space<vmem>>) semaphore(%arg21 : memref<!tpu.dma_semaphore, #tpu.memory_space<semaphore_mem>>) {add = true}
      %mul3A_86 = arith.constant 5 : i32
      %mul3A_87 = arith.muli %add3A_54, %mul3A_86 : i32
      %add3A_88 = arith.constant 2 : i32
      %add3A_89 = arith.addi %mul3A_87, %add3A_88 : i32
      %mul3A_90 = arith.constant 40 : i32
      %mul3A_91 = arith.muli %add3A_89, %mul3A_90 : i32
      %dma_wait3A_92 = tpu.memref_slice %arg7[%mul3A_91] : memref<10000xi32, #tpu.memory_space<vmem>> -> memref<40xi32, #tpu.memory_space<vmem>>
      %dma_wait3A_93 = arith.constant 0 : i32
      %dma_wait3A_94 = arith.constant 0 : i32
      %dma_wait3A_95 = tpu.memref_slice %arg2[%dma_wait3A_93, %dma_wait3A_94] : memref<10000x128xf32, #tpu.memory_space<hbm>> -> memref<10000x128xf32, #tpu.memory_space<hbm>>
      tpu.wait_indirect_dma semaphore(%arg17 : memref<!tpu.dma_semaphore, #tpu.memory_space<semaphore_mem>>) src(%dma_wait3A_95 : memref<10000x128xf32, #tpu.memory_space<hbm>>) dst(%arg12 : memref<40x128xf32, #tpu.memory_space<vmem>>)
      %mul3A_96 = arith.constant 40 : i32
      %mul3A_97 = arith.muli %add3A_89, %mul3A_96 : i32
      %dma_start3A_98 = tpu.memref_slice %arg8[%mul3A_97] : memref<10000xi32, #tpu.memory_space<vmem>> -> memref<40xi32, #tpu.memory_space<vmem>>
      %dma_start3A_99 = arith.constant 0 : i32
      %dma_start3A_100 = arith.constant 0 : i32
      %dma_start3A_101 = tpu.memref_slice %arg9[%dma_start3A_99, %dma_start3A_100] : memref<10000x128xf32, #tpu.memory_space<vmem_shared>> -> memref<10000x128xf32, #tpu.memory_space<vmem_shared>>
      tpu.enqueue_indirect_dma source(%arg12 : memref<40x128xf32, #tpu.memory_space<vmem>>) target(%dma_start3A_101 : memref<10000x128xf32, #tpu.memory_space<vmem_shared>>) offsets(%dma_start3A_98 : memref<40xi32, #tpu.memory_space<vmem>>) semaphore(%arg22 : memref<!tpu.dma_semaphore, #tpu.memory_space<semaphore_mem>>) {add = true}
      %mul3A_102 = arith.constant 5 : i32
      %mul3A_103 = arith.muli %add3A_54, %mul3A_102 : i32
      %add3A_104 = arith.constant 3 : i32
      %add3A_105 = arith.addi %mul3A_103, %add3A_104 : i32
      %mul3A_106 = arith.constant 40 : i32
      %mul3A_107 = arith.muli %add3A_105, %mul3A_106 : i32
      %dma_wait3A_108 = tpu.memref_slice %arg7[%mul3A_107] : memref<10000xi32, #tpu.memory_space<vmem>> -> memref<40xi32, #tpu.memory_space<vmem>>
      %dma_wait3A_109 = arith.constant 0 : i32
      %dma_wait3A_110 = arith.constant 0 : i32
      %dma_wait3A_111 = tpu.memref_slice %arg2[%dma_wait3A_109, %dma_wait3A_110] : memref<10000x128xf32, #tpu.memory_space<hbm>> -> memref<10000x128xf32, #tpu.memory_space<hbm>>
      tpu.wait_indirect_dma semaphore(%arg18 : memref<!tpu.dma_semaphore, #tpu.memory_space<semaphore_mem>>) src(%dma_wait3A_111 : memref<10000x128xf32, #tpu.memory_space<hbm>>) dst(%arg13 : memref<40x128xf32, #tpu.memory_space<vmem>>)
      %mul3A_112 = arith.constant 40 : i32
      %mul3A_113 = arith.muli %add3A_105, %mul3A_112 : i32
      %dma_start3A_114 = tpu.memref_slice %arg8[%mul3A_113] : memref<10000xi32, #tpu.memory_space<vmem>> -> memref<40xi32, #tpu.memory_space<vmem>>
      %dma_start3A_115 = arith.constant 0 : i32
      %dma_start3A_116 = arith.constant 0 : i32
      %dma_start3A_117 = tpu.memref_slice %arg9[%dma_start3A_115, %dma_start3A_116] : memref<10000x128xf32, #tpu.memory_space<vmem_shared>> -> memref<10000x128xf32, #tpu.memory_space<vmem_shared>>
      tpu.enqueue_indirect_dma source(%arg13 : memref<40x128xf32, #tpu.memory_space<vmem>>) target(%dma_start3A_117 : memref<10000x128xf32, #tpu.memory_space<vmem_shared>>) offsets(%dma_start3A_114 : memref<40xi32, #tpu.memory_space<vmem>>) semaphore(%arg23 : memref<!tpu.dma_semaphore, #tpu.memory_space<semaphore_mem>>) {add = true}
      %mul3A_118 = arith.constant 5 : i32
      %mul3A_119 = arith.muli %add3A_54, %mul3A_118 : i32
      %add3A_120 = arith.constant 4 : i32
      %add3A_121 = arith.addi %mul3A_119, %add3A_120 : i32
      %mul3A_122 = arith.constant 40 : i32
      %mul3A_123 = arith.muli %add3A_121, %mul3A_122 : i32
      %dma_wait3A_124 = tpu.memref_slice %arg7[%mul3A_123] : memref<10000xi32, #tpu.memory_space<vmem>> -> memref<40xi32, #tpu.memory_space<vmem>>
      %dma_wait3A_125 = arith.constant 0 : i32
      %dma_wait3A_126 = arith.constant 0 : i32
      %dma_wait3A_127 = tpu.memref_slice %arg2[%dma_wait3A_125, %dma_wait3A_126] : memref<10000x128xf32, #tpu.memory_space<hbm>> -> memref<10000x128xf32, #tpu.memory_space<hbm>>
      tpu.wait_indirect_dma semaphore(%arg19 : memref<!tpu.dma_semaphore, #tpu.memory_space<semaphore_mem>>) src(%dma_wait3A_127 : memref<10000x128xf32, #tpu.memory_space<hbm>>) dst(%arg14 : memref<40x128xf32, #tpu.memory_space<vmem>>)
      %mul3A_128 = arith.constant 40 : i32
      %mul3A_129 = arith.muli %add3A_121, %mul3A_128 : i32
      %dma_start3A_130 = tpu.memref_slice %arg8[%mul3A_129] : memref<10000xi32, #tpu.memory_space<vmem>> -> memref<40xi32, #tpu.memory_space<vmem>>
      %dma_start3A_131 = arith.constant 0 : i32
      %dma_start3A_132 = arith.constant 0 : i32
      %dma_start3A_133 = tpu.memref_slice %arg9[%dma_start3A_131, %dma_start3A_132] : memref<10000x128xf32, #tpu.memory_space<vmem_shared>> -> memref<10000x128xf32, #tpu.memory_space<vmem_shared>>
      tpu.enqueue_indirect_dma source(%arg14 : memref<40x128xf32, #tpu.memory_space<vmem>>) target(%dma_start3A_133 : memref<10000x128xf32, #tpu.memory_space<vmem_shared>>) offsets(%dma_start3A_130 : memref<40xi32, #tpu.memory_space<vmem>>) semaphore(%arg24 : memref<!tpu.dma_semaphore, #tpu.memory_space<semaphore_mem>>) {add = true}
      %mul3A_134 = arith.constant 5 : i32
      %mul3A_135 = arith.muli %add3A_54, %mul3A_134 : i32
      %add3A_136 = arith.constant 0 : i32
      %add3A_137 = arith.addi %mul3A_135, %add3A_136 : i32
      %mul3A_138 = arith.constant 40 : i32
      %mul3A_139 = arith.muli %add3A_137, %mul3A_138 : i32
      %dma_wait3A_140 = tpu.memref_slice %arg8[%mul3A_139] : memref<10000xi32, #tpu.memory_space<vmem>> -> memref<40xi32, #tpu.memory_space<vmem>>
      %dma_wait3A_141 = arith.constant 0 : i32
      %dma_wait3A_142 = arith.constant 0 : i32
      %dma_wait3A_143 = tpu.memref_slice %arg9[%dma_wait3A_141, %dma_wait3A_142] : memref<10000x128xf32, #tpu.memory_space<vmem_shared>> -> memref<10000x128xf32, #tpu.memory_space<vmem_shared>>
      tpu.wait_indirect_dma semaphore(%arg20 : memref<!tpu.dma_semaphore, #tpu.memory_space<semaphore_mem>>) src(%arg10 : memref<40x128xf32, #tpu.memory_space<vmem>>) dst(%dma_wait3A_143 : memref<10000x128xf32, #tpu.memory_space<vmem_shared>>)
      %add3A_144 = arith.constant 1 : i32
      %add3A_145 = arith.addi %add3A_54, %add3A_144 : i32
      %lt3A = arith.constant 50 : i32
      %lt3A_146 = arith.cmpi slt, %add3A_145, %lt3A : i32
      %convert_element_type3A_147 = arith.extui %lt3A_146 : i1 to i32
      %cond3A_148 = arith.constant 0 : i32
      %cond3A_149 = arith.cmpi ne, %convert_element_type3A_147, %cond3A_148 : i32
      scf.if %cond3A_149 {
        %add3A_218 = arith.constant 5 : i32
        %add3A_219 = arith.addi %add3A_137, %add3A_218 : i32
        %mul3A_220 = arith.constant 40 : i32
        %mul3A_221 = arith.muli %add3A_219, %mul3A_220 : i32
        %dma_start3A_222 = tpu.memref_slice %arg7[%mul3A_221] : memref<10000xi32, #tpu.memory_space<vmem>> -> memref<40xi32, #tpu.memory_space<vmem>>
        %dma_start3A_223 = arith.constant 0 : i32
        %dma_start3A_224 = arith.constant 0 : i32
        %dma_start3A_225 = tpu.memref_slice %arg2[%dma_start3A_223, %dma_start3A_224] : memref<10000x128xf32, #tpu.memory_space<hbm>> -> memref<10000x128xf32, #tpu.memory_space<hbm>>
        tpu.enqueue_indirect_dma source(%dma_start3A_225 : memref<10000x128xf32, #tpu.memory_space<hbm>>) target(%arg10 : memref<40x128xf32, #tpu.memory_space<vmem>>) offsets(%dma_start3A_222 : memref<40xi32, #tpu.memory_space<vmem>>) semaphore(%arg15 : memref<!tpu.dma_semaphore, #tpu.memory_space<semaphore_mem>>)
      } else {
      }
      %mul3A_150 = arith.constant 5 : i32
      %mul3A_151 = arith.muli %add3A_54, %mul3A_150 : i32
      %add3A_152 = arith.constant 1 : i32
      %add3A_153 = arith.addi %mul3A_151, %add3A_152 : i32
      %mul3A_154 = arith.constant 40 : i32
      %mul3A_155 = arith.muli %add3A_153, %mul3A_154 : i32
      %dma_wait3A_156 = tpu.memref_slice %arg8[%mul3A_155] : memref<10000xi32, #tpu.memory_space<vmem>> -> memref<40xi32, #tpu.memory_space<vmem>>
      %dma_wait3A_157 = arith.constant 0 : i32
      %dma_wait3A_158 = arith.constant 0 : i32
      %dma_wait3A_159 = tpu.memref_slice %arg9[%dma_wait3A_157, %dma_wait3A_158] : memref<10000x128xf32, #tpu.memory_space<vmem_shared>> -> memref<10000x128xf32, #tpu.memory_space<vmem_shared>>
      tpu.wait_indirect_dma semaphore(%arg21 : memref<!tpu.dma_semaphore, #tpu.memory_space<semaphore_mem>>) src(%arg11 : memref<40x128xf32, #tpu.memory_space<vmem>>) dst(%dma_wait3A_159 : memref<10000x128xf32, #tpu.memory_space<vmem_shared>>)
      %add3A_160 = arith.constant 1 : i32
      %add3A_161 = arith.addi %add3A_54, %add3A_160 : i32
      %lt3A_162 = arith.constant 50 : i32
      %lt3A_163 = arith.cmpi slt, %add3A_161, %lt3A_162 : i32
      %convert_element_type3A_164 = arith.extui %lt3A_163 : i1 to i32
      %cond3A_165 = arith.constant 0 : i32
      %cond3A_166 = arith.cmpi ne, %convert_element_type3A_164, %cond3A_165 : i32
      scf.if %cond3A_166 {
        %add3A_218 = arith.constant 5 : i32
        %add3A_219 = arith.addi %add3A_153, %add3A_218 : i32
        %mul3A_220 = arith.constant 40 : i32
        %mul3A_221 = arith.muli %add3A_219, %mul3A_220 : i32
        %dma_start3A_222 = tpu.memref_slice %arg7[%mul3A_221] : memref<10000xi32, #tpu.memory_space<vmem>> -> memref<40xi32, #tpu.memory_space<vmem>>
        %dma_start3A_223 = arith.constant 0 : i32
        %dma_start3A_224 = arith.constant 0 : i32
        %dma_start3A_225 = tpu.memref_slice %arg2[%dma_start3A_223, %dma_start3A_224] : memref<10000x128xf32, #tpu.memory_space<hbm>> -> memref<10000x128xf32, #tpu.memory_space<hbm>>
        tpu.enqueue_indirect_dma source(%dma_start3A_225 : memref<10000x128xf32, #tpu.memory_space<hbm>>) target(%arg11 : memref<40x128xf32, #tpu.memory_space<vmem>>) offsets(%dma_start3A_222 : memref<40xi32, #tpu.memory_space<vmem>>) semaphore(%arg16 : memref<!tpu.dma_semaphore, #tpu.memory_space<semaphore_mem>>)
      } else {
      }
      %mul3A_167 = arith.constant 5 : i32
      %mul3A_168 = arith.muli %add3A_54, %mul3A_167 : i32
      %add3A_169 = arith.constant 2 : i32
      %add3A_170 = arith.addi %mul3A_168, %add3A_169 : i32
      %mul3A_171 = arith.constant 40 : i32
      %mul3A_172 = arith.muli %add3A_170, %mul3A_171 : i32
      %dma_wait3A_173 = tpu.memref_slice %arg8[%mul3A_172] : memref<10000xi32, #tpu.memory_space<vmem>> -> memref<40xi32, #tpu.memory_space<vmem>>
      %dma_wait3A_174 = arith.constant 0 : i32
      %dma_wait3A_175 = arith.constant 0 : i32
      %dma_wait3A_176 = tpu.memref_slice %arg9[%dma_wait3A_174, %dma_wait3A_175] : memref<10000x128xf32, #tpu.memory_space<vmem_shared>> -> memref<10000x128xf32, #tpu.memory_space<vmem_shared>>
      tpu.wait_indirect_dma semaphore(%arg22 : memref<!tpu.dma_semaphore, #tpu.memory_space<semaphore_mem>>) src(%arg12 : memref<40x128xf32, #tpu.memory_space<vmem>>) dst(%dma_wait3A_176 : memref<10000x128xf32, #tpu.memory_space<vmem_shared>>)
      %add3A_177 = arith.constant 1 : i32
      %add3A_178 = arith.addi %add3A_54, %add3A_177 : i32
      %lt3A_179 = arith.constant 50 : i32
      %lt3A_180 = arith.cmpi slt, %add3A_178, %lt3A_179 : i32
      %convert_element_type3A_181 = arith.extui %lt3A_180 : i1 to i32
      %cond3A_182 = arith.constant 0 : i32
      %cond3A_183 = arith.cmpi ne, %convert_element_type3A_181, %cond3A_182 : i32
      scf.if %cond3A_183 {
        %add3A_218 = arith.constant 5 : i32
        %add3A_219 = arith.addi %add3A_170, %add3A_218 : i32
        %mul3A_220 = arith.constant 40 : i32
        %mul3A_221 = arith.muli %add3A_219, %mul3A_220 : i32
        %dma_start3A_222 = tpu.memref_slice %arg7[%mul3A_221] : memref<10000xi32, #tpu.memory_space<vmem>> -> memref<40xi32, #tpu.memory_space<vmem>>
        %dma_start3A_223 = arith.constant 0 : i32
        %dma_start3A_224 = arith.constant 0 : i32
        %dma_start3A_225 = tpu.memref_slice %arg2[%dma_start3A_223, %dma_start3A_224] : memref<10000x128xf32, #tpu.memory_space<hbm>> -> memref<10000x128xf32, #tpu.memory_space<hbm>>
        tpu.enqueue_indirect_dma source(%dma_start3A_225 : memref<10000x128xf32, #tpu.memory_space<hbm>>) target(%arg12 : memref<40x128xf32, #tpu.memory_space<vmem>>) offsets(%dma_start3A_222 : memref<40xi32, #tpu.memory_space<vmem>>) semaphore(%arg17 : memref<!tpu.dma_semaphore, #tpu.memory_space<semaphore_mem>>)
      } else {
      }
      %mul3A_184 = arith.constant 5 : i32
      %mul3A_185 = arith.muli %add3A_54, %mul3A_184 : i32
      %add3A_186 = arith.constant 3 : i32
      %add3A_187 = arith.addi %mul3A_185, %add3A_186 : i32
      %mul3A_188 = arith.constant 40 : i32
      %mul3A_189 = arith.muli %add3A_187, %mul3A_188 : i32
      %dma_wait3A_190 = tpu.memref_slice %arg8[%mul3A_189] : memref<10000xi32, #tpu.memory_space<vmem>> -> memref<40xi32, #tpu.memory_space<vmem>>
      %dma_wait3A_191 = arith.constant 0 : i32
      %dma_wait3A_192 = arith.constant 0 : i32
      %dma_wait3A_193 = tpu.memref_slice %arg9[%dma_wait3A_191, %dma_wait3A_192] : memref<10000x128xf32, #tpu.memory_space<vmem_shared>> -> memref<10000x128xf32, #tpu.memory_space<vmem_shared>>
      tpu.wait_indirect_dma semaphore(%arg23 : memref<!tpu.dma_semaphore, #tpu.memory_space<semaphore_mem>>) src(%arg13 : memref<40x128xf32, #tpu.memory_space<vmem>>) dst(%dma_wait3A_193 : memref<10000x128xf32, #tpu.memory_space<vmem_shared>>)
      %add3A_194 = arith.constant 1 : i32
      %add3A_195 = arith.addi %add3A_54, %add3A_194 : i32
      %lt3A_196 = arith.constant 50 : i32
      %lt3A_197 = arith.cmpi slt, %add3A_195, %lt3A_196 : i32
      %convert_element_type3A_198 = arith.extui %lt3A_197 : i1 to i32
      %cond3A_199 = arith.constant 0 : i32
      %cond3A_200 = arith.cmpi ne, %convert_element_type3A_198, %cond3A_199 : i32
      scf.if %cond3A_200 {
        %add3A_218 = arith.constant 5 : i32
        %add3A_219 = arith.addi %add3A_187, %add3A_218 : i32
        %mul3A_220 = arith.constant 40 : i32
        %mul3A_221 = arith.muli %add3A_219, %mul3A_220 : i32
        %dma_start3A_222 = tpu.memref_slice %arg7[%mul3A_221] : memref<10000xi32, #tpu.memory_space<vmem>> -> memref<40xi32, #tpu.memory_space<vmem>>
        %dma_start3A_223 = arith.constant 0 : i32
        %dma_start3A_224 = arith.constant 0 : i32
        %dma_start3A_225 = tpu.memref_slice %arg2[%dma_start3A_223, %dma_start3A_224] : memref<10000x128xf32, #tpu.memory_space<hbm>> -> memref<10000x128xf32, #tpu.memory_space<hbm>>
        tpu.enqueue_indirect_dma source(%dma_start3A_225 : memref<10000x128xf32, #tpu.memory_space<hbm>>) target(%arg13 : memref<40x128xf32, #tpu.memory_space<vmem>>) offsets(%dma_start3A_222 : memref<40xi32, #tpu.memory_space<vmem>>) semaphore(%arg18 : memref<!tpu.dma_semaphore, #tpu.memory_space<semaphore_mem>>)
      } else {
      }
      %mul3A_201 = arith.constant 5 : i32
      %mul3A_202 = arith.muli %add3A_54, %mul3A_201 : i32
      %add3A_203 = arith.constant 4 : i32
      %add3A_204 = arith.addi %mul3A_202, %add3A_203 : i32
      %mul3A_205 = arith.constant 40 : i32
      %mul3A_206 = arith.muli %add3A_204, %mul3A_205 : i32
      %dma_wait3A_207 = tpu.memref_slice %arg8[%mul3A_206] : memref<10000xi32, #tpu.memory_space<vmem>> -> memref<40xi32, #tpu.memory_space<vmem>>
      %dma_wait3A_208 = arith.constant 0 : i32
      %dma_wait3A_209 = arith.constant 0 : i32
      %dma_wait3A_210 = tpu.memref_slice %arg9[%dma_wait3A_208, %dma_wait3A_209] : memref<10000x128xf32, #tpu.memory_space<vmem_shared>> -> memref<10000x128xf32, #tpu.memory_space<vmem_shared>>
      tpu.wait_indirect_dma semaphore(%arg24 : memref<!tpu.dma_semaphore, #tpu.memory_space<semaphore_mem>>) src(%arg14 : memref<40x128xf32, #tpu.memory_space<vmem>>) dst(%dma_wait3A_210 : memref<10000x128xf32, #tpu.memory_space<vmem_shared>>)
      %add3A_211 = arith.constant 1 : i32
      %add3A_212 = arith.addi %add3A_54, %add3A_211 : i32
      %lt3A_213 = arith.constant 50 : i32
      %lt3A_214 = arith.cmpi slt, %add3A_212, %lt3A_213 : i32
      %convert_element_type3A_215 = arith.extui %lt3A_214 : i1 to i32
      %cond3A_216 = arith.constant 0 : i32
      %cond3A_217 = arith.cmpi ne, %convert_element_type3A_215, %cond3A_216 : i32
      scf.if %cond3A_217 {
        %add3A_218 = arith.constant 5 : i32
        %add3A_219 = arith.addi %add3A_204, %add3A_218 : i32
        %mul3A_220 = arith.constant 40 : i32
        %mul3A_221 = arith.muli %add3A_219, %mul3A_220 : i32
        %dma_start3A_222 = tpu.memref_slice %arg7[%mul3A_221] : memref<10000xi32, #tpu.memory_space<vmem>> -> memref<40xi32, #tpu.memory_space<vmem>>
        %dma_start3A_223 = arith.constant 0 : i32
        %dma_start3A_224 = arith.constant 0 : i32
        %dma_start3A_225 = tpu.memref_slice %arg2[%dma_start3A_223, %dma_start3A_224] : memref<10000x128xf32, #tpu.memory_space<hbm>> -> memref<10000x128xf32, #tpu.memory_space<hbm>>
        tpu.enqueue_indirect_dma source(%dma_start3A_225 : memref<10000x128xf32, #tpu.memory_space<hbm>>) target(%arg14 : memref<40x128xf32, #tpu.memory_space<vmem>>) offsets(%dma_start3A_222 : memref<40xi32, #tpu.memory_space<vmem>>) semaphore(%arg19 : memref<!tpu.dma_semaphore, #tpu.memory_space<semaphore_mem>>)
      } else {
      }
    }
    %scan3A_32 = arith.constant 50 : i32
    %scan3A_33 = arith.constant 0 : i32
    %scan3A_34 = arith.constant 0 : i32
    %scan3A_35 = arith.addi %scan3A_33, %scan3A_34 : i32
    %scan3A_36 = arith.constant 0 : i32
    %barrier3A_37 = arith.constant 0 : index
    tpu.barrier barrier_id(%barrier3A_37)
    %mul3A_38 = arith.constant 624 : i32
    %mul3A_39 = arith.muli %arg1, %mul3A_38 : i32
    %mul3A_40 = arith.constant 10000 : i32
    %mul3A_41 = arith.muli %arg0, %mul3A_40 : i32
    %mul3A_42 = arith.constant 624 : i32
    %mul3A_43 = arith.muli %arg1, %mul3A_42 : i32
    %add3A_44 = arith.addi %mul3A_41, %mul3A_43 : i32
    "tpu.region"() ({
      %run_scoped3A = tpu.sem_alloc : memref<!tpu.dma_semaphore, #tpu.memory_space<semaphore_mem>>
      %dma_start3A_50 = arith.constant 0 : i32
      %dma_start3A_51 = tpu.memref_slice %arg6[%add3A_44, %dma_start3A_50] : memref<20000x128xf32, #tpu.memory_space<hbm>> -> memref<624x128xf32, #tpu.memory_space<hbm>>
      %dma_start3A_52 = arith.constant 0 : i32
      %dma_start3A_53 = tpu.memref_slice %arg9[%mul3A_39, %dma_start3A_52] : memref<10000x128xf32, #tpu.memory_space<vmem_shared>> -> memref<624x128xf32, #tpu.memory_space<vmem_shared>>
      tpu.enqueue_dma source(%dma_start3A_53 : memref<624x128xf32, #tpu.memory_space<vmem_shared>>) target(%dma_start3A_51 : memref<624x128xf32, #tpu.memory_space<hbm>>) target_semaphore(%run_scoped3A : memref<!tpu.dma_semaphore, #tpu.memory_space<semaphore_mem>>)
      %dma_wait3A = arith.constant 0 : i32
      %dma_wait3A_54 = tpu.memref_slice %arg6[%add3A_44, %dma_wait3A] : memref<20000x128xf32, #tpu.memory_space<hbm>> -> memref<624x128xf32, #tpu.memory_space<hbm>>
      %dma_wait3A_55 = arith.constant 0 : i32
      %dma_wait3A_56 = tpu.memref_slice %arg9[%mul3A_39, %dma_wait3A_55] : memref<10000x128xf32, #tpu.memory_space<vmem_shared>> -> memref<624x128xf32, #tpu.memory_space<vmem_shared>>
      tpu.wait_dma2 semaphore(%run_scoped3A : memref<!tpu.dma_semaphore, #tpu.memory_space<semaphore_mem>>) src(%dma_wait3A_56 : memref<624x128xf32, #tpu.memory_space<vmem_shared>>) dst(%dma_wait3A_54 : memref<624x128xf32, #tpu.memory_space<hbm>>)
      tpu.yield
    }) : () -> ()
    %eq3A_45 = arith.constant 0 : i32
    %eq3A_46 = arith.cmpi eq, %arg1, %eq3A_45 : i32
    %convert_element_type3A_47 = arith.extui %eq3A_46 : i1 to i32
    %cond3A_48 = arith.constant 0 : i32
    %cond3A_49 = arith.cmpi ne, %convert_element_type3A_47, %cond3A_48 : i32
    scf.if %cond3A_49 {
      %mul3A_50 = arith.constant 10000 : i32
      %mul3A_51 = arith.muli %arg0, %mul3A_50 : i32
      %add3A_52 = arith.constant 9984 : i32
      %add3A_53 = arith.addi %mul3A_51, %add3A_52 : i32
      "tpu.region"() ({
        %run_scoped3A = tpu.sem_alloc : memref<!tpu.dma_semaphore, #tpu.memory_space<semaphore_mem>>
        %dma_start3A_54 = arith.constant 0 : i32
        %dma_start3A_55 = tpu.memref_slice %arg6[%add3A_53, %dma_start3A_54] : memref<20000x128xf32, #tpu.memory_space<hbm>> -> memref<16x128xf32, #tpu.memory_space<hbm>>
        %dma_start3A_56 = arith.constant 9984 : i32
        %dma_start3A_57 = arith.constant 0 : i32
        %dma_start3A_58 = tpu.memref_slice %arg9[%dma_start3A_56, %dma_start3A_57] : memref<10000x128xf32, #tpu.memory_space<vmem_shared>> -> memref<16x128xf32, #tpu.memory_space<vmem_shared>>
        tpu.enqueue_dma source(%dma_start3A_58 : memref<16x128xf32, #tpu.memory_space<vmem_shared>>) target(%dma_start3A_55 : memref<16x128xf32, #tpu.memory_space<hbm>>) target_semaphore(%run_scoped3A : memref<!tpu.dma_semaphore, #tpu.memory_space<semaphore_mem>>)
        %dma_wait3A = arith.constant 0 : i32
        %dma_wait3A_59 = tpu.memref_slice %arg6[%add3A_53, %dma_wait3A] : memref<20000x128xf32, #tpu.memory_space<hbm>> -> memref<16x128xf32, #tpu.memory_space<hbm>>
        %dma_wait3A_60 = arith.constant 9984 : i32
        %dma_wait3A_61 = arith.constant 0 : i32
        %dma_wait3A_62 = tpu.memref_slice %arg9[%dma_wait3A_60, %dma_wait3A_61] : memref<10000x128xf32, #tpu.memory_space<vmem_shared>> -> memref<16x128xf32, #tpu.memory_space<vmem_shared>>
        tpu.wait_dma2 semaphore(%run_scoped3A : memref<!tpu.dma_semaphore, #tpu.memory_space<semaphore_mem>>) src(%dma_wait3A_62 : memref<16x128xf32, #tpu.memory_space<vmem_shared>>) dst(%dma_wait3A_59 : memref<16x128xf32, #tpu.memory_space<hbm>>)
        tpu.yield
      }) : () -> ()
    } else {
    }
    return
  }
}

#map = affine_map<(d0, d1) -> (0, 0)>
module attributes {stable_mosaic.version = 14 : i64} {
  func.func @_sc_aggregate(%arg0: i32, %arg1: i32, %arg2: memref<10000x128xf32, #tpu.memory_space<hbm>>, %arg3: memref<32x10000xi32, #tpu.memory_space<hbm>>, %arg4: memref<32x10000xi32, #tpu.memory_space<hbm>>, %arg5: memref<624x128xf32, #tpu.memory_space<hbm>>, %arg6: memref<20000x128xf32, #tpu.memory_space<hbm>>, %arg7: memref<10000xi32, #tpu.memory_space<vmem>>, %arg8: memref<10000xi32, #tpu.memory_space<vmem>>, %arg9: memref<10000x128xf32, #tpu.memory_space<vmem_shared>>, %arg10: memref<40x128xf32, #tpu.memory_space<vmem>>, %arg11: memref<40x128xf32, #tpu.memory_space<vmem>>, %arg12: memref<40x128xf32, #tpu.memory_space<vmem>>, %arg13: memref<40x128xf32, #tpu.memory_space<vmem>>, %arg14: memref<40x128xf32, #tpu.memory_space<vmem>>, %arg15: memref<!tpu.dma_semaphore, #tpu.memory_space<semaphore_mem>>, %arg16: memref<!tpu.dma_semaphore, #tpu.memory_space<semaphore_mem>>, %arg17: memref<!tpu.dma_semaphore, #tpu.memory_space<semaphore_mem>>, %arg18: memref<!tpu.dma_semaphore, #tpu.memory_space<semaphore_mem>>, %arg19: memref<!tpu.dma_semaphore, #tpu.memory_space<semaphore_mem>>, %arg20: memref<!tpu.dma_semaphore, #tpu.memory_space<semaphore_mem>>, %arg21: memref<!tpu.dma_semaphore, #tpu.memory_space<semaphore_mem>>, %arg22: memref<!tpu.dma_semaphore, #tpu.memory_space<semaphore_mem>>, %arg23: memref<!tpu.dma_semaphore, #tpu.memory_space<semaphore_mem>>, %arg24: memref<!tpu.dma_semaphore, #tpu.memory_space<semaphore_mem>>) attributes {dimension_semantics = [#tpu.dimension_semantics<core_parallel>, #tpu.dimension_semantics<subcore_parallel>], iteration_bounds = array<i64: 2, 16>, scalar_prefetch = 0 : i64, scratch_operands = 18 : i64, tpu.core_type = #tpu.core_type<sc_vector_subcore>, window_params = [{transform_indices = #map}, {transform_indices = #map}, {transform_indices = #map}, {transform_indices = #map}, {transform_indices = #map}]} {
    %mul3A = arith.constant 2 : i32
    %mul3A_0 = arith.muli %arg1, %mul3A : i32
    %add3A = arith.addi %mul3A_0, %arg0 : i32
    %mul3A_1 = arith.constant 624 : i32
    %mul3A_2 = arith.muli %arg1, %mul3A_1 : i32
    "tpu.region"() ({
      %run_scoped3A = tpu.sem_alloc : memref<!tpu.dma_semaphore, #tpu.memory_space<semaphore_mem>>
      %dma_start3A_50 = arith.constant 0 : i32
      %dma_start3A_51 = tpu.memref_slice %arg9[%mul3A_2, %dma_start3A_50] : memref<10000x128xf32, #tpu.memory_space<vmem_shared>> -> memref<624x128xf32, #tpu.memory_space<vmem_shared>>
      %dma_start3A_52 = arith.constant 0 : i32
      %dma_start3A_53 = arith.constant 0 : i32
      %dma_start3A_54 = tpu.memref_slice %arg5[%dma_start3A_52, %dma_start3A_53] : memref<624x128xf32, #tpu.memory_space<hbm>> -> memref<624x128xf32, #tpu.memory_space<hbm>>
      tpu.enqueue_dma source(%dma_start3A_54 : memref<624x128xf32, #tpu.memory_space<hbm>>) target(%dma_start3A_51 : memref<624x128xf32, #tpu.memory_space<vmem_shared>>) target_semaphore(%run_scoped3A : memref<!tpu.dma_semaphore, #tpu.memory_space<semaphore_mem>>)
      %dma_wait3A = arith.constant 0 : i32
      %dma_wait3A_55 = tpu.memref_slice %arg9[%mul3A_2, %dma_wait3A] : memref<10000x128xf32, #tpu.memory_space<vmem_shared>> -> memref<624x128xf32, #tpu.memory_space<vmem_shared>>
      %dma_wait3A_56 = arith.constant 0 : i32
      %dma_wait3A_57 = arith.constant 0 : i32
      %dma_wait3A_58 = tpu.memref_slice %arg5[%dma_wait3A_56, %dma_wait3A_57] : memref<624x128xf32, #tpu.memory_space<hbm>> -> memref<624x128xf32, #tpu.memory_space<hbm>>
      tpu.wait_dma2 semaphore(%run_scoped3A : memref<!tpu.dma_semaphore, #tpu.memory_space<semaphore_mem>>) src(%dma_wait3A_58 : memref<624x128xf32, #tpu.memory_space<hbm>>) dst(%dma_wait3A_55 : memref<624x128xf32, #tpu.memory_space<vmem_shared>>)
      tpu.yield
    }) : () -> ()
    %eq3A = arith.constant 0 : i32
    %eq3A_3 = arith.cmpi eq, %arg1, %eq3A : i32
    %convert_element_type3A = arith.extui %eq3A_3 : i1 to i32
    %cond3A = arith.constant 0 : i32
    %cond3A_4 = arith.cmpi ne, %convert_element_type3A, %cond3A : i32
    scf.if %cond3A_4 {
      "tpu.region"() ({
        %run_scoped3A = tpu.sem_alloc : memref<!tpu.dma_semaphore, #tpu.memory_space<semaphore_mem>>
        %dma_start3A_50 = arith.constant 9984 : i32
        %dma_start3A_51 = arith.constant 0 : i32
        %dma_start3A_52 = tpu.memref_slice %arg9[%dma_start3A_50, %dma_start3A_51] : memref<10000x128xf32, #tpu.memory_space<vmem_shared>> -> memref<16x128xf32, #tpu.memory_space<vmem_shared>>
        %dma_start3A_53 = arith.constant 0 : i32
        %dma_start3A_54 = arith.constant 0 : i32
        %dma_start3A_55 = tpu.memref_slice %arg5[%dma_start3A_53, %dma_start3A_54] : memref<624x128xf32, #tpu.memory_space<hbm>> -> memref<16x128xf32, #tpu.memory_space<hbm>>
        tpu.enqueue_dma source(%dma_start3A_55 : memref<16x128xf32, #tpu.memory_space<hbm>>) target(%dma_start3A_52 : memref<16x128xf32, #tpu.memory_space<vmem_shared>>) target_semaphore(%run_scoped3A : memref<!tpu.dma_semaphore, #tpu.memory_space<semaphore_mem>>)
        %dma_wait3A = arith.constant 9984 : i32
        %dma_wait3A_56 = arith.constant 0 : i32
        %dma_wait3A_57 = tpu.memref_slice %arg9[%dma_wait3A, %dma_wait3A_56] : memref<10000x128xf32, #tpu.memory_space<vmem_shared>> -> memref<16x128xf32, #tpu.memory_space<vmem_shared>>
        %dma_wait3A_58 = arith.constant 0 : i32
        %dma_wait3A_59 = arith.constant 0 : i32
        %dma_wait3A_60 = tpu.memref_slice %arg5[%dma_wait3A_58, %dma_wait3A_59] : memref<624x128xf32, #tpu.memory_space<hbm>> -> memref<16x128xf32, #tpu.memory_space<hbm>>
        tpu.wait_dma2 semaphore(%run_scoped3A : memref<!tpu.dma_semaphore, #tpu.memory_space<semaphore_mem>>) src(%dma_wait3A_60 : memref<16x128xf32, #tpu.memory_space<hbm>>) dst(%dma_wait3A_57 : memref<16x128xf32, #tpu.memory_space<vmem_shared>>)
        tpu.yield
      }) : () -> ()
    } else {
    }
    "tpu.region"() ({
      %run_scoped3A = tpu.sem_alloc : memref<!tpu.dma_semaphore, #tpu.memory_space<semaphore_mem>>
      %dma_start3A_50 = arith.constant 0 : i32
      %dma_start3A_51 = tpu.memref_slice %arg3[%add3A, %dma_start3A_50] : memref<32x10000xi32, #tpu.memory_space<hbm>> -> memref<1x10000xi32, #tpu.memory_space<hbm>>
      %dma_start3A_52 = tpu.memref_squeeze %dma_start3A_51 : memref<1x10000xi32, #tpu.memory_space<hbm>> -> memref<10000xi32, #tpu.memory_space<hbm>>
      %dma_start3A_53 = arith.constant 0 : i32
      %dma_start3A_54 = tpu.memref_slice %arg3[%add3A, %dma_start3A_53] : memref<32x10000xi32, #tpu.memory_space<hbm>> -> memref<1x10000xi32, #tpu.memory_space<hbm>>
      %dma_start3A_55 = tpu.memref_squeeze %dma_start3A_54 : memref<1x10000xi32, #tpu.memory_space<hbm>> -> memref<10000xi32, #tpu.memory_space<hbm>>
      tpu.enqueue_dma source(%dma_start3A_55 : memref<10000xi32, #tpu.memory_space<hbm>>) target(%arg7 : memref<10000xi32, #tpu.memory_space<vmem>>) target_semaphore(%run_scoped3A : memref<!tpu.dma_semaphore, #tpu.memory_space<semaphore_mem>>)
      %dma_wait3A = arith.constant 0 : i32
      %dma_wait3A_56 = tpu.memref_slice %arg3[%add3A, %dma_wait3A] : memref<32x10000xi32, #tpu.memory_space<hbm>> -> memref<1x10000xi32, #tpu.memory_space<hbm>>
      %dma_wait3A_57 = tpu.memref_squeeze %dma_wait3A_56 : memref<1x10000xi32, #tpu.memory_space<hbm>> -> memref<10000xi32, #tpu.memory_space<hbm>>
      %dma_wait3A_58 = arith.constant 0 : i32
      %dma_wait3A_59 = tpu.memref_slice %arg3[%add3A, %dma_wait3A_58] : memref<32x10000xi32, #tpu.memory_space<hbm>> -> memref<1x10000xi32, #tpu.memory_space<hbm>>
      %dma_wait3A_60 = tpu.memref_squeeze %dma_wait3A_59 : memref<1x10000xi32, #tpu.memory_space<hbm>> -> memref<10000xi32, #tpu.memory_space<hbm>>
      tpu.wait_dma2 semaphore(%run_scoped3A : memref<!tpu.dma_semaphore, #tpu.memory_space<semaphore_mem>>) src(%dma_wait3A_60 : memref<10000xi32, #tpu.memory_space<hbm>>) dst(%arg7 : memref<10000xi32, #tpu.memory_space<vmem>>)
      tpu.yield
    }) : () -> ()
    "tpu.region"() ({
      %run_scoped3A = tpu.sem_alloc : memref<!tpu.dma_semaphore, #tpu.memory_space<semaphore_mem>>
      %dma_start3A_50 = arith.constant 0 : i32
      %dma_start3A_51 = tpu.memref_slice %arg4[%add3A, %dma_start3A_50] : memref<32x10000xi32, #tpu.memory_space<hbm>> -> memref<1x10000xi32, #tpu.memory_space<hbm>>
      %dma_start3A_52 = tpu.memref_squeeze %dma_start3A_51 : memref<1x10000xi32, #tpu.memory_space<hbm>> -> memref<10000xi32, #tpu.memory_space<hbm>>
      %dma_start3A_53 = arith.constant 0 : i32
      %dma_start3A_54 = tpu.memref_slice %arg4[%add3A, %dma_start3A_53] : memref<32x10000xi32, #tpu.memory_space<hbm>> -> memref<1x10000xi32, #tpu.memory_space<hbm>>
      %dma_start3A_55 = tpu.memref_squeeze %dma_start3A_54 : memref<1x10000xi32, #tpu.memory_space<hbm>> -> memref<10000xi32, #tpu.memory_space<hbm>>
      tpu.enqueue_dma source(%dma_start3A_55 : memref<10000xi32, #tpu.memory_space<hbm>>) target(%arg8 : memref<10000xi32, #tpu.memory_space<vmem>>) target_semaphore(%run_scoped3A : memref<!tpu.dma_semaphore, #tpu.memory_space<semaphore_mem>>)
      %dma_wait3A = arith.constant 0 : i32
      %dma_wait3A_56 = tpu.memref_slice %arg4[%add3A, %dma_wait3A] : memref<32x10000xi32, #tpu.memory_space<hbm>> -> memref<1x10000xi32, #tpu.memory_space<hbm>>
      %dma_wait3A_57 = tpu.memref_squeeze %dma_wait3A_56 : memref<1x10000xi32, #tpu.memory_space<hbm>> -> memref<10000xi32, #tpu.memory_space<hbm>>
      %dma_wait3A_58 = arith.constant 0 : i32
      %dma_wait3A_59 = tpu.memref_slice %arg4[%add3A, %dma_wait3A_58] : memref<32x10000xi32, #tpu.memory_space<hbm>> -> memref<1x10000xi32, #tpu.memory_space<hbm>>
      %dma_wait3A_60 = tpu.memref_squeeze %dma_wait3A_59 : memref<1x10000xi32, #tpu.memory_space<hbm>> -> memref<10000xi32, #tpu.memory_space<hbm>>
      tpu.wait_dma2 semaphore(%run_scoped3A : memref<!tpu.dma_semaphore, #tpu.memory_space<semaphore_mem>>) src(%dma_wait3A_60 : memref<10000xi32, #tpu.memory_space<hbm>>) dst(%arg8 : memref<10000xi32, #tpu.memory_space<vmem>>)
      tpu.yield
    }) : () -> ()
    %barrier3A = arith.constant 0 : index
    tpu.barrier barrier_id(%barrier3A)
    %dma_start3A = arith.constant 0 : i32
    %dma_start3A_5 = tpu.memref_slice %arg7[%dma_start3A] : memref<10000xi32, #tpu.memory_space<vmem>> -> memref<40xi32, #tpu.memory_space<vmem>>
    %dma_start3A_6 = arith.constant 0 : i32
    %dma_start3A_7 = arith.constant 0 : i32
    %dma_start3A_8 = tpu.memref_slice %arg2[%dma_start3A_6, %dma_start3A_7] : memref<10000x128xf32, #tpu.memory_space<hbm>> -> memref<10000x128xf32, #tpu.memory_space<hbm>>
    tpu.enqueue_indirect_dma source(%dma_start3A_8 : memref<10000x128xf32, #tpu.memory_space<hbm>>) target(%arg10 : memref<40x128xf32, #tpu.memory_space<vmem>>) offsets(%dma_start3A_5 : memref<40xi32, #tpu.memory_space<vmem>>) semaphore(%arg15 : memref<!tpu.dma_semaphore, #tpu.memory_space<semaphore_mem>>)
    %dma_start3A_9 = arith.constant 40 : i32
    %dma_start3A_10 = tpu.memref_slice %arg7[%dma_start3A_9] : memref<10000xi32, #tpu.memory_space<vmem>> -> memref<40xi32, #tpu.memory_space<vmem>>
    %dma_start3A_11 = arith.constant 0 : i32
    %dma_start3A_12 = arith.constant 0 : i32
    %dma_start3A_13 = tpu.memref_slice %arg2[%dma_start3A_11, %dma_start3A_12] : memref<10000x128xf32, #tpu.memory_space<hbm>> -> memref<10000x128xf32, #tpu.memory_space<hbm>>
    tpu.enqueue_indirect_dma source(%dma_start3A_13 : memref<10000x128xf32, #tpu.memory_space<hbm>>) target(%arg11 : memref<40x128xf32, #tpu.memory_space<vmem>>) offsets(%dma_start3A_10 : memref<40xi32, #tpu.memory_space<vmem>>) semaphore(%arg16 : memref<!tpu.dma_semaphore, #tpu.memory_space<semaphore_mem>>)
    %dma_start3A_14 = arith.constant 80 : i32
    %dma_start3A_15 = tpu.memref_slice %arg7[%dma_start3A_14] : memref<10000xi32, #tpu.memory_space<vmem>> -> memref<40xi32, #tpu.memory_space<vmem>>
    %dma_start3A_16 = arith.constant 0 : i32
    %dma_start3A_17 = arith.constant 0 : i32
    %dma_start3A_18 = tpu.memref_slice %arg2[%dma_start3A_16, %dma_start3A_17] : memref<10000x128xf32, #tpu.memory_space<hbm>> -> memref<10000x128xf32, #tpu.memory_space<hbm>>
    tpu.enqueue_indirect_dma source(%dma_start3A_18 : memref<10000x128xf32, #tpu.memory_space<hbm>>) target(%arg12 : memref<40x128xf32, #tpu.memory_space<vmem>>) offsets(%dma_start3A_15 : memref<40xi32, #tpu.memory_space<vmem>>) semaphore(%arg17 : memref<!tpu.dma_semaphore, #tpu.memory_space<semaphore_mem>>)
    %dma_start3A_19 = arith.constant 120 : i32
    %dma_start3A_20 = tpu.memref_slice %arg7[%dma_start3A_19] : memref<10000xi32, #tpu.memory_space<vmem>> -> memref<40xi32, #tpu.memory_space<vmem>>
    %dma_start3A_21 = arith.constant 0 : i32
    %dma_start3A_22 = arith.constant 0 : i32
    %dma_start3A_23 = tpu.memref_slice %arg2[%dma_start3A_21, %dma_start3A_22] : memref<10000x128xf32, #tpu.memory_space<hbm>> -> memref<10000x128xf32, #tpu.memory_space<hbm>>
    tpu.enqueue_indirect_dma source(%dma_start3A_23 : memref<10000x128xf32, #tpu.memory_space<hbm>>) target(%arg13 : memref<40x128xf32, #tpu.memory_space<vmem>>) offsets(%dma_start3A_20 : memref<40xi32, #tpu.memory_space<vmem>>) semaphore(%arg18 : memref<!tpu.dma_semaphore, #tpu.memory_space<semaphore_mem>>)
    %dma_start3A_24 = arith.constant 160 : i32
    %dma_start3A_25 = tpu.memref_slice %arg7[%dma_start3A_24] : memref<10000xi32, #tpu.memory_space<vmem>> -> memref<40xi32, #tpu.memory_space<vmem>>
    %dma_start3A_26 = arith.constant 0 : i32
    %dma_start3A_27 = arith.constant 0 : i32
    %dma_start3A_28 = tpu.memref_slice %arg2[%dma_start3A_26, %dma_start3A_27] : memref<10000x128xf32, #tpu.memory_space<hbm>> -> memref<10000x128xf32, #tpu.memory_space<hbm>>
    tpu.enqueue_indirect_dma source(%dma_start3A_28 : memref<10000x128xf32, #tpu.memory_space<hbm>>) target(%arg14 : memref<40x128xf32, #tpu.memory_space<vmem>>) offsets(%dma_start3A_25 : memref<40xi32, #tpu.memory_space<vmem>>) semaphore(%arg19 : memref<!tpu.dma_semaphore, #tpu.memory_space<semaphore_mem>>)
    %scan3A = arith.constant 0 : i32
    %scan3A_29 = arith.constant 50 : i32
    %scan3A_30 = arith.addi %scan3A, %scan3A_29 : i32
    %scan3A_31 = arith.constant 1 : i32
    scf.for %scan3A_50 = %scan3A to %scan3A_30 step %scan3A_31  : i32 {
      %mul3A_51 = arith.constant 1 : i32
      %mul3A_52 = arith.muli %scan3A_50, %mul3A_51 : i32
      %add3A_53 = arith.constant 0 : i32
      %add3A_54 = arith.addi %add3A_53, %mul3A_52 : i32
      %mul3A_55 = arith.constant 5 : i32
      %mul3A_56 = arith.muli %add3A_54, %mul3A_55 : i32
      %add3A_57 = arith.constant 0 : i32
      %add3A_58 = arith.addi %mul3A_56, %add3A_57 : i32
      %mul3A_59 = arith.constant 40 : i32
      %mul3A_60 = arith.muli %add3A_58, %mul3A_59 : i32
      %dma_wait3A = tpu.memref_slice %arg7[%mul3A_60] : memref<10000xi32, #tpu.memory_space<vmem>> -> memref<40xi32, #tpu.memory_space<vmem>>
      %dma_wait3A_61 = arith.constant 0 : i32
      %dma_wait3A_62 = arith.constant 0 : i32
      %dma_wait3A_63 = tpu.memref_slice %arg2[%dma_wait3A_61, %dma_wait3A_62] : memref<10000x128xf32, #tpu.memory_space<hbm>> -> memref<10000x128xf32, #tpu.memory_space<hbm>>
      tpu.wait_indirect_dma semaphore(%arg15 : memref<!tpu.dma_semaphore, #tpu.memory_space<semaphore_mem>>) src(%dma_wait3A_63 : memref<10000x128xf32, #tpu.memory_space<hbm>>) dst(%arg10 : memref<40x128xf32, #tpu.memory_space<vmem>>)
      %mul3A_64 = arith.constant 40 : i32
      %mul3A_65 = arith.muli %add3A_58, %mul3A_64 : i32
      %dma_start3A_66 = tpu.memref_slice %arg8[%mul3A_65] : memref<10000xi32, #tpu.memory_space<vmem>> -> memref<40xi32, #tpu.memory_space<vmem>>
      %dma_start3A_67 = arith.constant 0 : i32
      %dma_start3A_68 = arith.constant 0 : i32
      %dma_start3A_69 = tpu.memref_slice %arg9[%dma_start3A_67, %dma_start3A_68] : memref<10000x128xf32, #tpu.memory_space<vmem_shared>> -> memref<10000x128xf32, #tpu.memory_space<vmem_shared>>
      tpu.enqueue_indirect_dma source(%arg10 : memref<40x128xf32, #tpu.memory_space<vmem>>) target(%dma_start3A_69 : memref<10000x128xf32, #tpu.memory_space<vmem_shared>>) offsets(%dma_start3A_66 : memref<40xi32, #tpu.memory_space<vmem>>) semaphore(%arg20 : memref<!tpu.dma_semaphore, #tpu.memory_space<semaphore_mem>>) {add = true}
      %mul3A_70 = arith.constant 5 : i32
      %mul3A_71 = arith.muli %add3A_54, %mul3A_70 : i32
      %add3A_72 = arith.constant 1 : i32
      %add3A_73 = arith.addi %mul3A_71, %add3A_72 : i32
      %mul3A_74 = arith.constant 40 : i32
      %mul3A_75 = arith.muli %add3A_73, %mul3A_74 : i32
      %dma_wait3A_76 = tpu.memref_slice %arg7[%mul3A_75] : memref<10000xi32, #tpu.memory_space<vmem>> -> memref<40xi32, #tpu.memory_space<vmem>>
      %dma_wait3A_77 = arith.constant 0 : i32
      %dma_wait3A_78 = arith.constant 0 : i32
      %dma_wait3A_79 = tpu.memref_slice %arg2[%dma_wait3A_77, %dma_wait3A_78] : memref<10000x128xf32, #tpu.memory_space<hbm>> -> memref<10000x128xf32, #tpu.memory_space<hbm>>
      tpu.wait_indirect_dma semaphore(%arg16 : memref<!tpu.dma_semaphore, #tpu.memory_space<semaphore_mem>>) src(%dma_wait3A_79 : memref<10000x128xf32, #tpu.memory_space<hbm>>) dst(%arg11 : memref<40x128xf32, #tpu.memory_space<vmem>>)
      %mul3A_80 = arith.constant 40 : i32
      %mul3A_81 = arith.muli %add3A_73, %mul3A_80 : i32
      %dma_start3A_82 = tpu.memref_slice %arg8[%mul3A_81] : memref<10000xi32, #tpu.memory_space<vmem>> -> memref<40xi32, #tpu.memory_space<vmem>>
      %dma_start3A_83 = arith.constant 0 : i32
      %dma_start3A_84 = arith.constant 0 : i32
      %dma_start3A_85 = tpu.memref_slice %arg9[%dma_start3A_83, %dma_start3A_84] : memref<10000x128xf32, #tpu.memory_space<vmem_shared>> -> memref<10000x128xf32, #tpu.memory_space<vmem_shared>>
      tpu.enqueue_indirect_dma source(%arg11 : memref<40x128xf32, #tpu.memory_space<vmem>>) target(%dma_start3A_85 : memref<10000x128xf32, #tpu.memory_space<vmem_shared>>) offsets(%dma_start3A_82 : memref<40xi32, #tpu.memory_space<vmem>>) semaphore(%arg21 : memref<!tpu.dma_semaphore, #tpu.memory_space<semaphore_mem>>) {add = true}
      %mul3A_86 = arith.constant 5 : i32
      %mul3A_87 = arith.muli %add3A_54, %mul3A_86 : i32
      %add3A_88 = arith.constant 2 : i32
      %add3A_89 = arith.addi %mul3A_87, %add3A_88 : i32
      %mul3A_90 = arith.constant 40 : i32
      %mul3A_91 = arith.muli %add3A_89, %mul3A_90 : i32
      %dma_wait3A_92 = tpu.memref_slice %arg7[%mul3A_91] : memref<10000xi32, #tpu.memory_space<vmem>> -> memref<40xi32, #tpu.memory_space<vmem>>
      %dma_wait3A_93 = arith.constant 0 : i32
      %dma_wait3A_94 = arith.constant 0 : i32
      %dma_wait3A_95 = tpu.memref_slice %arg2[%dma_wait3A_93, %dma_wait3A_94] : memref<10000x128xf32, #tpu.memory_space<hbm>> -> memref<10000x128xf32, #tpu.memory_space<hbm>>
      tpu.wait_indirect_dma semaphore(%arg17 : memref<!tpu.dma_semaphore, #tpu.memory_space<semaphore_mem>>) src(%dma_wait3A_95 : memref<10000x128xf32, #tpu.memory_space<hbm>>) dst(%arg12 : memref<40x128xf32, #tpu.memory_space<vmem>>)
      %mul3A_96 = arith.constant 40 : i32
      %mul3A_97 = arith.muli %add3A_89, %mul3A_96 : i32
      %dma_start3A_98 = tpu.memref_slice %arg8[%mul3A_97] : memref<10000xi32, #tpu.memory_space<vmem>> -> memref<40xi32, #tpu.memory_space<vmem>>
      %dma_start3A_99 = arith.constant 0 : i32
      %dma_start3A_100 = arith.constant 0 : i32
      %dma_start3A_101 = tpu.memref_slice %arg9[%dma_start3A_99, %dma_start3A_100] : memref<10000x128xf32, #tpu.memory_space<vmem_shared>> -> memref<10000x128xf32, #tpu.memory_space<vmem_shared>>
      tpu.enqueue_indirect_dma source(%arg12 : memref<40x128xf32, #tpu.memory_space<vmem>>) target(%dma_start3A_101 : memref<10000x128xf32, #tpu.memory_space<vmem_shared>>) offsets(%dma_start3A_98 : memref<40xi32, #tpu.memory_space<vmem>>) semaphore(%arg22 : memref<!tpu.dma_semaphore, #tpu.memory_space<semaphore_mem>>) {add = true}
      %mul3A_102 = arith.constant 5 : i32
      %mul3A_103 = arith.muli %add3A_54, %mul3A_102 : i32
      %add3A_104 = arith.constant 3 : i32
      %add3A_105 = arith.addi %mul3A_103, %add3A_104 : i32
      %mul3A_106 = arith.constant 40 : i32
      %mul3A_107 = arith.muli %add3A_105, %mul3A_106 : i32
      %dma_wait3A_108 = tpu.memref_slice %arg7[%mul3A_107] : memref<10000xi32, #tpu.memory_space<vmem>> -> memref<40xi32, #tpu.memory_space<vmem>>
      %dma_wait3A_109 = arith.constant 0 : i32
      %dma_wait3A_110 = arith.constant 0 : i32
      %dma_wait3A_111 = tpu.memref_slice %arg2[%dma_wait3A_109, %dma_wait3A_110] : memref<10000x128xf32, #tpu.memory_space<hbm>> -> memref<10000x128xf32, #tpu.memory_space<hbm>>
      tpu.wait_indirect_dma semaphore(%arg18 : memref<!tpu.dma_semaphore, #tpu.memory_space<semaphore_mem>>) src(%dma_wait3A_111 : memref<10000x128xf32, #tpu.memory_space<hbm>>) dst(%arg13 : memref<40x128xf32, #tpu.memory_space<vmem>>)
      %mul3A_112 = arith.constant 40 : i32
      %mul3A_113 = arith.muli %add3A_105, %mul3A_112 : i32
      %dma_start3A_114 = tpu.memref_slice %arg8[%mul3A_113] : memref<10000xi32, #tpu.memory_space<vmem>> -> memref<40xi32, #tpu.memory_space<vmem>>
      %dma_start3A_115 = arith.constant 0 : i32
      %dma_start3A_116 = arith.constant 0 : i32
      %dma_start3A_117 = tpu.memref_slice %arg9[%dma_start3A_115, %dma_start3A_116] : memref<10000x128xf32, #tpu.memory_space<vmem_shared>> -> memref<10000x128xf32, #tpu.memory_space<vmem_shared>>
      tpu.enqueue_indirect_dma source(%arg13 : memref<40x128xf32, #tpu.memory_space<vmem>>) target(%dma_start3A_117 : memref<10000x128xf32, #tpu.memory_space<vmem_shared>>) offsets(%dma_start3A_114 : memref<40xi32, #tpu.memory_space<vmem>>) semaphore(%arg23 : memref<!tpu.dma_semaphore, #tpu.memory_space<semaphore_mem>>) {add = true}
      %mul3A_118 = arith.constant 5 : i32
      %mul3A_119 = arith.muli %add3A_54, %mul3A_118 : i32
      %add3A_120 = arith.constant 4 : i32
      %add3A_121 = arith.addi %mul3A_119, %add3A_120 : i32
      %mul3A_122 = arith.constant 40 : i32
      %mul3A_123 = arith.muli %add3A_121, %mul3A_122 : i32
      %dma_wait3A_124 = tpu.memref_slice %arg7[%mul3A_123] : memref<10000xi32, #tpu.memory_space<vmem>> -> memref<40xi32, #tpu.memory_space<vmem>>
      %dma_wait3A_125 = arith.constant 0 : i32
      %dma_wait3A_126 = arith.constant 0 : i32
      %dma_wait3A_127 = tpu.memref_slice %arg2[%dma_wait3A_125, %dma_wait3A_126] : memref<10000x128xf32, #tpu.memory_space<hbm>> -> memref<10000x128xf32, #tpu.memory_space<hbm>>
      tpu.wait_indirect_dma semaphore(%arg19 : memref<!tpu.dma_semaphore, #tpu.memory_space<semaphore_mem>>) src(%dma_wait3A_127 : memref<10000x128xf32, #tpu.memory_space<hbm>>) dst(%arg14 : memref<40x128xf32, #tpu.memory_space<vmem>>)
      %mul3A_128 = arith.constant 40 : i32
      %mul3A_129 = arith.muli %add3A_121, %mul3A_128 : i32
      %dma_start3A_130 = tpu.memref_slice %arg8[%mul3A_129] : memref<10000xi32, #tpu.memory_space<vmem>> -> memref<40xi32, #tpu.memory_space<vmem>>
      %dma_start3A_131 = arith.constant 0 : i32
      %dma_start3A_132 = arith.constant 0 : i32
      %dma_start3A_133 = tpu.memref_slice %arg9[%dma_start3A_131, %dma_start3A_132] : memref<10000x128xf32, #tpu.memory_space<vmem_shared>> -> memref<10000x128xf32, #tpu.memory_space<vmem_shared>>
      tpu.enqueue_indirect_dma source(%arg14 : memref<40x128xf32, #tpu.memory_space<vmem>>) target(%dma_start3A_133 : memref<10000x128xf32, #tpu.memory_space<vmem_shared>>) offsets(%dma_start3A_130 : memref<40xi32, #tpu.memory_space<vmem>>) semaphore(%arg24 : memref<!tpu.dma_semaphore, #tpu.memory_space<semaphore_mem>>) {add = true}
      %mul3A_134 = arith.constant 5 : i32
      %mul3A_135 = arith.muli %add3A_54, %mul3A_134 : i32
      %add3A_136 = arith.constant 0 : i32
      %add3A_137 = arith.addi %mul3A_135, %add3A_136 : i32
      %mul3A_138 = arith.constant 40 : i32
      %mul3A_139 = arith.muli %add3A_137, %mul3A_138 : i32
      %dma_wait3A_140 = tpu.memref_slice %arg8[%mul3A_139] : memref<10000xi32, #tpu.memory_space<vmem>> -> memref<40xi32, #tpu.memory_space<vmem>>
      %dma_wait3A_141 = arith.constant 0 : i32
      %dma_wait3A_142 = arith.constant 0 : i32
      %dma_wait3A_143 = tpu.memref_slice %arg9[%dma_wait3A_141, %dma_wait3A_142] : memref<10000x128xf32, #tpu.memory_space<vmem_shared>> -> memref<10000x128xf32, #tpu.memory_space<vmem_shared>>
      tpu.wait_indirect_dma semaphore(%arg20 : memref<!tpu.dma_semaphore, #tpu.memory_space<semaphore_mem>>) src(%arg10 : memref<40x128xf32, #tpu.memory_space<vmem>>) dst(%dma_wait3A_143 : memref<10000x128xf32, #tpu.memory_space<vmem_shared>>)
      %add3A_144 = arith.constant 1 : i32
      %add3A_145 = arith.addi %add3A_54, %add3A_144 : i32
      %lt3A = arith.constant 50 : i32
      %lt3A_146 = arith.cmpi slt, %add3A_145, %lt3A : i32
      %convert_element_type3A_147 = arith.extui %lt3A_146 : i1 to i32
      %cond3A_148 = arith.constant 0 : i32
      %cond3A_149 = arith.cmpi ne, %convert_element_type3A_147, %cond3A_148 : i32
      scf.if %cond3A_149 {
        %add3A_218 = arith.constant 5 : i32
        %add3A_219 = arith.addi %add3A_137, %add3A_218 : i32
        %mul3A_220 = arith.constant 40 : i32
        %mul3A_221 = arith.muli %add3A_219, %mul3A_220 : i32
        %dma_start3A_222 = tpu.memref_slice %arg7[%mul3A_221] : memref<10000xi32, #tpu.memory_space<vmem>> -> memref<40xi32, #tpu.memory_space<vmem>>
        %dma_start3A_223 = arith.constant 0 : i32
        %dma_start3A_224 = arith.constant 0 : i32
        %dma_start3A_225 = tpu.memref_slice %arg2[%dma_start3A_223, %dma_start3A_224] : memref<10000x128xf32, #tpu.memory_space<hbm>> -> memref<10000x128xf32, #tpu.memory_space<hbm>>
        tpu.enqueue_indirect_dma source(%dma_start3A_225 : memref<10000x128xf32, #tpu.memory_space<hbm>>) target(%arg10 : memref<40x128xf32, #tpu.memory_space<vmem>>) offsets(%dma_start3A_222 : memref<40xi32, #tpu.memory_space<vmem>>) semaphore(%arg15 : memref<!tpu.dma_semaphore, #tpu.memory_space<semaphore_mem>>)
      } else {
      }
      %mul3A_150 = arith.constant 5 : i32
      %mul3A_151 = arith.muli %add3A_54, %mul3A_150 : i32
      %add3A_152 = arith.constant 1 : i32
      %add3A_153 = arith.addi %mul3A_151, %add3A_152 : i32
      %mul3A_154 = arith.constant 40 : i32
      %mul3A_155 = arith.muli %add3A_153, %mul3A_154 : i32
      %dma_wait3A_156 = tpu.memref_slice %arg8[%mul3A_155] : memref<10000xi32, #tpu.memory_space<vmem>> -> memref<40xi32, #tpu.memory_space<vmem>>
      %dma_wait3A_157 = arith.constant 0 : i32
      %dma_wait3A_158 = arith.constant 0 : i32
      %dma_wait3A_159 = tpu.memref_slice %arg9[%dma_wait3A_157, %dma_wait3A_158] : memref<10000x128xf32, #tpu.memory_space<vmem_shared>> -> memref<10000x128xf32, #tpu.memory_space<vmem_shared>>
      tpu.wait_indirect_dma semaphore(%arg21 : memref<!tpu.dma_semaphore, #tpu.memory_space<semaphore_mem>>) src(%arg11 : memref<40x128xf32, #tpu.memory_space<vmem>>) dst(%dma_wait3A_159 : memref<10000x128xf32, #tpu.memory_space<vmem_shared>>)
      %add3A_160 = arith.constant 1 : i32
      %add3A_161 = arith.addi %add3A_54, %add3A_160 : i32
      %lt3A_162 = arith.constant 50 : i32
      %lt3A_163 = arith.cmpi slt, %add3A_161, %lt3A_162 : i32
      %convert_element_type3A_164 = arith.extui %lt3A_163 : i1 to i32
      %cond3A_165 = arith.constant 0 : i32
      %cond3A_166 = arith.cmpi ne, %convert_element_type3A_164, %cond3A_165 : i32
      scf.if %cond3A_166 {
        %add3A_218 = arith.constant 5 : i32
        %add3A_219 = arith.addi %add3A_153, %add3A_218 : i32
        %mul3A_220 = arith.constant 40 : i32
        %mul3A_221 = arith.muli %add3A_219, %mul3A_220 : i32
        %dma_start3A_222 = tpu.memref_slice %arg7[%mul3A_221] : memref<10000xi32, #tpu.memory_space<vmem>> -> memref<40xi32, #tpu.memory_space<vmem>>
        %dma_start3A_223 = arith.constant 0 : i32
        %dma_start3A_224 = arith.constant 0 : i32
        %dma_start3A_225 = tpu.memref_slice %arg2[%dma_start3A_223, %dma_start3A_224] : memref<10000x128xf32, #tpu.memory_space<hbm>> -> memref<10000x128xf32, #tpu.memory_space<hbm>>
        tpu.enqueue_indirect_dma source(%dma_start3A_225 : memref<10000x128xf32, #tpu.memory_space<hbm>>) target(%arg11 : memref<40x128xf32, #tpu.memory_space<vmem>>) offsets(%dma_start3A_222 : memref<40xi32, #tpu.memory_space<vmem>>) semaphore(%arg16 : memref<!tpu.dma_semaphore, #tpu.memory_space<semaphore_mem>>)
      } else {
      }
      %mul3A_167 = arith.constant 5 : i32
      %mul3A_168 = arith.muli %add3A_54, %mul3A_167 : i32
      %add3A_169 = arith.constant 2 : i32
      %add3A_170 = arith.addi %mul3A_168, %add3A_169 : i32
      %mul3A_171 = arith.constant 40 : i32
      %mul3A_172 = arith.muli %add3A_170, %mul3A_171 : i32
      %dma_wait3A_173 = tpu.memref_slice %arg8[%mul3A_172] : memref<10000xi32, #tpu.memory_space<vmem>> -> memref<40xi32, #tpu.memory_space<vmem>>
      %dma_wait3A_174 = arith.constant 0 : i32
      %dma_wait3A_175 = arith.constant 0 : i32
      %dma_wait3A_176 = tpu.memref_slice %arg9[%dma_wait3A_174, %dma_wait3A_175] : memref<10000x128xf32, #tpu.memory_space<vmem_shared>> -> memref<10000x128xf32, #tpu.memory_space<vmem_shared>>
      tpu.wait_indirect_dma semaphore(%arg22 : memref<!tpu.dma_semaphore, #tpu.memory_space<semaphore_mem>>) src(%arg12 : memref<40x128xf32, #tpu.memory_space<vmem>>) dst(%dma_wait3A_176 : memref<10000x128xf32, #tpu.memory_space<vmem_shared>>)
      %add3A_177 = arith.constant 1 : i32
      %add3A_178 = arith.addi %add3A_54, %add3A_177 : i32
      %lt3A_179 = arith.constant 50 : i32
      %lt3A_180 = arith.cmpi slt, %add3A_178, %lt3A_179 : i32
      %convert_element_type3A_181 = arith.extui %lt3A_180 : i1 to i32
      %cond3A_182 = arith.constant 0 : i32
      %cond3A_183 = arith.cmpi ne, %convert_element_type3A_181, %cond3A_182 : i32
      scf.if %cond3A_183 {
        %add3A_218 = arith.constant 5 : i32
        %add3A_219 = arith.addi %add3A_170, %add3A_218 : i32
        %mul3A_220 = arith.constant 40 : i32
        %mul3A_221 = arith.muli %add3A_219, %mul3A_220 : i32
        %dma_start3A_222 = tpu.memref_slice %arg7[%mul3A_221] : memref<10000xi32, #tpu.memory_space<vmem>> -> memref<40xi32, #tpu.memory_space<vmem>>
        %dma_start3A_223 = arith.constant 0 : i32
        %dma_start3A_224 = arith.constant 0 : i32
        %dma_start3A_225 = tpu.memref_slice %arg2[%dma_start3A_223, %dma_start3A_224] : memref<10000x128xf32, #tpu.memory_space<hbm>> -> memref<10000x128xf32, #tpu.memory_space<hbm>>
        tpu.enqueue_indirect_dma source(%dma_start3A_225 : memref<10000x128xf32, #tpu.memory_space<hbm>>) target(%arg12 : memref<40x128xf32, #tpu.memory_space<vmem>>) offsets(%dma_start3A_222 : memref<40xi32, #tpu.memory_space<vmem>>) semaphore(%arg17 : memref<!tpu.dma_semaphore, #tpu.memory_space<semaphore_mem>>)
      } else {
      }
      %mul3A_184 = arith.constant 5 : i32
      %mul3A_185 = arith.muli %add3A_54, %mul3A_184 : i32
      %add3A_186 = arith.constant 3 : i32
      %add3A_187 = arith.addi %mul3A_185, %add3A_186 : i32
      %mul3A_188 = arith.constant 40 : i32
      %mul3A_189 = arith.muli %add3A_187, %mul3A_188 : i32
      %dma_wait3A_190 = tpu.memref_slice %arg8[%mul3A_189] : memref<10000xi32, #tpu.memory_space<vmem>> -> memref<40xi32, #tpu.memory_space<vmem>>
      %dma_wait3A_191 = arith.constant 0 : i32
      %dma_wait3A_192 = arith.constant 0 : i32
      %dma_wait3A_193 = tpu.memref_slice %arg9[%dma_wait3A_191, %dma_wait3A_192] : memref<10000x128xf32, #tpu.memory_space<vmem_shared>> -> memref<10000x128xf32, #tpu.memory_space<vmem_shared>>
      tpu.wait_indirect_dma semaphore(%arg23 : memref<!tpu.dma_semaphore, #tpu.memory_space<semaphore_mem>>) src(%arg13 : memref<40x128xf32, #tpu.memory_space<vmem>>) dst(%dma_wait3A_193 : memref<10000x128xf32, #tpu.memory_space<vmem_shared>>)
      %add3A_194 = arith.constant 1 : i32
      %add3A_195 = arith.addi %add3A_54, %add3A_194 : i32
      %lt3A_196 = arith.constant 50 : i32
      %lt3A_197 = arith.cmpi slt, %add3A_195, %lt3A_196 : i32
      %convert_element_type3A_198 = arith.extui %lt3A_197 : i1 to i32
      %cond3A_199 = arith.constant 0 : i32
      %cond3A_200 = arith.cmpi ne, %convert_element_type3A_198, %cond3A_199 : i32
      scf.if %cond3A_200 {
        %add3A_218 = arith.constant 5 : i32
        %add3A_219 = arith.addi %add3A_187, %add3A_218 : i32
        %mul3A_220 = arith.constant 40 : i32
        %mul3A_221 = arith.muli %add3A_219, %mul3A_220 : i32
        %dma_start3A_222 = tpu.memref_slice %arg7[%mul3A_221] : memref<10000xi32, #tpu.memory_space<vmem>> -> memref<40xi32, #tpu.memory_space<vmem>>
        %dma_start3A_223 = arith.constant 0 : i32
        %dma_start3A_224 = arith.constant 0 : i32
        %dma_start3A_225 = tpu.memref_slice %arg2[%dma_start3A_223, %dma_start3A_224] : memref<10000x128xf32, #tpu.memory_space<hbm>> -> memref<10000x128xf32, #tpu.memory_space<hbm>>
        tpu.enqueue_indirect_dma source(%dma_start3A_225 : memref<10000x128xf32, #tpu.memory_space<hbm>>) target(%arg13 : memref<40x128xf32, #tpu.memory_space<vmem>>) offsets(%dma_start3A_222 : memref<40xi32, #tpu.memory_space<vmem>>) semaphore(%arg18 : memref<!tpu.dma_semaphore, #tpu.memory_space<semaphore_mem>>)
      } else {
      }
      %mul3A_201 = arith.constant 5 : i32
      %mul3A_202 = arith.muli %add3A_54, %mul3A_201 : i32
      %add3A_203 = arith.constant 4 : i32
      %add3A_204 = arith.addi %mul3A_202, %add3A_203 : i32
      %mul3A_205 = arith.constant 40 : i32
      %mul3A_206 = arith.muli %add3A_204, %mul3A_205 : i32
      %dma_wait3A_207 = tpu.memref_slice %arg8[%mul3A_206] : memref<10000xi32, #tpu.memory_space<vmem>> -> memref<40xi32, #tpu.memory_space<vmem>>
      %dma_wait3A_208 = arith.constant 0 : i32
      %dma_wait3A_209 = arith.constant 0 : i32
      %dma_wait3A_210 = tpu.memref_slice %arg9[%dma_wait3A_208, %dma_wait3A_209] : memref<10000x128xf32, #tpu.memory_space<vmem_shared>> -> memref<10000x128xf32, #tpu.memory_space<vmem_shared>>
      tpu.wait_indirect_dma semaphore(%arg24 : memref<!tpu.dma_semaphore, #tpu.memory_space<semaphore_mem>>) src(%arg14 : memref<40x128xf32, #tpu.memory_space<vmem>>) dst(%dma_wait3A_210 : memref<10000x128xf32, #tpu.memory_space<vmem_shared>>)
      %add3A_211 = arith.constant 1 : i32
      %add3A_212 = arith.addi %add3A_54, %add3A_211 : i32
      %lt3A_213 = arith.constant 50 : i32
      %lt3A_214 = arith.cmpi slt, %add3A_212, %lt3A_213 : i32
      %convert_element_type3A_215 = arith.extui %lt3A_214 : i1 to i32
      %cond3A_216 = arith.constant 0 : i32
      %cond3A_217 = arith.cmpi ne, %convert_element_type3A_215, %cond3A_216 : i32
      scf.if %cond3A_217 {
        %add3A_218 = arith.constant 5 : i32
        %add3A_219 = arith.addi %add3A_204, %add3A_218 : i32
        %mul3A_220 = arith.constant 40 : i32
        %mul3A_221 = arith.muli %add3A_219, %mul3A_220 : i32
        %dma_start3A_222 = tpu.memref_slice %arg7[%mul3A_221] : memref<10000xi32, #tpu.memory_space<vmem>> -> memref<40xi32, #tpu.memory_space<vmem>>
        %dma_start3A_223 = arith.constant 0 : i32
        %dma_start3A_224 = arith.constant 0 : i32
        %dma_start3A_225 = tpu.memref_slice %arg2[%dma_start3A_223, %dma_start3A_224] : memref<10000x128xf32, #tpu.memory_space<hbm>> -> memref<10000x128xf32, #tpu.memory_space<hbm>>
        tpu.enqueue_indirect_dma source(%dma_start3A_225 : memref<10000x128xf32, #tpu.memory_space<hbm>>) target(%arg14 : memref<40x128xf32, #tpu.memory_space<vmem>>) offsets(%dma_start3A_222 : memref<40xi32, #tpu.memory_space<vmem>>) semaphore(%arg19 : memref<!tpu.dma_semaphore, #tpu.memory_space<semaphore_mem>>)
      } else {
      }
    }
    %scan3A_32 = arith.constant 50 : i32
    %scan3A_33 = arith.constant 0 : i32
    %scan3A_34 = arith.constant 0 : i32
    %scan3A_35 = arith.addi %scan3A_33, %scan3A_34 : i32
    %scan3A_36 = arith.constant 0 : i32
    %barrier3A_37 = arith.constant 0 : index
    tpu.barrier barrier_id(%barrier3A_37)
    %mul3A_38 = arith.constant 624 : i32
    %mul3A_39 = arith.muli %arg1, %mul3A_38 : i32
    %mul3A_40 = arith.constant 10000 : i32
    %mul3A_41 = arith.muli %arg0, %mul3A_40 : i32
    %mul3A_42 = arith.constant 624 : i32
    %mul3A_43 = arith.muli %arg1, %mul3A_42 : i32
    %add3A_44 = arith.addi %mul3A_41, %mul3A_43 : i32
    "tpu.region"() ({
      %run_scoped3A = tpu.sem_alloc : memref<!tpu.dma_semaphore, #tpu.memory_space<semaphore_mem>>
      %dma_start3A_50 = arith.constant 0 : i32
      %dma_start3A_51 = tpu.memref_slice %arg6[%add3A_44, %dma_start3A_50] : memref<20000x128xf32, #tpu.memory_space<hbm>> -> memref<624x128xf32, #tpu.memory_space<hbm>>
      %dma_start3A_52 = arith.constant 0 : i32
      %dma_start3A_53 = tpu.memref_slice %arg9[%mul3A_39, %dma_start3A_52] : memref<10000x128xf32, #tpu.memory_space<vmem_shared>> -> memref<624x128xf32, #tpu.memory_space<vmem_shared>>
      tpu.enqueue_dma source(%dma_start3A_53 : memref<624x128xf32, #tpu.memory_space<vmem_shared>>) target(%dma_start3A_51 : memref<624x128xf32, #tpu.memory_space<hbm>>) target_semaphore(%run_scoped3A : memref<!tpu.dma_semaphore, #tpu.memory_space<semaphore_mem>>)
      %dma_wait3A = arith.constant 0 : i32
      %dma_wait3A_54 = tpu.memref_slice %arg6[%add3A_44, %dma_wait3A] : memref<20000x128xf32, #tpu.memory_space<hbm>> -> memref<624x128xf32, #tpu.memory_space<hbm>>
      %dma_wait3A_55 = arith.constant 0 : i32
      %dma_wait3A_56 = tpu.memref_slice %arg9[%mul3A_39, %dma_wait3A_55] : memref<10000x128xf32, #tpu.memory_space<vmem_shared>> -> memref<624x128xf32, #tpu.memory_space<vmem_shared>>
      tpu.wait_dma2 semaphore(%run_scoped3A : memref<!tpu.dma_semaphore, #tpu.memory_space<semaphore_mem>>) src(%dma_wait3A_56 : memref<624x128xf32, #tpu.memory_space<vmem_shared>>) dst(%dma_wait3A_54 : memref<624x128xf32, #tpu.memory_space<hbm>>)
      tpu.yield
    }) : () -> ()
    %eq3A_45 = arith.constant 0 : i32
    %eq3A_46 = arith.cmpi eq, %arg1, %eq3A_45 : i32
    %convert_element_type3A_47 = arith.extui %eq3A_46 : i1 to i32
    %cond3A_48 = arith.constant 0 : i32
    %cond3A_49 = arith.cmpi ne, %convert_element_type3A_47, %cond3A_48 : i32
    scf.if %cond3A_49 {
      %mul3A_50 = arith.constant 10000 : i32
      %mul3A_51 = arith.muli %arg0, %mul3A_50 : i32
      %add3A_52 = arith.constant 9984 : i32
      %add3A_53 = arith.addi %mul3A_51, %add3A_52 : i32
      "tpu.region"() ({
        %run_scoped3A = tpu.sem_alloc : memref<!tpu.dma_semaphore, #tpu.memory_space<semaphore_mem>>
        %dma_start3A_54 = arith.constant 0 : i32
        %dma_start3A_55 = tpu.memref_slice %arg6[%add3A_53, %dma_start3A_54] : memref<20000x128xf32, #tpu.memory_space<hbm>> -> memref<16x128xf32, #tpu.memory_space<hbm>>
        %dma_start3A_56 = arith.constant 9984 : i32
        %dma_start3A_57 = arith.constant 0 : i32
        %dma_start3A_58 = tpu.memref_slice %arg9[%dma_start3A_56, %dma_start3A_57] : memref<10000x128xf32, #tpu.memory_space<vmem_shared>> -> memref<16x128xf32, #tpu.memory_space<vmem_shared>>
        tpu.enqueue_dma source(%dma_start3A_58 : memref<16x128xf32, #tpu.memory_space<vmem_shared>>) target(%dma_start3A_55 : memref<16x128xf32, #tpu.memory_space<hbm>>) target_semaphore(%run_scoped3A : memref<!tpu.dma_semaphore, #tpu.memory_space<semaphore_mem>>)
        %dma_wait3A = arith.constant 0 : i32
        %dma_wait3A_59 = tpu.memref_slice %arg6[%add3A_53, %dma_wait3A] : memref<20000x128xf32, #tpu.memory_space<hbm>> -> memref<16x128xf32, #tpu.memory_space<hbm>>
        %dma_wait3A_60 = arith.constant 9984 : i32
        %dma_wait3A_61 = arith.constant 0 : i32
        %dma_wait3A_62 = tpu.memref_slice %arg9[%dma_wait3A_60, %dma_wait3A_61] : memref<10000x128xf32, #tpu.memory_space<vmem_shared>> -> memref<16x128xf32, #tpu.memory_space<vmem_shared>>
        tpu.wait_dma2 semaphore(%run_scoped3A : memref<!tpu.dma_semaphore, #tpu.memory_space<semaphore_mem>>) src(%dma_wait3A_62 : memref<16x128xf32, #tpu.memory_space<vmem_shared>>) dst(%dma_wait3A_59 : memref<16x128xf32, #tpu.memory_space<hbm>>)
        tpu.yield
      }) : () -> ()
    } else {
    }
    return
  }
}

module attributes {stable_mosaic.version = 14 : i64} {
  func.func @_prep_body(%arg0: memref<1x10000xi32, #tpu.memory_space<vmem>>, %arg1: memref<10000x1xi32, #tpu.memory_space<vmem>>, %arg2: memref<10000x1xf32, #tpu.memory_space<vmem>>, %arg3: memref<64x1xf32, #tpu.memory_space<vmem>>) attributes {dimension_semantics = [], scalar_prefetch = 0 : i64, scratch_operands = 0 : i64, tpu.core_type = #tpu.core_type<tc>} {
    %get3A = arith.constant 0 : index
    %get3A_0 = arith.constant 0 : index
    %get3A_1 = vector.load %arg0[%get3A, %get3A_0] : memref<1x10000xi32, #tpu.memory_space<vmem>>, vector<1x10000xi32>
    %get3A_2 = arith.constant 0 : index
    %get3A_3 = arith.constant 0 : index
    %get3A_4 = vector.load %arg1[%get3A_2, %get3A_3] : memref<10000x1xi32, #tpu.memory_space<vmem>>, vector<10000x1xi32>
    %iota3A = tpu.iota {dimensions = array<i32: 0>} : vector<64x1xi32>
    %iota3A_5 = tpu.iota {dimensions = array<i32: 1>} : vector<1x64xi32>
    %eq3A = vector.broadcast %get3A_1 : vector<1x10000xi32> to vector<64x10000xi32>
    %eq3A_6 = vector.broadcast %iota3A : vector<64x1xi32> to vector<64x10000xi32>
    %eq3A_7 = arith.cmpi eq, %eq3A, %eq3A_6 : vector<64x10000xi32>
    %convert_element_type3A = arith.extui %eq3A_7 : vector<64x10000xi1> to vector<64x10000xi32>
    %convert_element_type3A_8 = arith.sitofp %convert_element_type3A : vector<64x10000xi32> to vector<64x10000xf32>
    %reduce_sum3A = arith.constant dense<0.000000e+00> : vector<64xf32>
    %reduce_sum3A_9 = vector.multi_reduction <add>, %convert_element_type3A_8, %reduce_sum3A [1] : vector<64x10000xf32> to vector<64xf32>
    %broadcast_in_dim3A = vector.shape_cast %reduce_sum3A_9 : vector<64xf32> to vector<64x1xf32>
    %gt3A = arith.constant 0.000000e+00 : f32
    %gt3A_10 = vector.broadcast %gt3A : f32 to vector<64x1xf32>
    %gt3A_11 = arith.cmpf ogt, %broadcast_in_dim3A, %gt3A_10 : vector<64x1xf32>
    %div3A = arith.constant 1.000000e+00 : f32
    %div3A_12 = vector.broadcast %div3A : f32 to vector<64x1xf32>
    %div3A_13 = arith.divf %div3A_12, %broadcast_in_dim3A : vector<64x1xf32>
    %jit3A = arith.constant 0.000000e+00 : f32
    %broadcast_in_dim3A_14 = vector.broadcast %jit3A : f32 to vector<64x1xf32>
    %select_n3A = arith.select %gt3A_11, %div3A_13, %broadcast_in_dim3A_14 : vector<64x1xi1>, vector<64x1xf32>
    %eq3A_15 = vector.broadcast %get3A_4 : vector<10000x1xi32> to vector<10000x64xi32>
    %eq3A_16 = vector.broadcast %iota3A_5 : vector<1x64xi32> to vector<10000x64xi32>
    %eq3A_17 = arith.cmpi eq, %eq3A_15, %eq3A_16 : vector<10000x64xi32>
    %convert_element_type3A_18 = arith.extui %eq3A_17 : vector<10000x64xi1> to vector<10000x64xi32>
    %convert_element_type3A_19 = arith.sitofp %convert_element_type3A_18 : vector<10000x64xi32> to vector<10000x64xf32>
    %dot_general3A = arith.constant dense<0.000000e+00> : vector<10000x1xf32>
    %dot_general3A_20 = tpu.matmul %convert_element_type3A_19, %select_n3A, %dot_general3A {dimension_numbers = #tpu.dot_dimension_numbers<[1], [0], [0], [1], [0, 0, 1, 1], [], []>, transpose_lhs_hint = false} : vector<10000x64xf32>, vector<64x1xf32>, vector<10000x1xf32> -> vector<10000x1xf32>
    %swap3A = arith.constant 0 : index
    %swap3A_21 = arith.constant 0 : index
    %swap3A_22 = vector.load %arg2[%swap3A, %swap3A_21] : memref<10000x1xf32, #tpu.memory_space<vmem>>, vector<10000x1xf32>
    tpu.vector_store %arg2[%swap3A, %swap3A_21], %dot_general3A_20 {strides = array<i32>} : memref<10000x1xf32, #tpu.memory_space<vmem>>, vector<10000x1xf32>,
    %swap3A_23 = arith.constant 0 : index
    %swap3A_24 = arith.constant 0 : index
    %swap3A_25 = vector.load %arg3[%swap3A_23, %swap3A_24] : memref<64x1xf32, #tpu.memory_space<vmem>>, vector<64x1xf32>
    tpu.vector_store %arg3[%swap3A_23, %swap3A_24], %select_n3A {strides = array<i32>} : memref<64x1xf32, #tpu.memory_space<vmem>>, vector<64x1xf32>,
    return
  }
}

module attributes {stable_mosaic.version = 14 : i64} {
  func.func @_layer_body(%arg0: i32, %arg1: memref<1000x128xf32, #tpu.memory_space<vmem>>, %arg2: memref<1000x128xf32, #tpu.memory_space<vmem>>, %arg3: memref<1000x128xf32, #tpu.memory_space<vmem>>, %arg4: memref<1000x1xf32, #tpu.memory_space<vmem>>, %arg5: memref<128x128xf32, #tpu.memory_space<vmem>>, %arg6: memref<1x128xf32, #tpu.memory_space<vmem>>, %arg7: memref<128x128xf32, #tpu.memory_space<vmem>>, %arg8: memref<1000x128xf32, #tpu.memory_space<vmem>>) attributes {dimension_semantics = [#tpu.dimension_semantics<arbitrary>], iteration_bounds = array<i64: 10>, scalar_prefetch = 0 : i64, scratch_operands = 0 : i64, tpu.core_type = #tpu.core_type<tc>, window_params = [{transform_indices = @transform_0, window_bounds = array<i64: 1000, 128>}, {transform_indices = @transform_1, window_bounds = array<i64: 1000, 128>}, {transform_indices = @transform_2, window_bounds = array<i64: 1000, 128>}, {transform_indices = @transform_3, window_bounds = array<i64: 1000, 1>}, {pipeline_mode = #tpu.pipeline_mode<synchronous>, transform_indices = @transform_4, window_bounds = array<i64: 128, 128>}, {pipeline_mode = #tpu.pipeline_mode<synchronous>, transform_indices = @transform_5, window_bounds = array<i64: 1, 128>}, {pipeline_mode = #tpu.pipeline_mode<synchronous>, transform_indices = @transform_6, window_bounds = array<i64: 128, 128>}, {transform_indices = @transform_7, window_bounds = array<i64: 1000, 128>}]} {
    %get3A = arith.constant 0 : index
    %get3A_0 = arith.constant 0 : index
    %get3A_1 = vector.load %arg1[%get3A, %get3A_0] : memref<1000x128xf32, #tpu.memory_space<vmem>>, vector<1000x128xf32>
    %get3A_2 = arith.constant 0 : index
    %get3A_3 = arith.constant 0 : index
    %get3A_4 = vector.load %arg2[%get3A_2, %get3A_3] : memref<1000x128xf32, #tpu.memory_space<vmem>>, vector<1000x128xf32>
    %add3A = arith.addf %get3A_1, %get3A_4 : vector<1000x128xf32>
    %get3A_5 = arith.constant 0 : index
    %get3A_6 = arith.constant 0 : index
    %get3A_7 = vector.load %arg4[%get3A_5, %get3A_6] : memref<1000x1xf32, #tpu.memory_space<vmem>>, vector<1000x1xf32>
    %get3A_8 = arith.constant 0 : index
    %get3A_9 = arith.constant 0 : index
    %get3A_10 = vector.load %arg5[%get3A_8, %get3A_9] : memref<128x128xf32, #tpu.memory_space<vmem>>, vector<128x128xf32>
    %dot_general3A = arith.constant dense<0.000000e+00> : vector<1000x128xf32>
    %dot_general3A_11 = tpu.matmul %add3A, %get3A_10, %dot_general3A {dimension_numbers = #tpu.dot_dimension_numbers<[1], [0], [0], [1], [0, 0, 1, 1], [], []>, transpose_lhs_hint = false} : vector<1000x128xf32>, vector<128x128xf32>, vector<1000x128xf32> -> vector<1000x128xf32>
    %get3A_12 = arith.constant 0 : index
    %get3A_13 = arith.constant 0 : index
    %get3A_14 = vector.load %arg6[%get3A_12, %get3A_13] : memref<1x128xf32, #tpu.memory_space<vmem>>, vector<1x128xf32>
    %add3A_15 = vector.broadcast %get3A_14 : vector<1x128xf32> to vector<1000x128xf32>
    %add3A_16 = arith.addf %dot_general3A_11, %add3A_15 : vector<1000x128xf32>
    %get3A_17 = arith.constant 0 : index
    %get3A_18 = arith.constant 0 : index
    %get3A_19 = vector.load %arg3[%get3A_17, %get3A_18] : memref<1000x128xf32, #tpu.memory_space<vmem>>, vector<1000x128xf32>
    %get3A_20 = arith.constant 0 : index
    %get3A_21 = arith.constant 0 : index
    %get3A_22 = vector.load %arg7[%get3A_20, %get3A_21] : memref<128x128xf32, #tpu.memory_space<vmem>>, vector<128x128xf32>
    %dot_general3A_23 = arith.constant dense<0.000000e+00> : vector<1000x128xf32>
    %dot_general3A_24 = tpu.matmul %get3A_19, %get3A_22, %dot_general3A_23 {dimension_numbers = #tpu.dot_dimension_numbers<[1], [0], [0], [1], [0, 0, 1, 1], [], []>, transpose_lhs_hint = false} : vector<1000x128xf32>, vector<128x128xf32>, vector<1000x128xf32> -> vector<1000x128xf32>
    %add3A_25 = arith.addf %add3A_16, %dot_general3A_24 : vector<1000x128xf32>
    %mul3A = vector.broadcast %get3A_7 : vector<1000x1xf32> to vector<1000x128xf32>
    %mul3A_26 = arith.mulf %mul3A, %add3A_25 : vector<1000x128xf32>
    %swap3A = arith.constant 0 : index
    %swap3A_27 = arith.constant 0 : index
    %swap3A_28 = vector.load %arg8[%swap3A, %swap3A_27] : memref<1000x128xf32, #tpu.memory_space<vmem>>, vector<1000x128xf32>
    tpu.vector_store %arg8[%swap3A, %swap3A_27], %mul3A_26 {strides = array<i32>} : memref<1000x128xf32, #tpu.memory_space<vmem>>, vector<1000x128xf32>,
    return
  }
  func.func @transform_0(%arg0: i32) -> (i32, i32) {
    %c0_i32 = arith.constant 0 : i32
    %c0_i32_0 = arith.constant 0 : i32
    return %arg0, %c0_i32 : i32, i32
  }
  func.func @transform_1(%arg0: i32) -> (i32, i32) {
    %add3A = arith.constant 10 : i32
    %add3A_0 = arith.addi %arg0, %add3A : i32
    %c0_i32 = arith.constant 0 : i32
    %c0_i32_1 = arith.constant 0 : i32
    return %add3A_0, %c0_i32 : i32, i32
  }
  func.func @transform_2(%arg0: i32) -> (i32, i32) {
    %c0_i32 = arith.constant 0 : i32
    %c0_i32_0 = arith.constant 0 : i32
    return %arg0, %c0_i32 : i32, i32
  }
  func.func @transform_3(%arg0: i32) -> (i32, i32) {
    %c0_i32 = arith.constant 0 : i32
    %c0_i32_0 = arith.constant 0 : i32
    return %arg0, %c0_i32 : i32, i32
  }
  func.func @transform_4(%arg0: i32) -> (i32, i32) {
    %c0_i32 = arith.constant 0 : i32
    %c0_i32_0 = arith.constant 0 : i32
    %c0_i32_1 = arith.constant 0 : i32
    return %c0_i32, %c0_i32_0 : i32, i32
  }
  func.func @transform_5(%arg0: i32) -> (i32, i32) {
    %c0_i32 = arith.constant 0 : i32
    %c0_i32_0 = arith.constant 0 : i32
    %c0_i32_1 = arith.constant 0 : i32
    return %c0_i32, %c0_i32_0 : i32, i32
  }
  func.func @transform_6(%arg0: i32) -> (i32, i32) {
    %c0_i32 = arith.constant 0 : i32
    %c0_i32_0 = arith.constant 0 : i32
    %c0_i32_1 = arith.constant 0 : i32
    return %c0_i32, %c0_i32_0 : i32, i32
  }
  func.func @transform_7(%arg0: i32) -> (i32, i32) {
    %c0_i32 = arith.constant 0 : i32
    %c0_i32_0 = arith.constant 0 : i32
    return %arg0, %c0_i32 : i32, i32
  }
}

module attributes {stable_mosaic.version = 14 : i64} {
  func.func @_layer3_head_body(%arg0: i32, %arg1: memref<1000x128xf32, #tpu.memory_space<vmem>>, %arg2: memref<1000x128xf32, #tpu.memory_space<vmem>>, %arg3: memref<1000x128xf32, #tpu.memory_space<vmem>>, %arg4: memref<1000x1xf32, #tpu.memory_space<vmem>>, %arg5: memref<128x128xf32, #tpu.memory_space<vmem>>, %arg6: memref<1x128xf32, #tpu.memory_space<vmem>>, %arg7: memref<128x128xf32, #tpu.memory_space<vmem>>, %arg8: memref<1000x1xi32, #tpu.memory_space<vmem>>, %arg9: memref<64x1xf32, #tpu.memory_space<vmem>>, %arg10: memref<128x128xf32, #tpu.memory_space<vmem>>, %arg11: memref<1x128xf32, #tpu.memory_space<vmem>>, %arg12: memref<128x10xf32, #tpu.memory_space<vmem>>, %arg13: memref<1x10xf32, #tpu.memory_space<vmem>>, %arg14: memref<64x10xf32, #tpu.memory_space<vmem>>, %arg15: memref<64x128xf32, #tpu.memory_space<vmem>>) attributes {dimension_semantics = [#tpu.dimension_semantics<arbitrary>], iteration_bounds = array<i64: 10>, scalar_prefetch = 0 : i64, scratch_operands = 1 : i64, tpu.core_type = #tpu.core_type<tc>, window_params = [{transform_indices = @transform_0, window_bounds = array<i64: 1000, 128>}, {transform_indices = @transform_1, window_bounds = array<i64: 1000, 128>}, {transform_indices = @transform_2, window_bounds = array<i64: 1000, 128>}, {transform_indices = @transform_3, window_bounds = array<i64: 1000, 1>}, {pipeline_mode = #tpu.pipeline_mode<synchronous>, transform_indices = @transform_4, window_bounds = array<i64: 128, 128>}, {pipeline_mode = #tpu.pipeline_mode<synchronous>, transform_indices = @transform_5, window_bounds = array<i64: 1, 128>}, {pipeline_mode = #tpu.pipeline_mode<synchronous>, transform_indices = @transform_6, window_bounds = array<i64: 128, 128>}, {transform_indices = @transform_7, window_bounds = array<i64: 1000, 1>}, {pipeline_mode = #tpu.pipeline_mode<synchronous>, transform_indices = @transform_8, window_bounds = array<i64: 64, 1>}, {pipeline_mode = #tpu.pipeline_mode<synchronous>, transform_indices = @transform_9, window_bounds = array<i64: 128, 128>}, {pipeline_mode = #tpu.pipeline_mode<synchronous>, transform_indices = @transform_10, window_bounds = array<i64: 1, 128>}, {pipeline_mode = #tpu.pipeline_mode<synchronous>, transform_indices = @transform_11, window_bounds = array<i64: 128, 10>}, {pipeline_mode = #tpu.pipeline_mode<synchronous>, transform_indices = @transform_12, window_bounds = array<i64: 1, 10>}, {pipeline_mode = #tpu.pipeline_mode<synchronous>, transform_indices = @transform_13, window_bounds = array<i64: 64, 10>}]} {
    %get3A = arith.constant 0 : index
    %get3A_0 = arith.constant 0 : index
    %get3A_1 = vector.load %arg4[%get3A, %get3A_0] : memref<1000x1xf32, #tpu.memory_space<vmem>>, vector<1000x1xf32>
    %get3A_2 = arith.constant 0 : index
    %get3A_3 = arith.constant 0 : index
    %get3A_4 = vector.load %arg1[%get3A_2, %get3A_3] : memref<1000x128xf32, #tpu.memory_space<vmem>>, vector<1000x128xf32>
    %get3A_5 = arith.constant 0 : index
    %get3A_6 = arith.constant 0 : index
    %get3A_7 = vector.load %arg2[%get3A_5, %get3A_6] : memref<1000x128xf32, #tpu.memory_space<vmem>>, vector<1000x128xf32>
    %add3A = arith.addf %get3A_4, %get3A_7 : vector<1000x128xf32>
    %get3A_8 = arith.constant 0 : index
    %get3A_9 = arith.constant 0 : index
    %get3A_10 = vector.load %arg5[%get3A_8, %get3A_9] : memref<128x128xf32, #tpu.memory_space<vmem>>, vector<128x128xf32>
    %dot_general3A = arith.constant dense<0.000000e+00> : vector<1000x128xf32>
    %dot_general3A_11 = tpu.matmul %add3A, %get3A_10, %dot_general3A {dimension_numbers = #tpu.dot_dimension_numbers<[1], [0], [0], [1], [0, 0, 1, 1], [], []>, transpose_lhs_hint = false} : vector<1000x128xf32>, vector<128x128xf32>, vector<1000x128xf32> -> vector<1000x128xf32>
    %get3A_12 = arith.constant 0 : index
    %get3A_13 = arith.constant 0 : index
    %get3A_14 = vector.load %arg6[%get3A_12, %get3A_13] : memref<1x128xf32, #tpu.memory_space<vmem>>, vector<1x128xf32>
    %add3A_15 = vector.broadcast %get3A_14 : vector<1x128xf32> to vector<1000x128xf32>
    %add3A_16 = arith.addf %dot_general3A_11, %add3A_15 : vector<1000x128xf32>
    %get3A_17 = arith.constant 0 : index
    %get3A_18 = arith.constant 0 : index
    %get3A_19 = vector.load %arg3[%get3A_17, %get3A_18] : memref<1000x128xf32, #tpu.memory_space<vmem>>, vector<1000x128xf32>
    %get3A_20 = arith.constant 0 : index
    %get3A_21 = arith.constant 0 : index
    %get3A_22 = vector.load %arg7[%get3A_20, %get3A_21] : memref<128x128xf32, #tpu.memory_space<vmem>>, vector<128x128xf32>
    %dot_general3A_23 = arith.constant dense<0.000000e+00> : vector<1000x128xf32>
    %dot_general3A_24 = tpu.matmul %get3A_19, %get3A_22, %dot_general3A_23 {dimension_numbers = #tpu.dot_dimension_numbers<[1], [0], [0], [1], [0, 0, 1, 1], [], []>, transpose_lhs_hint = false} : vector<1000x128xf32>, vector<128x128xf32>, vector<1000x128xf32> -> vector<1000x128xf32>
    %add3A_25 = arith.addf %add3A_16, %dot_general3A_24 : vector<1000x128xf32>
    %mul3A = vector.broadcast %get3A_1 : vector<1000x1xf32> to vector<1000x128xf32>
    %mul3A_26 = arith.mulf %mul3A, %add3A_25 : vector<1000x128xf32>
    %iota3A = tpu.iota {dimensions = array<i32: 1>} : vector<1x64xi32>
    %get3A_27 = arith.constant 0 : index
    %get3A_28 = arith.constant 0 : index
    %get3A_29 = vector.load %arg8[%get3A_27, %get3A_28] : memref<1000x1xi32, #tpu.memory_space<vmem>>, vector<1000x1xi32>
    %eq3A = vector.broadcast %get3A_29 : vector<1000x1xi32> to vector<1000x64xi32>
    %eq3A_30 = vector.broadcast %iota3A : vector<1x64xi32> to vector<1000x64xi32>
    %eq3A_31 = arith.cmpi eq, %eq3A, %eq3A_30 : vector<1000x64xi32>
    %convert_element_type3A = arith.extui %eq3A_31 : vector<1000x64xi1> to vector<1000x64xi32>
    %convert_element_type3A_32 = arith.sitofp %convert_element_type3A : vector<1000x64xi32> to vector<1000x64xf32>
    %dot_general3A_33 = arith.constant dense<0.000000e+00> : vector<64x128xf32>
    %dot_general3A_34 = tpu.matmul %convert_element_type3A_32, %mul3A_26, %dot_general3A_33 {dimension_numbers = #tpu.dot_dimension_numbers<[0], [0], [1], [1], [0, 1, 1, 1], [], []>, transpose_lhs_hint = false} : vector<1000x64xf32>, vector<1000x128xf32>, vector<64x128xf32> -> vector<64x128xf32>
    %eq3A_35 = arith.constant 0 : i32
    %eq3A_36 = arith.cmpi eq, %arg0, %eq3A_35 : i32
    %convert_element_type3A_37 = arith.extui %eq3A_36 : i1 to i32
    %cond3A = arith.constant 0 : i32
    %cond3A_38 = arith.cmpi ne, %convert_element_type3A_37, %cond3A : i32
    scf.if %cond3A_38 {
      %swap3A = arith.constant 0 : index
      %swap3A_48 = arith.constant 0 : index
      %swap3A_49 = vector.load %arg15[%swap3A, %swap3A_48] : memref<64x128xf32, #tpu.memory_space<vmem>>, vector<64x128xf32>
      tpu.vector_store %arg15[%swap3A, %swap3A_48], %dot_general3A_34 {strides = array<i32>} : memref<64x128xf32, #tpu.memory_space<vmem>>, vector<64x128xf32>,
    } else {
    }
    %gt3A = arith.constant 0 : i32
    %gt3A_39 = arith.cmpi sgt, %arg0, %gt3A : i32
    %convert_element_type3A_40 = arith.extui %gt3A_39 : i1 to i32
    %cond3A_41 = arith.constant 0 : i32
    %cond3A_42 = arith.cmpi ne, %convert_element_type3A_40, %cond3A_41 : i32
    scf.if %cond3A_42 {
      %get3A_48 = arith.constant 0 : index
      %get3A_49 = arith.constant 0 : index
      %get3A_50 = vector.load %arg15[%get3A_48, %get3A_49] : memref<64x128xf32, #tpu.memory_space<vmem>>, vector<64x128xf32>
      %add3A_51 = arith.addf %get3A_50, %dot_general3A_34 : vector<64x128xf32>
      %swap3A = arith.constant 0 : index
      %swap3A_52 = arith.constant 0 : index
      %swap3A_53 = vector.load %arg15[%swap3A, %swap3A_52] : memref<64x128xf32, #tpu.memory_space<vmem>>, vector<64x128xf32>
      tpu.vector_store %arg15[%swap3A, %swap3A_52], %add3A_51 {strides = array<i32>} : memref<64x128xf32, #tpu.memory_space<vmem>>, vector<64x128xf32>,
    } else {
    }
    %eq3A_43 = arith.constant 9 : i32
    %eq3A_44 = arith.cmpi eq, %arg0, %eq3A_43 : i32
    %convert_element_type3A_45 = arith.extui %eq3A_44 : i1 to i32
    %cond3A_46 = arith.constant 0 : i32
    %cond3A_47 = arith.cmpi ne, %convert_element_type3A_45, %cond3A_46 : i32
    scf.if %cond3A_47 {
      %get3A_48 = arith.constant 0 : index
      %get3A_49 = arith.constant 0 : index
      %get3A_50 = vector.load %arg15[%get3A_48, %get3A_49] : memref<64x128xf32, #tpu.memory_space<vmem>>, vector<64x128xf32>
      %get3A_51 = arith.constant 0 : index
      %get3A_52 = arith.constant 0 : index
      %get3A_53 = vector.load %arg9[%get3A_51, %get3A_52] : memref<64x1xf32, #tpu.memory_space<vmem>>, vector<64x1xf32>
      %mul3A_54 = vector.broadcast %get3A_53 : vector<64x1xf32> to vector<64x128xf32>
      %mul3A_55 = arith.mulf %get3A_50, %mul3A_54 : vector<64x128xf32>
      %get3A_56 = arith.constant 0 : index
      %get3A_57 = arith.constant 0 : index
      %get3A_58 = vector.load %arg10[%get3A_56, %get3A_57] : memref<128x128xf32, #tpu.memory_space<vmem>>, vector<128x128xf32>
      %dot_general3A_59 = arith.constant dense<0.000000e+00> : vector<64x128xf32>
      %dot_general3A_60 = tpu.matmul %mul3A_55, %get3A_58, %dot_general3A_59 {dimension_numbers = #tpu.dot_dimension_numbers<[1], [0], [0], [1], [0, 0, 1, 1], [], []>, transpose_lhs_hint = false} : vector<64x128xf32>, vector<128x128xf32>, vector<64x128xf32> -> vector<64x128xf32>
      %get3A_61 = arith.constant 0 : index
      %get3A_62 = arith.constant 0 : index
      %get3A_63 = vector.load %arg11[%get3A_61, %get3A_62] : memref<1x128xf32, #tpu.memory_space<vmem>>, vector<1x128xf32>
      %add3A_64 = vector.broadcast %get3A_63 : vector<1x128xf32> to vector<64x128xf32>
      %add3A_65 = arith.addf %dot_general3A_60, %add3A_64 : vector<64x128xf32>
      %max3A = arith.constant 0.000000e+00 : f32
      %max3A_66 = vector.broadcast %max3A : f32 to vector<64x128xf32>
      %max3A_67 = arith.maximumf %add3A_65, %max3A_66 : vector<64x128xf32>
      %get3A_68 = arith.constant 0 : index
      %get3A_69 = arith.constant 0 : index
      %get3A_70 = vector.load %arg12[%get3A_68, %get3A_69] : memref<128x10xf32, #tpu.memory_space<vmem>>, vector<128x10xf32>
      %dot_general3A_71 = arith.constant dense<0.000000e+00> : vector<64x10xf32>
      %dot_general3A_72 = tpu.matmul %max3A_67, %get3A_70, %dot_general3A_71 {dimension_numbers = #tpu.dot_dimension_numbers<[1], [0], [0], [1], [0, 0, 1, 1], [], []>, transpose_lhs_hint = false} : vector<64x128xf32>, vector<128x10xf32>, vector<64x10xf32> -> vector<64x10xf32>
      %get3A_73 = arith.constant 0 : index
      %get3A_74 = arith.constant 0 : index
      %get3A_75 = vector.load %arg13[%get3A_73, %get3A_74] : memref<1x10xf32, #tpu.memory_space<vmem>>, vector<1x10xf32>
      %add3A_76 = vector.broadcast %get3A_75 : vector<1x10xf32> to vector<64x10xf32>
      %add3A_77 = arith.addf %dot_general3A_72, %add3A_76 : vector<64x10xf32>
      %reduce_max3A = arith.constant dense<0xFF800000> : vector<64xf32>
      %reduce_max3A_78 = vector.multi_reduction <maximumf>, %add3A_77, %reduce_max3A [1] : vector<64x10xf32> to vector<64xf32>
      %broadcast_in_dim3A = vector.shape_cast %reduce_max3A_78 : vector<64xf32> to vector<64x1xf32>
      %sub3A = vector.broadcast %broadcast_in_dim3A : vector<64x1xf32> to vector<64x10xf32>
      %sub3A_79 = arith.subf %add3A_77, %sub3A : vector<64x10xf32>
      %exp3A = math.exp %sub3A_79 : vector<64x10xf32>
      %reduce_sum3A = arith.constant dense<0.000000e+00> : vector<64xf32>
      %reduce_sum3A_80 = vector.multi_reduction <add>, %exp3A, %reduce_sum3A [1] : vector<64x10xf32> to vector<64xf32>
      %broadcast_in_dim3A_81 = vector.shape_cast %reduce_sum3A_80 : vector<64xf32> to vector<64x1xf32>
      %log3A = math.log %broadcast_in_dim3A_81 : vector<64x1xf32>
      %add3A_82 = arith.addf %log3A, %broadcast_in_dim3A : vector<64x1xf32>
      %sub3A_83 = vector.broadcast %add3A_82 : vector<64x1xf32> to vector<64x10xf32>
      %sub3A_84 = arith.subf %add3A_77, %sub3A_83 : vector<64x10xf32>
      %swap3A = arith.constant 0 : index
      %swap3A_85 = arith.constant 0 : index
      %swap3A_86 = vector.load %arg14[%swap3A, %swap3A_85] : memref<64x10xf32, #tpu.memory_space<vmem>>, vector<64x10xf32>
      tpu.vector_store %arg14[%swap3A, %swap3A_85], %sub3A_84 {strides = array<i32>} : memref<64x10xf32, #tpu.memory_space<vmem>>, vector<64x10xf32>,
    } else {
    }
    return
  }
  func.func @transform_0(%arg0: i32) -> (i32, i32) {
    %c0_i32 = arith.constant 0 : i32
    %c0_i32_0 = arith.constant 0 : i32
    return %arg0, %c0_i32 : i32, i32
  }
  func.func @transform_1(%arg0: i32) -> (i32, i32) {
    %add3A = arith.constant 10 : i32
    %add3A_0 = arith.addi %arg0, %add3A : i32
    %c0_i32 = arith.constant 0 : i32
    %c0_i32_1 = arith.constant 0 : i32
    return %add3A_0, %c0_i32 : i32, i32
  }
  func.func @transform_2(%arg0: i32) -> (i32, i32) {
    %c0_i32 = arith.constant 0 : i32
    %c0_i32_0 = arith.constant 0 : i32
    return %arg0, %c0_i32 : i32, i32
  }
  func.func @transform_3(%arg0: i32) -> (i32, i32) {
    %c0_i32 = arith.constant 0 : i32
    %c0_i32_0 = arith.constant 0 : i32
    return %arg0, %c0_i32 : i32, i32
  }
  func.func @transform_4(%arg0: i32) -> (i32, i32) {
    %c0_i32 = arith.constant 0 : i32
    %c0_i32_0 = arith.constant 0 : i32
    %c0_i32_1 = arith.constant 0 : i32
    return %c0_i32, %c0_i32_0 : i32, i32
  }
  func.func @transform_5(%arg0: i32) -> (i32, i32) {
    %c0_i32 = arith.constant 0 : i32
    %c0_i32_0 = arith.constant 0 : i32
    %c0_i32_1 = arith.constant 0 : i32
    return %c0_i32, %c0_i32_0 : i32, i32
  }
  func.func @transform_6(%arg0: i32) -> (i32, i32) {
    %c0_i32 = arith.constant 0 : i32
    %c0_i32_0 = arith.constant 0 : i32
    %c0_i32_1 = arith.constant 0 : i32
    return %c0_i32, %c0_i32_0 : i32, i32
  }
  func.func @transform_7(%arg0: i32) -> (i32, i32) {
    %c0_i32 = arith.constant 0 : i32
    %c0_i32_0 = arith.constant 0 : i32
    return %arg0, %c0_i32 : i32, i32
  }
  func.func @transform_8(%arg0: i32) -> (i32, i32) {
    %c0_i32 = arith.constant 0 : i32
    %c0_i32_0 = arith.constant 0 : i32
    %c0_i32_1 = arith.constant 0 : i32
    return %c0_i32, %c0_i32_0 : i32, i32
  }
  func.func @transform_9(%arg0: i32) -> (i32, i32) {
    %c0_i32 = arith.constant 0 : i32
    %c0_i32_0 = arith.constant 0 : i32
    %c0_i32_1 = arith.constant 0 : i32
    return %c0_i32, %c0_i32_0 : i32, i32
  }
  func.func @transform_10(%arg0: i32) -> (i32, i32) {
    %c0_i32 = arith.constant 0 : i32
    %c0_i32_0 = arith.constant 0 : i32
    %c0_i32_1 = arith.constant 0 : i32
    return %c0_i32, %c0_i32_0 : i32, i32
  }
  func.func @transform_11(%arg0: i32) -> (i32, i32) {
    %c0_i32 = arith.constant 0 : i32
    %c0_i32_0 = arith.constant 0 : i32
    %c0_i32_1 = arith.constant 0 : i32
    return %c0_i32, %c0_i32_0 : i32, i32
  }
  func.func @transform_12(%arg0: i32) -> (i32, i32) {
    %c0_i32 = arith.constant 0 : i32
    %c0_i32_0 = arith.constant 0 : i32
    %c0_i32_1 = arith.constant 0 : i32
    return %c0_i32, %c0_i32_0 : i32, i32
  }
  func.func @transform_13(%arg0: i32) -> (i32, i32) {
    %c0_i32 = arith.constant 0 : i32
    %c0_i32_0 = arith.constant 0 : i32
    %c0_i32_1 = arith.constant 0 : i32
    return %c0_i32, %c0_i32_0 : i32, i32
  }
}

</mosaic_0001>

<sc_bundles>
// kernel: kernel.12.cloned.1.call-start
scs
__scs_entry_jumppad:
0x0: {  	(pc) =	sbr.rel $0x88, $3  }
0x1: {  	(tag) =	ssettag $0x0;
	lr =	simm.s32 $0x1  }
0x2: {  	[smem:$0x3F91] =	sst lr;
	_ =	strace $0xD0000000  }
0x3: {  	_ = 	snop  }
0x4: {  	_ = 	snop  }
0x5: {  	_ = 	snop  }
0x6: {  	_ = 	snop  }
0x7: {  	_ = 	snop  }
__scs_overlays_trampoline_lowered:
0x8: {  	[smem:$0x3FA0] =	sst s0  }
0x9: {  	[smem:$0x3FA1] =	sst s1  }
0xa: {  	[smem:$0x3FA2] =	sst s2  }
0xb: {  	[smem:$0x3FA3] =	sst s3  }
0xc: {  	[smem:$0x3FA4] =	sst s4  }
0xd: {  	[smem:$0x3FA5] =	sst s5  }
0xe: {  	[smem:$0x3FA6] =	sst s6  }
0xf: {  	[smem:$0x3FA7] =	sst s7  }
0x10: {  	[smem:$0x3FA8] =	sst s8  }
0x11: {  	[smem:$0x3FA9] =	sst s9;
	s0 =	simm.s32 @!p0 $0x0  }
0x12: {  	s1 =	sld [smem:$0x3F8F];
	s0 =	simm.s32 @p0 $0x1  }
0x13: {  	[smem:$0x3FAA] =	sst s0;
	s0 =	simm.s32 @!p1 $0x0  }
0x14: {  	s2 =	sld [smem:$0x3F8E];
	s0 =	simm.s32 @p1 $0x1  }
0x15: {  	[smem:$0x3FAB] =	sst s0;
	s0 =	simm.s32 @!p2 $0x0  }
0x16: {  	s3 =	sld [smem:$0x3FDB];
	s0 =	simm.s32 @p2 $0x1  }
0x17: {  	s4 =	simm.s32 $0x1BF5;
	[smem:$0x3FAD] =	sst s0  }
0x18: {  	s0 =	sld [smem:$0x3F90];
	_ =	swait.ge [sflag:s4], $0x0  }
0x19: {  	s7 =	sld [smem:$0x3F91]  }
0x1a: {  	s8 =	sadd.s32 $0xFFFFE003, lr  }
0x1b: {  	s9 =	sadd.s32 $0xFFFFFEF7, lr;
	s5 =	simm.s32 $0xFFFFFFFF;
	p2 =	slt.u32 s8, $0xFFFFF086  }
0x1c: {  	p1 =	slt.u32 s9, $0xF7A;
	s5 =	simm.s32 @!p2 $0x0  }
0x1d: {  	s5 =	simm.s32 @p1 $0x1;
	p0 =	seq.s32 s7, s2  }
0x1e: {  	s7 =	smul.u32 @!p0 $0xF7A, s2;
	p2 =	seq.s32 @!p0 s5, $0x0  }
0x1f: {  	s9 =	smul.u32 $0xF7A, s1;
	s8 =	simm.s32 @!p0 $0x1BF5;
	p2 =	por !p2, p0  }
0x20: {  	[sflag:s8] =	ssyncset.s32 @!p0 $0xFFFFF086;
	s6 =	sadd.s32 @!p0 s3, s7;
	s7 =	simm.s32 @!p0 $0x108  }
0x21: {  	s3 =	sadd.s32 s3, s9;
	s6 =	sadd.s32 @!p0 $0x88, s6;
	s7 =	simm.s32 @p2 $0x1082  }
0x22: {  	[simem:s7], [sflag:s8] =	dma.local @!p0 [hbm:s6], $0xF7A  }
0x23: {  	s9 =	sor.u32 $0xD0000000, s2;
	s6 =	simm.s32 $0x108;
	_ =	swait.ge @!p0 [sflag:s8], $0x0  }
0x24: {  	s3 =	sadd.s32 $0x88, s3;
	s6 =	simm.s32 @!p1 $0x1082;
	[sflag:s4] =	ssyncset.s32 $0xFFFFF086  }
0x25: {  	[simem:s6], [sflag:s4] =	dma.local [hbm:s3], $0xF7A  }
0x26: {  	[smem:$0x3F91] =	sst s1;
	(tag) =	ssettag s2;
	_ =	strace s9  }
0x27: {  	s1 =	sld [smem:$0x3FA1]  }
0x28: {  	s2 =	sld [smem:$0x3FA2]  }
0x29: {  	s4 =	sld [smem:$0x3FA4]  }
0x2a: {  	p0 =	seq.s32 s5, $0x0;
	s5 =	sld [smem:$0x3FA5]  }
0x2b: {  	s6 =	sld [smem:$0x3FA6]  }
0x2c: {  	s7 =	sld [smem:$0x3FA7]  }
0x2d: {  	s3 =	simm.s32 $0x108;
	s8 =	sld [smem:$0x3FA8]  }
0x2e: {  	s3 =	simm.s32 @!p0 $0x1082;
	s9 =	sld [smem:$0x3FA9]  }
0x2f: {  	lr =	sadd.s32 s0, s3;
	s0 =	sld [smem:$0x3FA0]  }
0x30: {  	s3 =	sld [smem:$0x3FA3]  }
0x31: {  	[smem:$0x3FAC] =	sst s10  }
0x32: {  	s10 =	sld [smem:$0x3FAA];
	_ =	sdelay $0x3  }
0x33: {  	p0 =	seq.s32 s10, $0x1;
	s10 =	sld [smem:$0x3FAC];
	_ =	sdelay $0x3  }
0x34: {  	[smem:$0x3FAC] =	sst s10  }
0x35: {  	s10 =	sld [smem:$0x3FAB];
	_ =	sdelay $0x3  }
0x36: {  	p1 =	seq.s32 s10, $0x1;
	s10 =	sld [smem:$0x3FAC];
	_ =	sdelay $0x3  }
0x37: {  	[smem:$0x3FAC] =	sst s10  }
0x38: {  	s10 =	sld [smem:$0x3FAD]  }
0x39: {  	_ = 	snop;
	(pc) =	sbr.ind lr, $3  }
0x3a: {  	_ = 	snop  }
0x3b: {  	_ = 	snop  }
0x3c: {  	p2 =	seq.s32 s10, $0x1;
	s10 =	sld [smem:$0x3FAC]  }
0x3d: {  	_ =	shalt  }
0x3e: {  	_ =	shalt  }
0x3f: {  	_ =	shalt  }
0x40: {  	_ =	shalt  }
0x41: {  	_ =	shalt  }
0x42: {  	_ =	shalt  }
0x43: {  	_ =	shalt  }
0x44: {  	_ =	shalt  }
0x45: {  	_ =	shalt  }
0x46: {  	_ =	shalt  }
0x47: {  	_ =	shalt  }
0x48: {  	_ =	shalt  }
0x49: {  	_ =	shalt  }
0x4a: {  	_ =	shalt  }
0x4b: {  	_ =	shalt  }
0x4c: {  	_ =	shalt  }
0x4d: {  	_ =	shalt  }
0x4e: {  	_ =	shalt  }
0x4f: {  	_ =	shalt  }
0x50: {  	_ =	shalt  }
0x51: {  	_ =	shalt  }
0x52: {  	_ =	shalt  }
0x53: {  	_ =	shalt  }
0x54: {  	_ =	shalt  }
0x55: {  	_ =	shalt  }
0x56: {  	_ =	shalt  }
0x57: {  	_ =	shalt  }
0x58: {  	_ =	shalt  }
0x59: {  	_ =	shalt  }
0x5a: {  	_ =	shalt  }
0x5b: {  	_ =	shalt  }
0x5c: {  	_ =	shalt  }
0x5d: {  	_ =	shalt  }
0x5e: {  	_ =	shalt  }
0x5f: {  	_ =	shalt  }
0x60: {  	_ =	shalt  }
0x61: {  	_ =	shalt  }
0x62: {  	_ =	shalt  }
0x63: {  	_ =	shalt  }
0x64: {  	_ =	shalt  }
0x65: {  	_ =	shalt  }
0x66: {  	_ =	shalt  }
0x67: {  	_ =	shalt  }
0x68: {  	_ =	shalt  }
0x69: {  	_ =	shalt  }
0x6a: {  	_ =	shalt  }
0x6b: {  	_ =	shalt  }
0x6c: {  	_ =	shalt  }
0x6d: {  	_ =	shalt  }
0x6e: {  	_ =	shalt  }
0x6f: {  	_ =	shalt  }
0x70: {  	_ =	shalt  }
0x71: {  	_ =	shalt  }
0x72: {  	_ =	shalt  }
0x73: {  	_ =	shalt  }
0x74: {  	_ =	shalt  }
0x75: {  	_ =	shalt  }
0x76: {  	_ =	shalt  }
0x77: {  	_ =	shalt  }
0x78: {  	_ =	shalt  }
0x79: {  	_ =	shalt  }
0x7a: {  	_ =	shalt  }
0x7b: {  	_ =	shalt  }
0x7c: {  	_ =	shalt  }
0x7d: {  	_ =	shalt  }
0x7e: {  	_ =	shalt  }
0x7f: {  	_ =	shalt  }
0x80: {  	_ =	shalt  }
0x81: {  	_ =	shalt  }
0x82: {  	_ =	shalt  }
0x83: {  	_ =	shalt  }
0x84: {  	_ =	shalt  }
0x85: {  	_ =	shalt  }
0x86: {  	_ =	shalt  }
0x87: {  	_ =	shalt  }
.Lfunc_end0:
.L_simem_size_0:
called_computation.1_lowered:
.L_overlay_start_0:
0x88: {  	s2 =	sld [smem:$0x3FD9]  }
0x89: {  	s3 =	sld [smem:$0x3FFE];
	_ =	sdelay $0x1  }
0x8a: {  	s1 =	srdreg.scid  }
0x8b: {  	s0 =	sand.u32 $0x1, s1  }
0x8c: {  	s16 =	sshll.u32 s0, $0xA;
	s2 =	sadd.s32 s3, s2  }
0x8d: {  	s2 =	sadd.s32 s2, s16  }
0x8e: {  	[smem:$0x3FB8] =	sst s2  }
0x8f: {  	_ = 	snop  }
0x90: {  	(tm) =	ssettm $0x1  }
0x91: {  	s17 =	sld [smem:$0x3FFB];
	_ =	sdelay $0x3  }
0x92: {  	_ =	strace s17  }
0x93: {  	s2 =	sld [smem:$0x3FFC];
	_ =	sdelay $0x3  }
0x94: {  	_ =	strace s2  }
0x95: {  	s2 =	sld [smem:$0x3FFD];
	_ =	sdelay $0x3  }
0x96: {  	_ =	strace s2  }
0x97: {  	_ =	strace $0x8FFFFFFF  }
0x98: {  	s18 =	sld [smem:$0x3FDB];
	_ =	sdelay $0x1  }
0x99: {  	s19 =	simm.s32 $_scs_section_size  }
0x9a: {  	s4 =	simm.s32 $_size__tile_overlayer_lowered;
	s5 =	simm.s32 $_tile_overlayer_lowered  }
0x9b: {  	s22 =	simm.s32 $0x1BFF;
	s21 =	sshll.u32 s5, $0x1;
	s2 =	sadd.s32 s19, s18  }
0x9c: {  	s6 =	simm.s32 $0x0;
	s20 =	sshll.u32 s4, $0x1;
	s4 =	sadd.s32 s21, s2  }
0x9d: {  	[timem:s6], [sflag:s22] =	dma.local [hbm:s4], s20  }
0x9e: {  	_ =	swait.ge [sflag:s22], s20  }
0x9f: {  	s3 =	ssub.s32 $0x0, s20;
	[sflag:s22] =	ssyncset.done $0x0  }
0xa0: {  	[sflag:s22] =	ssyncadd.s32 s3;
	_ =	sdelay $0x1  }
0xa1: {  	s23 =	simm.s32 $0x1B8B  }
0xa2: {  	_ =	swait.ge [sflag:s23], $0x1  }
0xa3: {  	[sflag:s23] =	ssyncset.done $0x0  }
0xa4: {  	s25 =	simm.s32 $0x1B8E;
	s24 =	sld [smem:$0x3FFE];
	[sflag:s23] =	ssyncadd.s32 $0xFFFFFFFF  }
0xa5: {  	s26 =	simm.s32 $execute0_lowered;
	[smem:$0x3FD2] =	sst s25  }
0xa6: {  	s4 =	sshll.u32 s26, $0x1;
	_ =	strace $0x80000049;
	[dreg:$0x1] =	wrdreg $0xFFFFFFFF  }
0xa7: {  	s28 =	simm.s32 $_size_execute0_lowered;
	s2 =	sadd.s32 s2, s4;
	[dreg:$0x0] =	wrdreg $0x0  }
0xa8: {  	s4 =	sshll.u32 s28, $0x1;
	[dreg:$0x2] =	wrdreg s2  }
0xa9: {  	[dreg:$0x3] =	wrdreg s4  }
0xaa: {  	[dreg:$0x4] =	wrdreg $0xC0  }
0xab: {  	_ =	task [dreg:s6], $0x5FFFF  }
0xac: {  	[dreg:$0x1] =	wrdreg $0xFFFFFFFF  }
0xad: {  	[dreg:$0x0] =	wrdreg $0x60  }
0xae: {  	[dreg:$0x2] =	wrdreg s24  }
0xaf: {  	[dreg:$0x3] =	wrdreg $0x4F000  }
0xb0: {  	[dreg:$0x4] =	wrdreg $0x9  }
0xb1: {  	_ =	task.clear_ibuf [dreg:s6], $0x5FFFF;
	_ =	strace $0x90000049  }
0xb2: {  	s29 =	simm.s32 $0x9;
	_ =	strace $0x8000004B  }
0xb3: {  	_ =	swait.ge [sflag:s29], $0x1  }
0xb4: {  	[sflag:s29] =	ssyncadd.s32 $0xFFFFFFFF  }
0xb5: {  	_ =	strace $0x9000004B  }
0xb6: {  	_ =	sfence  }
0xb7: {  	s30 =	sld [smem:$0x0];
	_ =	sdelay $0x2  }
0xb8: {  	s31 =	sshll.u32 s1, $0xD;
	s1 =	sshrl.u32 s1, $0x2  }
0xb9: {  	s3 =	sand.u32 $0x4000, s31;
	s1 =	sadd.s32 s1, s30  }
0xba: {  	s0 =	sor.u32 s3, s0;
	s1 =	sshll.u32 s1, $0x11  }
0xbb: {  	s0 =	sor.u32 s1, s0  }
0xbc: {  	s0 =	sadd.s32 $0x8F2B, s0  }
0xbd: {  	[sflag:s0] =	ssyncadd.remote.s32 $0x1  }
0xbe: {  	_ =	sfence.sel $0xFFFF  }
0xbf: {  	[dreg:$0x0] =	wrdreg $0xFFFFFFFF;
	(pc) =	sbr.abs _section_cstart, $3  }
0xc0: {  	[dreg:$0x1] =	wrdreg $0xFFFFFFFF  }
0xc1: {  	_ =	task.clear_ibuf [dreg:s6], $0x2FFFF;
	_ =	strace $0x9FFFFFFF  }
0xc2: {  	(tm) =	ssettm $0x7FFFFFFF  }
0xc3: {  	_ =	shalt  }
tec
execute0_lowered:
.L_overlay_start_1:
0x0: {  	(tag) =	ssettag $0x1  }
0x1: {  	s0 =	rddreg [dreg:$0x0]  }
0x2: {  	s1 =	srdreg.scid;
	s2 =	stileid.u32  }
0x3: {  	s19 =	simm.s32 $0x0;
	s14 =	simm.s32 $0x80;
	s15 =	simm.s32 $0x400  }
0x4: {  	s17 =	simm.s32 $0x28;
	s28 =	simm.s32 $0x2;
	s29 =	simm.s32 $0x3  }
0x5: {  	s30 =	simm.s32 $0x4;
	s31 =	simm.s32 $0x5;
	s16 =	simm.s32 $0x7  }
0x6: {  	s5 =	sand.u32 $0x1, s1;
	s18 =	sshrl.u32 s2, $0x2;
	s1 =	rddreg [dreg:$0x1]  }
0x7: {  	s3 =	sshll.u32 s2, $0x8;
	[smem:$0x7FF] =	sst s19;
	s8 =	smul.u32 $0x4E000, s2  }
0x8: {  	s10 =	smul.u32 $0x2700, s2;
	s22 =	sshll.u32 s2, $0x6;
	p0 =	sne.s32 s2, $0x0  }
0x9: {  	s19 =	simm.s32 $0x19B80;
	s2 =	simm.s32 $0x0;
	s4 =	smul.u32 $0x13C00, s18  }
0xa: {  	s6 =	sshll.u32 s5, $0x7;
	s3 =	sand.u32 $0x300, s3;
	s21 =	smul.u32 $0x138800, s5  }
0xb: {  	_ =	strace $0x8000004A;
	s7 =	ssub.s32 $0x2, s5;
	s12 =	smul.u32 $0x27100, s5  }
0xc: {  	s5 =	sor.u32 $0x1C0B, s22;
	s13 =	sadd.s32 $0x138000, s1;
	s18 =	simm.s32 $0x18780  }
0xd: {  	s22 =	simm.s32 $0x9;
	s3 =	sor.u32 s6, s3;
	s9 =	sshrl.u32 s7, $0x1  }
0xe: {  	s8 =	sshrl.u32 s8, $0x2;
	s13 =	sshrl.u32 @!p0 s13, $0x3;
	s3 =	sor.u32 s4, s3  }
0xf: {  	s7 =	ssub.s32 s7, s9;
	s11 =	sadd.s32 s8, s1;
	s23 =	sshrl.u32 s21, $0x3  }
0x10: {  	s25 =	sadd.s32 s10, s12;
	s12 =	simm.s32 $0xB;
	s21 =	simm.s32 $0x1AF80  }
0x11: {  	s4 =	sshrl.u32 s3, $0x3;
	s3 =	sadd.s32 $0x19600, s0;
	s10 =	smax.u32 s7, $0x1  }
0x12: {  	s20 =	sadd.s32 s4, s0;
	s4 =	sadd.s32 $0x16E00, s0;
	s0 =	sadd.s32 $0x40800, s0  }
0x13: {  	s11 =	sshrl.u32 s11, $0x3;
	s24 =	sadd.s32 $0x3200, s20;
	s26 =	sadd.s32 s0, s23  }
0x14: {  	s6 =	sadd.s32 $0xD000, s20;
	s0 =	sadd.s32 s0, s25;
	[dreg:$0x3] =	wrdreg s24  }
0x15: {  	s23 =	simm.s32 $0x1C380;
	s25 =	simm.s32 $0x1D780;
	[dreg:$0x4] =	wrdreg s6  }
0x16: {  	s20 =	simm.s32 $0x8;
	[dreg:$0x5] =	wrdreg s0;
	s9 =	sadd.s32 $0x27000, s26  }
0x17: {  	s26 =	simm.s32 $0x1;
	s0 =	simm.s32 $0x6;
	s24 =	simm.s32 $0xA  }
.LBB2_1:
0x18: {  	[spmem:s11], [sflag:s5] =	dma.local [hbm:s4], $0x2700  }
0x19: {  	_ =	swait.ge [sflag:s12], $0x2700  }
0x1a: {  	[sflag:s12] =	ssyncset.done $0x0  }
0x1b: {  	s6 =	simm.s32 @!p0 $0xB;
	[sflag:s12] =	ssyncadd.s32 $0xFFFFD900  }
0x1c: {  	[spmem:s13], [sflag:s5] =	dma.local @!p0 [hbm:s4], $0x100  }
0x1d: {  	_ =	swait.ge @!p0 [sflag:s6], $0x100  }
0x1e: {  	[sflag:s6] =	ssyncset.done @!p0 $0x0  }
0x1f: {  	s7 =	rddreg [dreg:$0x3];
	[sflag:s6] =	ssyncadd.s32 @!p0 $0xFFFFFF00;
	s6 =	simm.s32 $0x0  }
0x20: {  	[tilespmem:s6], [sflag:$0xB] =	stream.strided.gather [hbm4b:s7+s14], $0x2780, s15, s14, $0x38;
	[tilespmem:$0x1EB80] =	vst v63  }
0x21: {  	_ =	swait.ge [sflag:s12], $0x2780  }
0x22: {  	[sflag:s12] =	ssyncset.done $0x0  }
0x23: {  	s8 =	simm.s32 $0x2780;
	s7 =	rddreg [dreg:$0x4];
	[sflag:s12] =	ssyncadd.s32 $0xFFFFD880  }
0x24: {  	[tilespmem:s8], [sflag:$0xB] =	stream.strided.gather [hbm4b:s7+s14], $0x2780, s15, s14, $0x38;
	[tilespmem:$0x1EB80] =	vst v63  }
0x25: {  	_ =	swait.ge [sflag:s12], $0x2780  }
0x26: {  	[sflag:s12] =	ssyncset.done $0x0  }
0x27: {  	[sflag:s12] =	ssyncadd.s32 $0xFFFFD880  }
0x28: {  	[bflag:$0x0] =	sbarrier.arrive $0xFFFF  }
0x29: {  	[tilespmem:s18], [sflag:$0x1] =	stream.indirect.gather [hbm4b:s3+s17], $0x80, s6, s17, $0xb8;
	[tilespmem:$0x1EB80] =	vst v63  }
0x2a: {  	_ = 	snop  }
0x2b: {  	[tilespmem:s19], [sflag:$0x2] =	stream.indirect.gather [hbm4b:s3+s17], $0x80, s17, s17, $0xb8;
	[tilespmem:$0x1EB80] =	vst v63  }
0x2c: {  	s7 =	simm.s32 $0x50  }
0x2d: {  	[tilespmem:s21], [sflag:$0x3] =	stream.indirect.gather [hbm4b:s3+s17], $0x80, s7, s17, $0xb8;
	[tilespmem:$0x1EB80] =	vst v63  }
0x2e: {  	s8 =	simm.s32 $0x78  }
0x2f: {  	[tilespmem:s23], [sflag:$0x4] =	stream.indirect.gather [hbm4b:s3+s17], $0x80, s8, s17, $0xb8;
	[tilespmem:$0x1EB80] =	vst v63  }
0x30: {  	s7 =	simm.s32 $0xA0  }
0x31: {  	[tilespmem:s25], [sflag:$0x5] =	stream.indirect.gather [hbm4b:s3+s17], $0x80, s7, s17, $0xb8;
	[tilespmem:$0x1EB80] =	vst v63  }
0x32: {  	_ =	swait.ge [sflag:s26], $0x1400  }
0x33: {  	[sflag:s26] =	ssyncset.done $0x0  }
0x34: {  	s8 =	simm.s32 $0x2780;
	[sflag:s26] =	ssyncadd.s32 $0xFFFFEC00  }
0x35: {  	[spmem:s1] =	stream.indirect.scatter.add.f32 [tilespmem:s18], [sflag:$0x6], $0x80, s8, s17, $0xb8;
	[tilespmem:$0x1EB80] =	vst v63  }
0x36: {  	_ =	swait.ge [sflag:s28], $0x1400  }
0x37: {  	[sflag:s28] =	ssyncset.done $0x0  }
0x38: {  	s7 =	simm.s32 $0x27A8;
	[sflag:s28] =	ssyncadd.s32 $0xFFFFEC00  }
0x39: {  	[spmem:s1] =	stream.indirect.scatter.add.f32 [tilespmem:s19], [sflag:$0x7], $0x80, s7, s17, $0xb8;
	[tilespmem:$0x1EB80] =	vst v63  }
0x3a: {  	_ =	swait.ge [sflag:s29], $0x1400  }
0x3b: {  	[sflag:s29] =	ssyncset.done $0x0  }
0x3c: {  	s8 =	simm.s32 $0x27D0;
	[sflag:s29] =	ssyncadd.s32 $0xFFFFEC00  }
0x3d: {  	[spmem:s1] =	stream.indirect.scatter.add.f32 [tilespmem:s21], [sflag:$0x8], $0x80, s8, s17, $0xb8;
	[tilespmem:$0x1EB80] =	vst v63  }
0x3e: {  	_ =	swait.ge [sflag:s30], $0x1400  }
0x3f: {  	[sflag:s30] =	ssyncset.done $0x0  }
0x40: {  	s7 =	simm.s32 $0x27F8;
	[sflag:s30] =	ssyncadd.s32 $0xFFFFEC00  }
0x41: {  	[spmem:s1] =	stream.indirect.scatter.add.f32 [tilespmem:s23], [sflag:$0x9], $0x80, s7, s17, $0xb8;
	[tilespmem:$0x1EB80] =	vst v63  }
0x42: {  	_ =	swait.ge [sflag:s31], $0x1400  }
0x43: {  	[sflag:s31] =	ssyncset.done $0x0  }
0x44: {  	s8 =	simm.s32 $0x2820;
	[sflag:s31] =	ssyncadd.s32 $0xFFFFEC00  }
0x45: {  	[spmem:s1] =	stream.indirect.scatter.add.f32 [tilespmem:s25], [sflag:$0xA], $0x80, s8, s17, $0xb8;
	[tilespmem:$0x1EB80] =	vst v63  }
0x46: {  	_ =	swait.ge [sflag:s0], $0x1400  }
0x47: {  	[sflag:s0] =	ssyncset.done $0x0  }
0x48: {  	s7 =	simm.s32 $0xC8;
	[sflag:s0] =	ssyncadd.s32 $0xFFFFEC00  }
0x49: {  	[tilespmem:s18], [sflag:$0x1] =	stream.indirect.gather [hbm4b:s3+s17], $0x80, s7, s17, $0xb8;
	[tilespmem:$0x1EB80] =	vst v63  }
0x4a: {  	_ =	swait.ge [sflag:s16], $0x1400  }
0x4b: {  	[sflag:s16] =	ssyncset.done $0x0  }
0x4c: {  	s8 =	simm.s32 $0xF0;
	[sflag:s16] =	ssyncadd.s32 $0xFFFFEC00  }
0x4d: {  	[tilespmem:s19], [sflag:$0x2] =	stream.indirect.gather [hbm4b:s3+s17], $0x80, s8, s17, $0xb8;
	[tilespmem:$0x1EB80] =	vst v63  }
0x4e: {  	_ =	swait.ge [sflag:s20], $0x1400  }
0x4f: {  	[sflag:s20] =	ssyncset.done $0x0  }
0x50: {  	s7 =	simm.s32 $0x118;
	[sflag:s20] =	ssyncadd.s32 $0xFFFFEC00  }
0x51: {  	[tilespmem:s21], [sflag:$0x3] =	stream.indirect.gather [hbm4b:s3+s17], $0x80, s7, s17, $0xb8;
	[tilespmem:$0x1EB80] =	vst v63  }
0x52: {  	_ =	swait.ge [sflag:s22], $0x1400  }
0x53: {  	[sflag:s22] =	ssyncset.done $0x0  }
0x54: {  	s8 =	simm.s32 $0x140;
	[sflag:s22] =	ssyncadd.s32 $0xFFFFEC00  }
0x55: {  	[tilespmem:s23], [sflag:$0x4] =	stream.indirect.gather [hbm4b:s3+s17], $0x80, s8, s17, $0xb8;
	[tilespmem:$0x1EB80] =	vst v63  }
0x56: {  	_ =	swait.ge [sflag:s24], $0x1400  }
0x57: {  	[sflag:s24] =	ssyncset.done $0x0  }
0x58: {  	s6 =	simm.s32 $0x320;
	s7 =	simm.s32 $0x168;
	[sflag:s24] =	ssyncadd.s32 $0xFFFFEC00  }
.LBB2_2:
0x59: {  	[tilespmem:s25], [sflag:$0x5] =	stream.indirect.gather [hbm4b:s3+s17], $0x80, s7, s17, $0xb8;
	[tilespmem:$0x1EB80] =	vst v63  }
0x5a: {  	s7 =	smov.u32 s6  }
0x5b: {  	p1 =	sne.s32 s6, $0x9600;
	s6 =	sadd.s32 $0x320, s6;
	_ =	swait.ge [sflag:s26], $0x1400  }
0x5c: {  	s7 =	sshra.s32 s7, $0x2;
	[sflag:s26] =	ssyncset.done $0x0  }
0x5d: {  	s8 =	sadd.s32 $0x2780, s7;
	[sflag:s26] =	ssyncadd.s32 $0xFFFFEC00  }
0x5e: {  	[spmem:s1] =	stream.indirect.scatter.add.f32 [tilespmem:s18], [sflag:$0x6], $0x80, s8, s17, $0xb8;
	[tilespmem:$0x1EB80] =	vst v63  }
0x5f: {  	_ =	swait.ge [sflag:s28], $0x1400  }
0x60: {  	[sflag:s28] =	ssyncset.done $0x0  }
0x61: {  	s8 =	sadd.s32 $0x27A8, s7;
	[sflag:s28] =	ssyncadd.s32 $0xFFFFEC00  }
0x62: {  	[spmem:s1] =	stream.indirect.scatter.add.f32 [tilespmem:s19], [sflag:$0x7], $0x80, s8, s17, $0xb8;
	[tilespmem:$0x1EB80] =	vst v63  }
0x63: {  	_ =	swait.ge [sflag:s29], $0x1400  }
0x64: {  	[sflag:s29] =	ssyncset.done $0x0  }
0x65: {  	s8 =	sadd.s32 $0x27D0, s7;
	[sflag:s29] =	ssyncadd.s32 $0xFFFFEC00  }
0x66: {  	[spmem:s1] =	stream.indirect.scatter.add.f32 [tilespmem:s21], [sflag:$0x8], $0x80, s8, s17, $0xb8;
	[tilespmem:$0x1EB80] =	vst v63  }
0x67: {  	_ =	swait.ge [sflag:s30], $0x1400  }
0x68: {  	[sflag:s30] =	ssyncset.done $0x0  }
0x69: {  	s8 =	sadd.s32 $0x27F8, s7;
	[sflag:s30] =	ssyncadd.s32 $0xFFFFEC00  }
0x6a: {  	[spmem:s1] =	stream.indirect.scatter.add.f32 [tilespmem:s23], [sflag:$0x9], $0x80, s8, s17, $0xb8;
	[tilespmem:$0x1EB80] =	vst v63  }
0x6b: {  	_ =	swait.ge [sflag:s31], $0x1400  }
0x6c: {  	[sflag:s31] =	ssyncset.done $0x0  }
0x6d: {  	s8 =	sadd.s32 $0x2820, s7;
	[sflag:s31] =	ssyncadd.s32 $0xFFFFEC00  }
0x6e: {  	[spmem:s1] =	stream.indirect.scatter.add.f32 [tilespmem:s25], [sflag:$0xA], $0x80, s8, s17, $0xb8;
	[tilespmem:$0x1EB80] =	vst v63  }
0x6f: {  	_ =	swait.ge [sflag:s0], $0x1400  }
0x70: {  	[sflag:s0] =	ssyncset.done $0x0  }
0x71: {  	s8 =	sadd.s32 $0xC8, s7;
	[sflag:s0] =	ssyncadd.s32 $0xFFFFEC00  }
0x72: {  	[tilespmem:s18], [sflag:$0x1] =	stream.indirect.gather [hbm4b:s3+s17], $0x80, s8, s17, $0xb8;
	[tilespmem:$0x1EB80] =	vst v63  }
0x73: {  	_ =	swait.ge [sflag:s16], $0x1400  }
0x74: {  	[sflag:s16] =	ssyncset.done $0x0  }
0x75: {  	s8 =	sadd.s32 $0xF0, s7;
	[sflag:s16] =	ssyncadd.s32 $0xFFFFEC00  }
0x76: {  	[tilespmem:s19], [sflag:$0x2] =	stream.indirect.gather [hbm4b:s3+s17], $0x80, s8, s17, $0xb8;
	[tilespmem:$0x1EB80] =	vst v63  }
0x77: {  	_ =	swait.ge [sflag:s20], $0x1400  }
0x78: {  	[sflag:s20] =	ssyncset.done $0x0  }
0x79: {  	s8 =	sadd.s32 $0x118, s7;
	[sflag:s20] =	ssyncadd.s32 $0xFFFFEC00  }
0x7a: {  	[tilespmem:s21], [sflag:$0x3] =	stream.indirect.gather [hbm4b:s3+s17], $0x80, s8, s17, $0xb8;
	[tilespmem:$0x1EB80] =	vst v63  }
0x7b: {  	_ =	swait.ge [sflag:s22], $0x1400  }
0x7c: {  	[sflag:s22] =	ssyncset.done $0x0  }
.Ltmp0:
0x7d: {  	s8 =	sadd.s32 $0x140, s7;
	[sflag:s22] =	ssyncadd.s32 $0xFFFFEC00;
	(pc) =	sbr.rel @p1 .LBB2_2-.Ltmp0, $4  }
0x7e: {  	[tilespmem:s23], [sflag:$0x4] =	stream.indirect.gather [hbm4b:s3+s17], $0x80, s8, s17, $0xb8;
	[tilespmem:$0x1EB80] =	vst v63  }
0x7f: {  	_ =	swait.ge [sflag:s24], $0x1400  }
0x80: {  	[sflag:s24] =	ssyncset.done $0x0  }
0x81: {  	s7 =	sadd.s32 $0x168, s7;
	[sflag:s24] =	ssyncadd.s32 $0xFFFFEC00  }
0x82: {  	[tilespmem:s25], [sflag:$0x5] =	stream.indirect.gather [hbm4b:s3+s17], $0x80, s7, s17, $0xb8;
	[tilespmem:$0x1EB80] =	vst v63  }
0x83: {  	_ =	swait.ge [sflag:s26], $0x1400  }
0x84: {  	[sflag:s26] =	ssyncset.done $0x0  }
0x85: {  	s6 =	simm.s32 $0x4DC8;
	[sflag:s26] =	ssyncadd.s32 $0xFFFFEC00  }
0x86: {  	[spmem:s1] =	stream.indirect.scatter.add.f32 [tilespmem:s18], [sflag:$0x6], $0x80, s6, s17, $0xb8;
	[tilespmem:$0x1EB80] =	vst v63  }
0x87: {  	_ =	swait.ge [sflag:s28], $0x1400  }
0x88: {  	[sflag:s28] =	ssyncset.done $0x0  }
0x89: {  	s8 =	simm.s32 $0x4DF0;
	[sflag:s28] =	ssyncadd.s32 $0xFFFFEC00  }
0x8a: {  	[spmem:s1] =	stream.indirect.scatter.add.f32 [tilespmem:s19], [sflag:$0x7], $0x80, s8, s17, $0xb8;
	[tilespmem:$0x1EB80] =	vst v63  }
0x8b: {  	_ =	swait.ge [sflag:s29], $0x1400  }
0x8c: {  	[sflag:s29] =	ssyncset.done $0x0  }
0x8d: {  	s7 =	simm.s32 $0x4E18;
	[sflag:s29] =	ssyncadd.s32 $0xFFFFEC00  }
0x8e: {  	[spmem:s1] =	stream.indirect.scatter.add.f32 [tilespmem:s21], [sflag:$0x8], $0x80, s7, s17, $0xb8;
	[tilespmem:$0x1EB80] =	vst v63  }
0x8f: {  	_ =	swait.ge [sflag:s30], $0x1400  }
0x90: {  	[sflag:s30] =	ssyncset.done $0x0  }
0x91: {  	s8 =	simm.s32 $0x4E40;
	[sflag:s30] =	ssyncadd.s32 $0xFFFFEC00  }
0x92: {  	[spmem:s1] =	stream.indirect.scatter.add.f32 [tilespmem:s23], [sflag:$0x9], $0x80, s8, s17, $0xb8;
	[tilespmem:$0x1EB80] =	vst v63  }
0x93: {  	_ =	swait.ge [sflag:s31], $0x1400  }
0x94: {  	[sflag:s31] =	ssyncset.done $0x0  }
0x95: {  	s7 =	simm.s32 $0x4E68;
	[sflag:s31] =	ssyncadd.s32 $0xFFFFEC00  }
0x96: {  	[spmem:s1] =	stream.indirect.scatter.add.f32 [tilespmem:s25], [sflag:$0xA], $0x80, s7, s17, $0xb8;
	[tilespmem:$0x1EB80] =	vst v63  }
0x97: {  	_ =	swait.ge [sflag:s0], $0x1400  }
0x98: {  	[sflag:s0] =	ssyncset.done $0x0  }
0x99: {  	[sflag:s0] =	ssyncadd.s32 $0xFFFFEC00  }
0x9a: {  	_ =	swait.ge [sflag:s16], $0x1400  }
0x9b: {  	[sflag:s16] =	ssyncset.done $0x0  }
0x9c: {  	[sflag:s16] =	ssyncadd.s32 $0xFFFFEC00  }
0x9d: {  	_ =	swait.ge [sflag:s20], $0x1400  }
0x9e: {  	[sflag:s20] =	ssyncset.done $0x0  }
0x9f: {  	[sflag:s20] =	ssyncadd.s32 $0xFFFFEC00  }
0xa0: {  	_ =	swait.ge [sflag:s22], $0x1400  }
0xa1: {  	[sflag:s22] =	ssyncset.done $0x0  }
0xa2: {  	[sflag:s22] =	ssyncadd.s32 $0xFFFFEC00  }
0xa3: {  	_ =	swait.ge [sflag:s24], $0x1400  }
0xa4: {  	[sflag:s24] =	ssyncset.done $0x0  }
0xa5: {  	[sflag:s24] =	ssyncadd.s32 $0xFFFFEC00  }
0xa6: {  	[bflag:$0x0] =	sbarrier.arrive $0xFFFF  }
0xa7: {  	s8 =	rddreg [dreg:$0x5]  }
0xa8: {  	[hbm:s8], [sflag:s5] =	dma.local [spmem:s11], $0x2700  }
0xa9: {  	s2 =	sadd.s32 $0x1, s2;
	_ =	swait.ge [sflag:s12], $0x2700  }
0xaa: {  	p1 =	sne.s32 s2, s10;
	[sflag:s12] =	ssyncset.done $0x0  }
.Ltmp1:
0xab: {  	s6 =	simm.s32 @!p0 $0xB;
	[sflag:s12] =	ssyncadd.s32 $0xFFFFD900;
	(pc) =	sbr.rel @p1 .LBB2_1-.Ltmp1, $4  }
0xac: {  	[hbm:s9], [sflag:s5] =	dma.local @!p0 [spmem:s13], $0x100  }
0xad: {  	_ =	swait.ge @!p0 [sflag:s6], $0x100  }
0xae: {  	[sflag:s6] =	ssyncset.done @!p0 $0x0  }
0xaf: {  	[sflag:s6] =	ssyncadd.s32 @!p0 $0xFFFFFF00  }
0xb0: {  	_ =	sfence.sel $0x180000  }
0xb1: {  	[bflag:$0x0] =	sbarrier.arrive $0xFFFF  }
0xb2: {  	_ =	strace $0x9000004A  }
0xb3: {  	[bflag:$0x2] =	sbarrier.arrive $0xFFFF  }
0xb4: {  	s0 =	rddreg [dreg:$0x2]  }
0xb5: {  	s0 =	sadd.s32 @!p0 $0x100000, s0  }
0xb6: {  	[sflag:s0] =	ssyncadd.tile.s32 @!p0 $0x1;
	_ =	shalt  }
.Lfunc_end2:
_tile_overlayer_lowered:
.L_overlay_start_2:
0xb7: {  	(tag) =	ssettag $0x2  }
0xb8: {  	s0 =	rddreg [dreg:$0x0];
	s2 =	stileid.u32  }
0xb9: {  	s1 =	rddreg [dreg:$0x1];
	p0 =	sne.s32 s2, $0x0  }
0xba: {  	s3 =	rddreg [dreg:$0x2];
	[bflag:$0x3] =	sbarrier.arrive $0xFFFF;
	s2 =	simm.s32 @!p0 $0x1C0B  }
0xbb: {  	[timem:s3], [sflag:s2] =	dma.local @!p0 [hbm:s0], s1  }
0xbc: {  	s0 =	simm.s32 @!p0 $0xB  }
0xbd: {  	_ =	swait.ge @!p0 [sflag:s0], s1  }
0xbe: {  	s1 =	ssub.s32 @!p0 $0x0, s1;
	[sflag:s0] =	ssyncset.done @!p0 $0x0  }
0xbf: {  	[sflag:s0] =	ssyncadd.s32 @!p0 s1  }
0xc0: {  	[bflag:$0x3] =	sbarrier.arrive $0xFFFF  }
0xc1: {  	_ =	shalt  }

// kernel: kernel.15.cloned.1.call-start
scs
__scs_entry_jumppad:
0x0: {  	(pc) =	sbr.rel $0x88, $3  }
0x1: {  	(tag) =	ssettag $0x0;
	lr =	simm.s32 $0x1  }
0x2: {  	[smem:$0x3F91] =	sst lr;
	_ =	strace $0xD0000000  }
0x3: {  	_ = 	snop  }
0x4: {  	_ = 	snop  }
0x5: {  	_ = 	snop  }
0x6: {  	_ = 	snop  }
0x7: {  	_ = 	snop  }
__scs_overlays_trampoline_lowered:
0x8: {  	[smem:$0x3FA0] =	sst s0  }
0x9: {  	[smem:$0x3FA1] =	sst s1  }
0xa: {  	[smem:$0x3FA2] =	sst s2  }
0xb: {  	[smem:$0x3FA3] =	sst s3  }
0xc: {  	[smem:$0x3FA4] =	sst s4  }
0xd: {  	[smem:$0x3FA5] =	sst s5  }
0xe: {  	[smem:$0x3FA6] =	sst s6  }
0xf: {  	[smem:$0x3FA7] =	sst s7  }
0x10: {  	[smem:$0x3FA8] =	sst s8  }
0x11: {  	[smem:$0x3FA9] =	sst s9;
	s0 =	simm.s32 @!p0 $0x0  }
0x12: {  	s1 =	sld [smem:$0x3F8F];
	s0 =	simm.s32 @p0 $0x1  }
0x13: {  	[smem:$0x3FAA] =	sst s0;
	s0 =	simm.s32 @!p1 $0x0  }
0x14: {  	s2 =	sld [smem:$0x3F8E];
	s0 =	simm.s32 @p1 $0x1  }
0x15: {  	[smem:$0x3FAB] =	sst s0;
	s0 =	simm.s32 @!p2 $0x0  }
0x16: {  	s3 =	sld [smem:$0x3FDB];
	s0 =	simm.s32 @p2 $0x1  }
0x17: {  	s4 =	simm.s32 $0x1BF5;
	[smem:$0x3FAD] =	sst s0  }
0x18: {  	s0 =	sld [smem:$0x3F90];
	_ =	swait.ge [sflag:s4], $0x0  }
0x19: {  	s7 =	sld [smem:$0x3F91]  }
0x1a: {  	s8 =	sadd.s32 $0xFFFFE003, lr  }
0x1b: {  	s9 =	sadd.s32 $0xFFFFFEF7, lr;
	s5 =	simm.s32 $0xFFFFFFFF;
	p2 =	slt.u32 s8, $0xFFFFF086  }
0x1c: {  	p1 =	slt.u32 s9, $0xF7A;
	s5 =	simm.s32 @!p2 $0x0  }
0x1d: {  	s5 =	simm.s32 @p1 $0x1;
	p0 =	seq.s32 s7, s2  }
0x1e: {  	s7 =	smul.u32 @!p0 $0xF7A, s2;
	p2 =	seq.s32 @!p0 s5, $0x0  }
0x1f: {  	s9 =	smul.u32 $0xF7A, s1;
	s8 =	simm.s32 @!p0 $0x1BF5;
	p2 =	por !p2, p0  }
0x20: {  	[sflag:s8] =	ssyncset.s32 @!p0 $0xFFFFF086;
	s6 =	sadd.s32 @!p0 s3, s7;
	s7 =	simm.s32 @!p0 $0x108  }
0x21: {  	s3 =	sadd.s32 s3, s9;
	s6 =	sadd.s32 @!p0 $0x88, s6;
	s7 =	simm.s32 @p2 $0x1082  }
0x22: {  	[simem:s7], [sflag:s8] =	dma.local @!p0 [hbm:s6], $0xF7A  }
0x23: {  	s9 =	sor.u32 $0xD0000000, s2;
	s6 =	simm.s32 $0x108;
	_ =	swait.ge @!p0 [sflag:s8], $0x0  }
0x24: {  	s3 =	sadd.s32 $0x88, s3;
	s6 =	simm.s32 @!p1 $0x1082;
	[sflag:s4] =	ssyncset.s32 $0xFFFFF086  }
0x25: {  	[simem:s6], [sflag:s4] =	dma.local [hbm:s3], $0xF7A  }
0x26: {  	[smem:$0x3F91] =	sst s1;
	(tag) =	ssettag s2;
	_ =	strace s9  }
0x27: {  	s1 =	sld [smem:$0x3FA1]  }
0x28: {  	s2 =	sld [smem:$0x3FA2]  }
0x29: {  	s4 =	sld [smem:$0x3FA4]  }
0x2a: {  	p0 =	seq.s32 s5, $0x0;
	s5 =	sld [smem:$0x3FA5]  }
0x2b: {  	s6 =	sld [smem:$0x3FA6]  }
0x2c: {  	s7 =	sld [smem:$0x3FA7]  }
0x2d: {  	s3 =	simm.s32 $0x108;
	s8 =	sld [smem:$0x3FA8]  }
0x2e: {  	s3 =	simm.s32 @!p0 $0x1082;
	s9 =	sld [smem:$0x3FA9]  }
0x2f: {  	lr =	sadd.s32 s0, s3;
	s0 =	sld [smem:$0x3FA0]  }
0x30: {  	s3 =	sld [smem:$0x3FA3]  }
0x31: {  	[smem:$0x3FAC] =	sst s10  }
0x32: {  	s10 =	sld [smem:$0x3FAA];
	_ =	sdelay $0x3  }
0x33: {  	p0 =	seq.s32 s10, $0x1;
	s10 =	sld [smem:$0x3FAC];
	_ =	sdelay $0x3  }
0x34: {  	[smem:$0x3FAC] =	sst s10  }
0x35: {  	s10 =	sld [smem:$0x3FAB];
	_ =	sdelay $0x3  }
0x36: {  	p1 =	seq.s32 s10, $0x1;
	s10 =	sld [smem:$0x3FAC];
	_ =	sdelay $0x3  }
0x37: {  	[smem:$0x3FAC] =	sst s10  }
0x38: {  	s10 =	sld [smem:$0x3FAD]  }
0x39: {  	_ = 	snop;
	(pc) =	sbr.ind lr, $3  }
0x3a: {  	_ = 	snop  }
0x3b: {  	_ = 	snop  }
0x3c: {  	p2 =	seq.s32 s10, $0x1;
	s10 =	sld [smem:$0x3FAC]  }
0x3d: {  	_ =	shalt  }
0x3e: {  	_ =	shalt  }
0x3f: {  	_ =	shalt  }
0x40: {  	_ =	shalt  }
0x41: {  	_ =	shalt  }
0x42: {  	_ =	shalt  }
0x43: {  	_ =	shalt  }
0x44: {  	_ =	shalt  }
0x45: {  	_ =	shalt  }
0x46: {  	_ =	shalt  }
0x47: {  	_ =	shalt  }
0x48: {  	_ =	shalt  }
0x49: {  	_ =	shalt  }
0x4a: {  	_ =	shalt  }
0x4b: {  	_ =	shalt  }
0x4c: {  	_ =	shalt  }
0x4d: {  	_ =	shalt  }
0x4e: {  	_ =	shalt  }
0x4f: {  	_ =	shalt  }
0x50: {  	_ =	shalt  }
0x51: {  	_ =	shalt  }
0x52: {  	_ =	shalt  }
0x53: {  	_ =	shalt  }
0x54: {  	_ =	shalt  }
0x55: {  	_ =	shalt  }
0x56: {  	_ =	shalt  }
0x57: {  	_ =	shalt  }
0x58: {  	_ =	shalt  }
0x59: {  	_ =	shalt  }
0x5a: {  	_ =	shalt  }
0x5b: {  	_ =	shalt  }
0x5c: {  	_ =	shalt  }
0x5d: {  	_ =	shalt  }
0x5e: {  	_ =	shalt  }
0x5f: {  	_ =	shalt  }
0x60: {  	_ =	shalt  }
0x61: {  	_ =	shalt  }
0x62: {  	_ =	shalt  }
0x63: {  	_ =	shalt  }
0x64: {  	_ =	shalt  }
0x65: {  	_ =	shalt  }
0x66: {  	_ =	shalt  }
0x67: {  	_ =	shalt  }
0x68: {  	_ =	shalt  }
0x69: {  	_ =	shalt  }
0x6a: {  	_ =	shalt  }
0x6b: {  	_ =	shalt  }
0x6c: {  	_ =	shalt  }
0x6d: {  	_ =	shalt  }
0x6e: {  	_ =	shalt  }
0x6f: {  	_ =	shalt  }
0x70: {  	_ =	shalt  }
0x71: {  	_ =	shalt  }
0x72: {  	_ =	shalt  }
0x73: {  	_ =	shalt  }
0x74: {  	_ =	shalt  }
0x75: {  	_ =	shalt  }
0x76: {  	_ =	shalt  }
0x77: {  	_ =	shalt  }
0x78: {  	_ =	shalt  }
0x79: {  	_ =	shalt  }
0x7a: {  	_ =	shalt  }
0x7b: {  	_ =	shalt  }
0x7c: {  	_ =	shalt  }
0x7d: {  	_ =	shalt  }
0x7e: {  	_ =	shalt  }
0x7f: {  	_ =	shalt  }
0x80: {  	_ =	shalt  }
0x81: {  	_ =	shalt  }
0x82: {  	_ =	shalt  }
0x83: {  	_ =	shalt  }
0x84: {  	_ =	shalt  }
0x85: {  	_ =	shalt  }
0x86: {  	_ =	shalt  }
0x87: {  	_ =	shalt  }
.Lfunc_end0:
.L_simem_size_0:
called_computation.2_lowered:
.L_overlay_start_0:
0x88: {  	s2 =	sld [smem:$0x3FD9]  }
0x89: {  	s3 =	sld [smem:$0x3FFE];
	_ =	sdelay $0x1  }
0x8a: {  	s1 =	srdreg.scid  }
0x8b: {  	s0 =	sand.u32 $0x1, s1  }
0x8c: {  	s16 =	sshll.u32 s0, $0xA;
	s2 =	sadd.s32 s3, s2  }
0x8d: {  	s2 =	sadd.s32 s2, s16  }
0x8e: {  	[smem:$0x3FB8] =	sst s2  }
0x8f: {  	_ = 	snop  }
0x90: {  	(tm) =	ssettm $0x1  }
0x91: {  	s17 =	sld [smem:$0x3FFB];
	_ =	sdelay $0x3  }
0x92: {  	_ =	strace s17  }
0x93: {  	s2 =	sld [smem:$0x3FFC];
	_ =	sdelay $0x3  }
0x94: {  	_ =	strace s2  }
0x95: {  	s2 =	sld [smem:$0x3FFD];
	_ =	sdelay $0x3  }
0x96: {  	_ =	strace s2  }
0x97: {  	_ =	strace $0x8FFFFFFF  }
0x98: {  	s18 =	sld [smem:$0x3FDB];
	_ =	sdelay $0x1  }
0x99: {  	s19 =	simm.s32 $_scs_section_size  }
0x9a: {  	s4 =	simm.s32 $_size__tile_overlayer_lowered;
	s5 =	simm.s32 $_tile_overlayer_lowered  }
0x9b: {  	s22 =	simm.s32 $0x1BFF;
	s21 =	sshll.u32 s5, $0x1;
	s2 =	sadd.s32 s19, s18  }
0x9c: {  	s6 =	simm.s32 $0x0;
	s20 =	sshll.u32 s4, $0x1;
	s4 =	sadd.s32 s21, s2  }
0x9d: {  	[timem:s6], [sflag:s22] =	dma.local [hbm:s4], s20  }
0x9e: {  	_ =	swait.ge [sflag:s22], s20  }
0x9f: {  	s3 =	ssub.s32 $0x0, s20;
	[sflag:s22] =	ssyncset.done $0x0  }
0xa0: {  	[sflag:s22] =	ssyncadd.s32 s3;
	_ =	sdelay $0x1  }
0xa1: {  	s23 =	simm.s32 $0x1B8B  }
0xa2: {  	_ =	swait.ge [sflag:s23], $0x1  }
0xa3: {  	[sflag:s23] =	ssyncset.done $0x0  }
0xa4: {  	s25 =	simm.s32 $0x1B8E;
	s24 =	sld [smem:$0x3FFE];
	[sflag:s23] =	ssyncadd.s32 $0xFFFFFFFF  }
0xa5: {  	s26 =	simm.s32 $execute0_lowered;
	[smem:$0x3FD2] =	sst s25  }
0xa6: {  	s4 =	sshll.u32 s26, $0x1;
	_ =	strace $0x8000004C;
	[dreg:$0x1] =	wrdreg $0xFFFFFFFF  }
0xa7: {  	s28 =	simm.s32 $_size_execute0_lowered;
	s2 =	sadd.s32 s2, s4;
	[dreg:$0x0] =	wrdreg $0x0  }
0xa8: {  	s4 =	sshll.u32 s28, $0x1;
	[dreg:$0x2] =	wrdreg s2  }
0xa9: {  	[dreg:$0x3] =	wrdreg s4  }
0xaa: {  	[dreg:$0x4] =	wrdreg $0xC0  }
0xab: {  	_ =	task [dreg:s6], $0x5FFFF  }
0xac: {  	[dreg:$0x1] =	wrdreg $0xFFFFFFFF  }
0xad: {  	[dreg:$0x0] =	wrdreg $0x60  }
0xae: {  	[dreg:$0x2] =	wrdreg s24  }
0xaf: {  	[dreg:$0x3] =	wrdreg $0x4F000  }
0xb0: {  	[dreg:$0x4] =	wrdreg $0x9  }
0xb1: {  	_ =	task.clear_ibuf [dreg:s6], $0x5FFFF;
	_ =	strace $0x9000004C  }
0xb2: {  	s29 =	simm.s32 $0x9;
	_ =	strace $0x8000004E  }
0xb3: {  	_ =	swait.ge [sflag:s29], $0x1  }
0xb4: {  	[sflag:s29] =	ssyncadd.s32 $0xFFFFFFFF  }
0xb5: {  	_ =	strace $0x9000004E  }
0xb6: {  	_ =	sfence  }
0xb7: {  	s30 =	sld [smem:$0x0];
	_ =	sdelay $0x2  }
0xb8: {  	s31 =	sshll.u32 s1, $0xD;
	s1 =	sshrl.u32 s1, $0x2  }
0xb9: {  	s3 =	sand.u32 $0x4000, s31;
	s1 =	sadd.s32 s1, s30  }
0xba: {  	s0 =	sor.u32 s3, s0;
	s1 =	sshll.u32 s1, $0x11  }
0xbb: {  	s0 =	sor.u32 s1, s0  }
0xbc: {  	s0 =	sadd.s32 $0x8F2B, s0  }
0xbd: {  	[sflag:s0] =	ssyncadd.remote.s32 $0x1  }
0xbe: {  	_ =	sfence.sel $0xFFFF  }
0xbf: {  	[dreg:$0x0] =	wrdreg $0xFFFFFFFF;
	(pc) =	sbr.abs _section_cstart, $3  }
0xc0: {  	[dreg:$0x1] =	wrdreg $0xFFFFFFFF  }
0xc1: {  	_ =	task.clear_ibuf [dreg:s6], $0x2FFFF;
	_ =	strace $0x9FFFFFFF  }
0xc2: {  	(tm) =	ssettm $0x7FFFFFFF  }
0xc3: {  	_ =	shalt  }
tec
execute0_lowered:
.L_overlay_start_1:
0x0: {  	(tag) =	ssettag $0x1  }
0x1: {  	s0 =	rddreg [dreg:$0x0]  }
0x2: {  	s1 =	srdreg.scid;
	s2 =	stileid.u32  }
0x3: {  	s19 =	simm.s32 $0x0;
	s14 =	simm.s32 $0x80;
	s15 =	simm.s32 $0x400  }
0x4: {  	s17 =	simm.s32 $0x28;
	s28 =	simm.s32 $0x2;
	s29 =	simm.s32 $0x3  }
0x5: {  	s30 =	simm.s32 $0x4;
	s31 =	simm.s32 $0x5;
	s16 =	simm.s32 $0x7  }
0x6: {  	s5 =	sand.u32 $0x1, s1;
	s18 =	sshrl.u32 s2, $0x2;
	s1 =	rddreg [dreg:$0x1]  }
0x7: {  	s3 =	sshll.u32 s2, $0x8;
	[smem:$0x7FF] =	sst s19;
	s8 =	smul.u32 $0x4E000, s2  }
0x8: {  	s10 =	smul.u32 $0x2700, s2;
	s22 =	sshll.u32 s2, $0x6;
	p0 =	sne.s32 s2, $0x0  }
0x9: {  	s19 =	simm.s32 $0x19B80;
	s2 =	simm.s32 $0x0;
	s4 =	smul.u32 $0x13C00, s18  }
0xa: {  	s6 =	sshll.u32 s5, $0x7;
	s3 =	sand.u32 $0x300, s3;
	s21 =	smul.u32 $0x138800, s5  }
0xb: {  	_ =	strace $0x8000004D;
	s7 =	ssub.s32 $0x2, s5;
	s12 =	smul.u32 $0x27100, s5  }
0xc: {  	s5 =	sor.u32 $0x1C0B, s22;
	s13 =	sadd.s32 $0x138000, s1;
	s18 =	simm.s32 $0x18780  }
0xd: {  	s22 =	simm.s32 $0x9;
	s3 =	sor.u32 s6, s3;
	s9 =	sshrl.u32 s7, $0x1  }
0xe: {  	s8 =	sshrl.u32 s8, $0x2;
	s13 =	sshrl.u32 @!p0 s13, $0x3;
	s3 =	sor.u32 s4, s3  }
0xf: {  	s7 =	ssub.s32 s7, s9;
	s11 =	sadd.s32 s8, s1;
	s23 =	sshrl.u32 s21, $0x3  }
0x10: {  	s25 =	sadd.s32 s10, s12;
	s12 =	simm.s32 $0xB;
	s21 =	simm.s32 $0x1AF80  }
0x11: {  	s4 =	sshrl.u32 s3, $0x3;
	s3 =	sadd.s32 $0x19600, s0;
	s10 =	smax.u32 s7, $0x1  }
0x12: {  	s20 =	sadd.s32 s4, s0;
	s4 =	sadd.s32 $0x16E00, s0;
	s0 =	sadd.s32 $0x40800, s0  }
0x13: {  	s11 =	sshrl.u32 s11, $0x3;
	s24 =	sadd.s32 $0x3200, s20;
	s26 =	sadd.s32 s0, s23  }
0x14: {  	s6 =	sadd.s32 $0xD000, s20;
	s0 =	sadd.s32 s0, s25;
	[dreg:$0x3] =	wrdreg s24  }
0x15: {  	s23 =	simm.s32 $0x1C380;
	s25 =	simm.s32 $0x1D780;
	[dreg:$0x4] =	wrdreg s6  }
0x16: {  	s20 =	simm.s32 $0x8;
	[dreg:$0x5] =	wrdreg s0;
	s9 =	sadd.s32 $0x27000, s26  }
0x17: {  	s26 =	simm.s32 $0x1;
	s0 =	simm.s32 $0x6;
	s24 =	simm.s32 $0xA  }
.LBB2_1:
0x18: {  	[spmem:s11], [sflag:s5] =	dma.local [hbm:s4], $0x2700  }
0x19: {  	_ =	swait.ge [sflag:s12], $0x2700  }
0x1a: {  	[sflag:s12] =	ssyncset.done $0x0  }
0x1b: {  	s6 =	simm.s32 @!p0 $0xB;
	[sflag:s12] =	ssyncadd.s32 $0xFFFFD900  }
0x1c: {  	[spmem:s13], [sflag:s5] =	dma.local @!p0 [hbm:s4], $0x100  }
0x1d: {  	_ =	swait.ge @!p0 [sflag:s6], $0x100  }
0x1e: {  	[sflag:s6] =	ssyncset.done @!p0 $0x0  }
0x1f: {  	s7 =	rddreg [dreg:$0x3];
	[sflag:s6] =	ssyncadd.s32 @!p0 $0xFFFFFF00;
	s6 =	simm.s32 $0x0  }
0x20: {  	[tilespmem:s6], [sflag:$0xB] =	stream.strided.gather [hbm4b:s7+s14], $0x2780, s15, s14, $0x38;
	[tilespmem:$0x1EB80] =	vst v63  }
0x21: {  	_ =	swait.ge [sflag:s12], $0x2780  }
0x22: {  	[sflag:s12] =	ssyncset.done $0x0  }
0x23: {  	s8 =	simm.s32 $0x2780;
	s7 =	rddreg [dreg:$0x4];
	[sflag:s12] =	ssyncadd.s32 $0xFFFFD880  }
0x24: {  	[tilespmem:s8], [sflag:$0xB] =	stream.strided.gather [hbm4b:s7+s14], $0x2780, s15, s14, $0x38;
	[tilespmem:$0x1EB80] =	vst v63  }
0x25: {  	_ =	swait.ge [sflag:s12], $0x2780  }
0x26: {  	[sflag:s12] =	ssyncset.done $0x0  }
0x27: {  	[sflag:s12] =	ssyncadd.s32 $0xFFFFD880  }
0x28: {  	[bflag:$0x0] =	sbarrier.arrive $0xFFFF  }
0x29: {  	[tilespmem:s18], [sflag:$0x1] =	stream.indirect.gather [hbm4b:s3+s17], $0x80, s6, s17, $0xb8;
	[tilespmem:$0x1EB80] =	vst v63  }
0x2a: {  	_ = 	snop  }
0x2b: {  	[tilespmem:s19], [sflag:$0x2] =	stream.indirect.gather [hbm4b:s3+s17], $0x80, s17, s17, $0xb8;
	[tilespmem:$0x1EB80] =	vst v63  }
0x2c: {  	s7 =	simm.s32 $0x50  }
0x2d: {  	[tilespmem:s21], [sflag:$0x3] =	stream.indirect.gather [hbm4b:s3+s17], $0x80, s7, s17, $0xb8;
	[tilespmem:$0x1EB80] =	vst v63  }
0x2e: {  	s8 =	simm.s32 $0x78  }
0x2f: {  	[tilespmem:s23], [sflag:$0x4] =	stream.indirect.gather [hbm4b:s3+s17], $0x80, s8, s17, $0xb8;
	[tilespmem:$0x1EB80] =	vst v63  }
0x30: {  	s7 =	simm.s32 $0xA0  }
0x31: {  	[tilespmem:s25], [sflag:$0x5] =	stream.indirect.gather [hbm4b:s3+s17], $0x80, s7, s17, $0xb8;
	[tilespmem:$0x1EB80] =	vst v63  }
0x32: {  	_ =	swait.ge [sflag:s26], $0x1400  }
0x33: {  	[sflag:s26] =	ssyncset.done $0x0  }
0x34: {  	s8 =	simm.s32 $0x2780;
	[sflag:s26] =	ssyncadd.s32 $0xFFFFEC00  }
0x35: {  	[spmem:s1] =	stream.indirect.scatter.add.f32 [tilespmem:s18], [sflag:$0x6], $0x80, s8, s17, $0xb8;
	[tilespmem:$0x1EB80] =	vst v63  }
0x36: {  	_ =	swait.ge [sflag:s28], $0x1400  }
0x37: {  	[sflag:s28] =	ssyncset.done $0x0  }
0x38: {  	s7 =	simm.s32 $0x27A8;
	[sflag:s28] =	ssyncadd.s32 $0xFFFFEC00  }
0x39: {  	[spmem:s1] =	stream.indirect.scatter.add.f32 [tilespmem:s19], [sflag:$0x7], $0x80, s7, s17, $0xb8;
	[tilespmem:$0x1EB80] =	vst v63  }
0x3a: {  	_ =	swait.ge [sflag:s29], $0x1400  }
0x3b: {  	[sflag:s29] =	ssyncset.done $0x0  }
0x3c: {  	s8 =	simm.s32 $0x27D0;
	[sflag:s29] =	ssyncadd.s32 $0xFFFFEC00  }
0x3d: {  	[spmem:s1] =	stream.indirect.scatter.add.f32 [tilespmem:s21], [sflag:$0x8], $0x80, s8, s17, $0xb8;
	[tilespmem:$0x1EB80] =	vst v63  }
0x3e: {  	_ =	swait.ge [sflag:s30], $0x1400  }
0x3f: {  	[sflag:s30] =	ssyncset.done $0x0  }
0x40: {  	s7 =	simm.s32 $0x27F8;
	[sflag:s30] =	ssyncadd.s32 $0xFFFFEC00  }
0x41: {  	[spmem:s1] =	stream.indirect.scatter.add.f32 [tilespmem:s23], [sflag:$0x9], $0x80, s7, s17, $0xb8;
	[tilespmem:$0x1EB80] =	vst v63  }
0x42: {  	_ =	swait.ge [sflag:s31], $0x1400  }
0x43: {  	[sflag:s31] =	ssyncset.done $0x0  }
0x44: {  	s8 =	simm.s32 $0x2820;
	[sflag:s31] =	ssyncadd.s32 $0xFFFFEC00  }
0x45: {  	[spmem:s1] =	stream.indirect.scatter.add.f32 [tilespmem:s25], [sflag:$0xA], $0x80, s8, s17, $0xb8;
	[tilespmem:$0x1EB80] =	vst v63  }
0x46: {  	_ =	swait.ge [sflag:s0], $0x1400  }
0x47: {  	[sflag:s0] =	ssyncset.done $0x0  }
0x48: {  	s7 =	simm.s32 $0xC8;
	[sflag:s0] =	ssyncadd.s32 $0xFFFFEC00  }
0x49: {  	[tilespmem:s18], [sflag:$0x1] =	stream.indirect.gather [hbm4b:s3+s17], $0x80, s7, s17, $0xb8;
	[tilespmem:$0x1EB80] =	vst v63  }
0x4a: {  	_ =	swait.ge [sflag:s16], $0x1400  }
0x4b: {  	[sflag:s16] =	ssyncset.done $0x0  }
0x4c: {  	s8 =	simm.s32 $0xF0;
	[sflag:s16] =	ssyncadd.s32 $0xFFFFEC00  }
0x4d: {  	[tilespmem:s19], [sflag:$0x2] =	stream.indirect.gather [hbm4b:s3+s17], $0x80, s8, s17, $0xb8;
	[tilespmem:$0x1EB80] =	vst v63  }
0x4e: {  	_ =	swait.ge [sflag:s20], $0x1400  }
0x4f: {  	[sflag:s20] =	ssyncset.done $0x0  }
0x50: {  	s7 =	simm.s32 $0x118;
	[sflag:s20] =	ssyncadd.s32 $0xFFFFEC00  }
0x51: {  	[tilespmem:s21], [sflag:$0x3] =	stream.indirect.gather [hbm4b:s3+s17], $0x80, s7, s17, $0xb8;
	[tilespmem:$0x1EB80] =	vst v63  }
0x52: {  	_ =	swait.ge [sflag:s22], $0x1400  }
0x53: {  	[sflag:s22] =	ssyncset.done $0x0  }
0x54: {  	s8 =	simm.s32 $0x140;
	[sflag:s22] =	ssyncadd.s32 $0xFFFFEC00  }
0x55: {  	[tilespmem:s23], [sflag:$0x4] =	stream.indirect.gather [hbm4b:s3+s17], $0x80, s8, s17, $0xb8;
	[tilespmem:$0x1EB80] =	vst v63  }
0x56: {  	_ =	swait.ge [sflag:s24], $0x1400  }
0x57: {  	[sflag:s24] =	ssyncset.done $0x0  }
0x58: {  	s6 =	simm.s32 $0x320;
	s7 =	simm.s32 $0x168;
	[sflag:s24] =	ssyncadd.s32 $0xFFFFEC00  }
.LBB2_2:
0x59: {  	[tilespmem:s25], [sflag:$0x5] =	stream.indirect.gather [hbm4b:s3+s17], $0x80, s7, s17, $0xb8;
	[tilespmem:$0x1EB80] =	vst v63  }
0x5a: {  	s7 =	smov.u32 s6  }
0x5b: {  	p1 =	sne.s32 s6, $0x9600;
	s6 =	sadd.s32 $0x320, s6;
	_ =	swait.ge [sflag:s26], $0x1400  }
0x5c: {  	s7 =	sshra.s32 s7, $0x2;
	[sflag:s26] =	ssyncset.done $0x0  }
0x5d: {  	s8 =	sadd.s32 $0x2780, s7;
	[sflag:s26] =	ssyncadd.s32 $0xFFFFEC00  }
0x5e: {  	[spmem:s1] =	stream.indirect.scatter.add.f32 [tilespmem:s18], [sflag:$0x6], $0x80, s8, s17, $0xb8;
	[tilespmem:$0x1EB80] =	vst v63  }
0x5f: {  	_ =	swait.ge [sflag:s28], $0x1400  }
0x60: {  	[sflag:s28] =	ssyncset.done $0x0  }
0x61: {  	s8 =	sadd.s32 $0x27A8, s7;
	[sflag:s28] =	ssyncadd.s32 $0xFFFFEC00  }
0x62: {  	[spmem:s1] =	stream.indirect.scatter.add.f32 [tilespmem:s19], [sflag:$0x7], $0x80, s8, s17, $0xb8;
	[tilespmem:$0x1EB80] =	vst v63  }
0x63: {  	_ =	swait.ge [sflag:s29], $0x1400  }
0x64: {  	[sflag:s29] =	ssyncset.done $0x0  }
0x65: {  	s8 =	sadd.s32 $0x27D0, s7;
	[sflag:s29] =	ssyncadd.s32 $0xFFFFEC00  }
0x66: {  	[spmem:s1] =	stream.indirect.scatter.add.f32 [tilespmem:s21], [sflag:$0x8], $0x80, s8, s17, $0xb8;
	[tilespmem:$0x1EB80] =	vst v63  }
0x67: {  	_ =	swait.ge [sflag:s30], $0x1400  }
0x68: {  	[sflag:s30] =	ssyncset.done $0x0  }
0x69: {  	s8 =	sadd.s32 $0x27F8, s7;
	[sflag:s30] =	ssyncadd.s32 $0xFFFFEC00  }
0x6a: {  	[spmem:s1] =	stream.indirect.scatter.add.f32 [tilespmem:s23], [sflag:$0x9], $0x80, s8, s17, $0xb8;
	[tilespmem:$0x1EB80] =	vst v63  }
0x6b: {  	_ =	swait.ge [sflag:s31], $0x1400  }
0x6c: {  	[sflag:s31] =	ssyncset.done $0x0  }
0x6d: {  	s8 =	sadd.s32 $0x2820, s7;
	[sflag:s31] =	ssyncadd.s32 $0xFFFFEC00  }
0x6e: {  	[spmem:s1] =	stream.indirect.scatter.add.f32 [tilespmem:s25], [sflag:$0xA], $0x80, s8, s17, $0xb8;
	[tilespmem:$0x1EB80] =	vst v63  }
0x6f: {  	_ =	swait.ge [sflag:s0], $0x1400  }
0x70: {  	[sflag:s0] =	ssyncset.done $0x0  }
0x71: {  	s8 =	sadd.s32 $0xC8, s7;
	[sflag:s0] =	ssyncadd.s32 $0xFFFFEC00  }
0x72: {  	[tilespmem:s18], [sflag:$0x1] =	stream.indirect.gather [hbm4b:s3+s17], $0x80, s8, s17, $0xb8;
	[tilespmem:$0x1EB80] =	vst v63  }
0x73: {  	_ =	swait.ge [sflag:s16], $0x1400  }
0x74: {  	[sflag:s16] =	ssyncset.done $0x0  }
0x75: {  	s8 =	sadd.s32 $0xF0, s7;
	[sflag:s16] =	ssyncadd.s32 $0xFFFFEC00  }
0x76: {  	[tilespmem:s19], [sflag:$0x2] =	stream.indirect.gather [hbm4b:s3+s17], $0x80, s8, s17, $0xb8;
	[tilespmem:$0x1EB80] =	vst v63  }
0x77: {  	_ =	swait.ge [sflag:s20], $0x1400  }
0x78: {  	[sflag:s20] =	ssyncset.done $0x0  }
0x79: {  	s8 =	sadd.s32 $0x118, s7;
	[sflag:s20] =	ssyncadd.s32 $0xFFFFEC00  }
0x7a: {  	[tilespmem:s21], [sflag:$0x3] =	stream.indirect.gather [hbm4b:s3+s17], $0x80, s8, s17, $0xb8;
	[tilespmem:$0x1EB80] =	vst v63  }
0x7b: {  	_ =	swait.ge [sflag:s22], $0x1400  }
0x7c: {  	[sflag:s22] =	ssyncset.done $0x0  }
.Ltmp0:
0x7d: {  	s8 =	sadd.s32 $0x140, s7;
	[sflag:s22] =	ssyncadd.s32 $0xFFFFEC00;
	(pc) =	sbr.rel @p1 .LBB2_2-.Ltmp0, $4  }
0x7e: {  	[tilespmem:s23], [sflag:$0x4] =	stream.indirect.gather [hbm4b:s3+s17], $0x80, s8, s17, $0xb8;
	[tilespmem:$0x1EB80] =	vst v63  }
0x7f: {  	_ =	swait.ge [sflag:s24], $0x1400  }
0x80: {  	[sflag:s24] =	ssyncset.done $0x0  }
0x81: {  	s7 =	sadd.s32 $0x168, s7;
	[sflag:s24] =	ssyncadd.s32 $0xFFFFEC00  }
0x82: {  	[tilespmem:s25], [sflag:$0x5] =	stream.indirect.gather [hbm4b:s3+s17], $0x80, s7, s17, $0xb8;
	[tilespmem:$0x1EB80] =	vst v63  }
0x83: {  	_ =	swait.ge [sflag:s26], $0x1400  }
0x84: {  	[sflag:s26] =	ssyncset.done $0x0  }
0x85: {  	s6 =	simm.s32 $0x4DC8;
	[sflag:s26] =	ssyncadd.s32 $0xFFFFEC00  }
0x86: {  	[spmem:s1] =	stream.indirect.scatter.add.f32 [tilespmem:s18], [sflag:$0x6], $0x80, s6, s17, $0xb8;
	[tilespmem:$0x1EB80] =	vst v63  }
0x87: {  	_ =	swait.ge [sflag:s28], $0x1400  }
0x88: {  	[sflag:s28] =	ssyncset.done $0x0  }
0x89: {  	s8 =	simm.s32 $0x4DF0;
	[sflag:s28] =	ssyncadd.s32 $0xFFFFEC00  }
0x8a: {  	[spmem:s1] =	stream.indirect.scatter.add.f32 [tilespmem:s19], [sflag:$0x7], $0x80, s8, s17, $0xb8;
	[tilespmem:$0x1EB80] =	vst v63  }
0x8b: {  	_ =	swait.ge [sflag:s29], $0x1400  }
0x8c: {  	[sflag:s29] =	ssyncset.done $0x0  }
0x8d: {  	s7 =	simm.s32 $0x4E18;
	[sflag:s29] =	ssyncadd.s32 $0xFFFFEC00  }
0x8e: {  	[spmem:s1] =	stream.indirect.scatter.add.f32 [tilespmem:s21], [sflag:$0x8], $0x80, s7, s17, $0xb8;
	[tilespmem:$0x1EB80] =	vst v63  }
0x8f: {  	_ =	swait.ge [sflag:s30], $0x1400  }
0x90: {  	[sflag:s30] =	ssyncset.done $0x0  }
0x91: {  	s8 =	simm.s32 $0x4E40;
	[sflag:s30] =	ssyncadd.s32 $0xFFFFEC00  }
0x92: {  	[spmem:s1] =	stream.indirect.scatter.add.f32 [tilespmem:s23], [sflag:$0x9], $0x80, s8, s17, $0xb8;
	[tilespmem:$0x1EB80] =	vst v63  }
0x93: {  	_ =	swait.ge [sflag:s31], $0x1400  }
0x94: {  	[sflag:s31] =	ssyncset.done $0x0  }
0x95: {  	s7 =	simm.s32 $0x4E68;
	[sflag:s31] =	ssyncadd.s32 $0xFFFFEC00  }
0x96: {  	[spmem:s1] =	stream.indirect.scatter.add.f32 [tilespmem:s25], [sflag:$0xA], $0x80, s7, s17, $0xb8;
	[tilespmem:$0x1EB80] =	vst v63  }
0x97: {  	_ =	swait.ge [sflag:s0], $0x1400  }
0x98: {  	[sflag:s0] =	ssyncset.done $0x0  }
0x99: {  	[sflag:s0] =	ssyncadd.s32 $0xFFFFEC00  }
0x9a: {  	_ =	swait.ge [sflag:s16], $0x1400  }
0x9b: {  	[sflag:s16] =	ssyncset.done $0x0  }
0x9c: {  	[sflag:s16] =	ssyncadd.s32 $0xFFFFEC00  }
0x9d: {  	_ =	swait.ge [sflag:s20], $0x1400  }
0x9e: {  	[sflag:s20] =	ssyncset.done $0x0  }
0x9f: {  	[sflag:s20] =	ssyncadd.s32 $0xFFFFEC00  }
0xa0: {  	_ =	swait.ge [sflag:s22], $0x1400  }
0xa1: {  	[sflag:s22] =	ssyncset.done $0x0  }
0xa2: {  	[sflag:s22] =	ssyncadd.s32 $0xFFFFEC00  }
0xa3: {  	_ =	swait.ge [sflag:s24], $0x1400  }
0xa4: {  	[sflag:s24] =	ssyncset.done $0x0  }
0xa5: {  	[sflag:s24] =	ssyncadd.s32 $0xFFFFEC00  }
0xa6: {  	[bflag:$0x0] =	sbarrier.arrive $0xFFFF  }
0xa7: {  	s8 =	rddreg [dreg:$0x5]  }
0xa8: {  	[hbm:s8], [sflag:s5] =	dma.local [spmem:s11], $0x2700  }
0xa9: {  	s2 =	sadd.s32 $0x1, s2;
	_ =	swait.ge [sflag:s12], $0x2700  }
0xaa: {  	p1 =	sne.s32 s2, s10;
	[sflag:s12] =	ssyncset.done $0x0  }
.Ltmp1:
0xab: {  	s6 =	simm.s32 @!p0 $0xB;
	[sflag:s12] =	ssyncadd.s32 $0xFFFFD900;
	(pc) =	sbr.rel @p1 .LBB2_1-.Ltmp1, $4  }
0xac: {  	[hbm:s9], [sflag:s5] =	dma.local @!p0 [spmem:s13], $0x100  }
0xad: {  	_ =	swait.ge @!p0 [sflag:s6], $0x100  }
0xae: {  	[sflag:s6] =	ssyncset.done @!p0 $0x0  }
0xaf: {  	[sflag:s6] =	ssyncadd.s32 @!p0 $0xFFFFFF00  }
0xb0: {  	_ =	sfence.sel $0x180000  }
0xb1: {  	[bflag:$0x0] =	sbarrier.arrive $0xFFFF  }
0xb2: {  	_ =	strace $0x9000004D  }
0xb3: {  	[bflag:$0x2] =	sbarrier.arrive $0xFFFF  }
0xb4: {  	s0 =	rddreg [dreg:$0x2]  }
0xb5: {  	s0 =	sadd.s32 @!p0 $0x100000, s0  }
0xb6: {  	[sflag:s0] =	ssyncadd.tile.s32 @!p0 $0x1;
	_ =	shalt  }
.Lfunc_end2:
_tile_overlayer_lowered:
.L_overlay_start_2:
0xb7: {  	(tag) =	ssettag $0x2  }
0xb8: {  	s0 =	rddreg [dreg:$0x0];
	s2 =	stileid.u32  }
0xb9: {  	s1 =	rddreg [dreg:$0x1];
	p0 =	sne.s32 s2, $0x0  }
0xba: {  	s3 =	rddreg [dreg:$0x2];
	[bflag:$0x3] =	sbarrier.arrive $0xFFFF;
	s2 =	simm.s32 @!p0 $0x1C0B  }
0xbb: {  	[timem:s3], [sflag:s2] =	dma.local @!p0 [hbm:s0], s1  }
0xbc: {  	s0 =	simm.s32 @!p0 $0xB  }
0xbd: {  	_ =	swait.ge @!p0 [sflag:s0], s1  }
0xbe: {  	s1 =	ssub.s32 @!p0 $0x0, s1;
	[sflag:s0] =	ssyncset.done @!p0 $0x0  }
0xbf: {  	[sflag:s0] =	ssyncadd.s32 @!p0 s1  }
0xc0: {  	[bflag:$0x3] =	sbarrier.arrive $0xFFFF  }
0xc1: {  	_ =	shalt  }

// kernel: kernel.9.cloned.1.call-start
scs
__scs_entry_jumppad:
0x0: {  	(pc) =	sbr.rel $0x88, $3  }
0x1: {  	(tag) =	ssettag $0x0;
	lr =	simm.s32 $0x1  }
0x2: {  	[smem:$0x3F91] =	sst lr;
	_ =	strace $0xD0000000  }
0x3: {  	_ = 	snop  }
0x4: {  	_ = 	snop  }
0x5: {  	_ = 	snop  }
0x6: {  	_ = 	snop  }
0x7: {  	_ = 	snop  }
__scs_overlays_trampoline_lowered:
0x8: {  	[smem:$0x3FA0] =	sst s0  }
0x9: {  	[smem:$0x3FA1] =	sst s1  }
0xa: {  	[smem:$0x3FA2] =	sst s2  }
0xb: {  	[smem:$0x3FA3] =	sst s3  }
0xc: {  	[smem:$0x3FA4] =	sst s4  }
0xd: {  	[smem:$0x3FA5] =	sst s5  }
0xe: {  	[smem:$0x3FA6] =	sst s6  }
0xf: {  	[smem:$0x3FA7] =	sst s7  }
0x10: {  	[smem:$0x3FA8] =	sst s8  }
0x11: {  	[smem:$0x3FA9] =	sst s9;
	s0 =	simm.s32 @!p0 $0x0  }
0x12: {  	s1 =	sld [smem:$0x3F8F];
	s0 =	simm.s32 @p0 $0x1  }
0x13: {  	[smem:$0x3FAA] =	sst s0;
	s0 =	simm.s32 @!p1 $0x0  }
0x14: {  	s2 =	sld [smem:$0x3F8E];
	s0 =	simm.s32 @p1 $0x1  }
0x15: {  	[smem:$0x3FAB] =	sst s0;
	s0 =	simm.s32 @!p2 $0x0  }
0x16: {  	s3 =	sld [smem:$0x3FDB];
	s0 =	simm.s32 @p2 $0x1  }
0x17: {  	s4 =	simm.s32 $0x1BF5;
	[smem:$0x3FAD] =	sst s0  }
0x18: {  	s0 =	sld [smem:$0x3F90];
	_ =	swait.ge [sflag:s4], $0x0  }
0x19: {  	s7 =	sld [smem:$0x3F91]  }
0x1a: {  	s8 =	sadd.s32 $0xFFFFE003, lr  }
0x1b: {  	s9 =	sadd.s32 $0xFFFFFEF7, lr;
	s5 =	simm.s32 $0xFFFFFFFF;
	p2 =	slt.u32 s8, $0xFFFFF086  }
0x1c: {  	p1 =	slt.u32 s9, $0xF7A;
	s5 =	simm.s32 @!p2 $0x0  }
0x1d: {  	s5 =	simm.s32 @p1 $0x1;
	p0 =	seq.s32 s7, s2  }
0x1e: {  	s7 =	smul.u32 @!p0 $0xF7A, s2;
	p2 =	seq.s32 @!p0 s5, $0x0  }
0x1f: {  	s9 =	smul.u32 $0xF7A, s1;
	s8 =	simm.s32 @!p0 $0x1BF5;
	p2 =	por !p2, p0  }
0x20: {  	[sflag:s8] =	ssyncset.s32 @!p0 $0xFFFFF086;
	s6 =	sadd.s32 @!p0 s3, s7;
	s7 =	simm.s32 @!p0 $0x108  }
0x21: {  	s3 =	sadd.s32 s3, s9;
	s6 =	sadd.s32 @!p0 $0x88, s6;
	s7 =	simm.s32 @p2 $0x1082  }
0x22: {  	[simem:s7], [sflag:s8] =	dma.local @!p0 [hbm:s6], $0xF7A  }
0x23: {  	s9 =	sor.u32 $0xD0000000, s2;
	s6 =	simm.s32 $0x108;
	_ =	swait.ge @!p0 [sflag:s8], $0x0  }
0x24: {  	s3 =	sadd.s32 $0x88, s3;
	s6 =	simm.s32 @!p1 $0x1082;
	[sflag:s4] =	ssyncset.s32 $0xFFFFF086  }
0x25: {  	[simem:s6], [sflag:s4] =	dma.local [hbm:s3], $0xF7A  }
0x26: {  	[smem:$0x3F91] =	sst s1;
	(tag) =	ssettag s2;
	_ =	strace s9  }
0x27: {  	s1 =	sld [smem:$0x3FA1]  }
0x28: {  	s2 =	sld [smem:$0x3FA2]  }
0x29: {  	s4 =	sld [smem:$0x3FA4]  }
0x2a: {  	p0 =	seq.s32 s5, $0x0;
	s5 =	sld [smem:$0x3FA5]  }
0x2b: {  	s6 =	sld [smem:$0x3FA6]  }
0x2c: {  	s7 =	sld [smem:$0x3FA7]  }
0x2d: {  	s3 =	simm.s32 $0x108;
	s8 =	sld [smem:$0x3FA8]  }
0x2e: {  	s3 =	simm.s32 @!p0 $0x1082;
	s9 =	sld [smem:$0x3FA9]  }
0x2f: {  	lr =	sadd.s32 s0, s3;
	s0 =	sld [smem:$0x3FA0]  }
0x30: {  	s3 =	sld [smem:$0x3FA3]  }
0x31: {  	[smem:$0x3FAC] =	sst s10  }
0x32: {  	s10 =	sld [smem:$0x3FAA];
	_ =	sdelay $0x3  }
0x33: {  	p0 =	seq.s32 s10, $0x1;
	s10 =	sld [smem:$0x3FAC];
	_ =	sdelay $0x3  }
0x34: {  	[smem:$0x3FAC] =	sst s10  }
0x35: {  	s10 =	sld [smem:$0x3FAB];
	_ =	sdelay $0x3  }
0x36: {  	p1 =	seq.s32 s10, $0x1;
	s10 =	sld [smem:$0x3FAC];
	_ =	sdelay $0x3  }
0x37: {  	[smem:$0x3FAC] =	sst s10  }
0x38: {  	s10 =	sld [smem:$0x3FAD]  }
0x39: {  	_ = 	snop;
	(pc) =	sbr.ind lr, $3  }
0x3a: {  	_ = 	snop  }
0x3b: {  	_ = 	snop  }
0x3c: {  	p2 =	seq.s32 s10, $0x1;
	s10 =	sld [smem:$0x3FAC]  }
0x3d: {  	_ =	shalt  }
0x3e: {  	_ =	shalt  }
0x3f: {  	_ =	shalt  }
0x40: {  	_ =	shalt  }
0x41: {  	_ =	shalt  }
0x42: {  	_ =	shalt  }
0x43: {  	_ =	shalt  }
0x44: {  	_ =	shalt  }
0x45: {  	_ =	shalt  }
0x46: {  	_ =	shalt  }
0x47: {  	_ =	shalt  }
0x48: {  	_ =	shalt  }
0x49: {  	_ =	shalt  }
0x4a: {  	_ =	shalt  }
0x4b: {  	_ =	shalt  }
0x4c: {  	_ =	shalt  }
0x4d: {  	_ =	shalt  }
0x4e: {  	_ =	shalt  }
0x4f: {  	_ =	shalt  }
0x50: {  	_ =	shalt  }
0x51: {  	_ =	shalt  }
0x52: {  	_ =	shalt  }
0x53: {  	_ =	shalt  }
0x54: {  	_ =	shalt  }
0x55: {  	_ =	shalt  }
0x56: {  	_ =	shalt  }
0x57: {  	_ =	shalt  }
0x58: {  	_ =	shalt  }
0x59: {  	_ =	shalt  }
0x5a: {  	_ =	shalt  }
0x5b: {  	_ =	shalt  }
0x5c: {  	_ =	shalt  }
0x5d: {  	_ =	shalt  }
0x5e: {  	_ =	shalt  }
0x5f: {  	_ =	shalt  }
0x60: {  	_ =	shalt  }
0x61: {  	_ =	shalt  }
0x62: {  	_ =	shalt  }
0x63: {  	_ =	shalt  }
0x64: {  	_ =	shalt  }
0x65: {  	_ =	shalt  }
0x66: {  	_ =	shalt  }
0x67: {  	_ =	shalt  }
0x68: {  	_ =	shalt  }
0x69: {  	_ =	shalt  }
0x6a: {  	_ =	shalt  }
0x6b: {  	_ =	shalt  }
0x6c: {  	_ =	shalt  }
0x6d: {  	_ =	shalt  }
0x6e: {  	_ =	shalt  }
0x6f: {  	_ =	shalt  }
0x70: {  	_ =	shalt  }
0x71: {  	_ =	shalt  }
0x72: {  	_ =	shalt  }
0x73: {  	_ =	shalt  }
0x74: {  	_ =	shalt  }
0x75: {  	_ =	shalt  }
0x76: {  	_ =	shalt  }
0x77: {  	_ =	shalt  }
0x78: {  	_ =	shalt  }
0x79: {  	_ =	shalt  }
0x7a: {  	_ =	shalt  }
0x7b: {  	_ =	shalt  }
0x7c: {  	_ =	shalt  }
0x7d: {  	_ =	shalt  }
0x7e: {  	_ =	shalt  }
0x7f: {  	_ =	shalt  }
0x80: {  	_ =	shalt  }
0x81: {  	_ =	shalt  }
0x82: {  	_ =	shalt  }
0x83: {  	_ =	shalt  }
0x84: {  	_ =	shalt  }
0x85: {  	_ =	shalt  }
0x86: {  	_ =	shalt  }
0x87: {  	_ =	shalt  }
.Lfunc_end0:
.L_simem_size_0:
called_computation_lowered:
.L_overlay_start_0:
0x88: {  	s2 =	sld [smem:$0x3FD9]  }
0x89: {  	s3 =	sld [smem:$0x3FFE];
	_ =	sdelay $0x1  }
0x8a: {  	s1 =	srdreg.scid  }
0x8b: {  	s0 =	sand.u32 $0x1, s1  }
0x8c: {  	s17 =	sshll.u32 s0, $0xA;
	s2 =	sadd.s32 s3, s2  }
0x8d: {  	s2 =	sadd.s32 s2, s17  }
0x8e: {  	[smem:$0x3FB8] =	sst s2  }
0x8f: {  	_ = 	snop  }
0x90: {  	s2 =	sld [smem:$0x3FC9];
	(tm) =	ssettm $0x1  }
0x91: {  	s18 =	sld [smem:$0x3FFB];
	_ =	sdelay $0x3  }
0x92: {  	_ =	strace s18  }
0x93: {  	s3 =	sld [smem:$0x3FFC];
	_ =	sdelay $0x3  }
0x94: {  	_ =	strace s3  }
0x95: {  	s3 =	sld [smem:$0x3FFD];
	_ =	sdelay $0x3  }
0x96: {  	_ =	strace s3  }
0x97: {  	_ =	strace $0x8FFFFFFF  }
0x98: {  	s19 =	sld [smem:$0x3FDB];
	_ =	sdelay $0x1  }
0x99: {  	s4 =	simm.s32 $_scs_section_size  }
0x9a: {  	s5 =	simm.s32 $_size__tile_overlayer_lowered;
	s6 =	simm.s32 $_tile_overlayer_lowered  }
0x9b: {  	s22 =	simm.s32 $0x1BFF;
	s21 =	sshll.u32 s6, $0x1;
	s3 =	sadd.s32 s4, s19  }
0x9c: {  	s7 =	simm.s32 $0x0;
	s20 =	sshll.u32 s5, $0x1;
	s5 =	sadd.s32 s21, s3  }
0x9d: {  	[timem:s7], [sflag:s22] =	dma.local [hbm:s5], s20  }
0x9e: {  	_ =	swait.ge [sflag:s22], s20  }
0x9f: {  	s4 =	ssub.s32 $0x0, s20;
	[sflag:s22] =	ssyncset.done $0x0  }
0xa0: {  	[sflag:s22] =	ssyncadd.s32 s4;
	_ =	sdelay $0x1  }
0xa1: {  	s23 =	simm.s32 $0x1B8B  }
0xa2: {  	_ =	swait.ge [sflag:s23], $0x1  }
0xa3: {  	[sflag:s23] =	ssyncset.done $0x0  }
0xa4: {  	s25 =	simm.s32 $0x1B8E;
	s24 =	sld [smem:$0x3FFE];
	[sflag:s23] =	ssyncadd.s32 $0xFFFFFFFF  }
0xa5: {  	s26 =	simm.s32 $execute0_lowered;
	[smem:$0x3FD2] =	sst s25  }
0xa6: {  	s5 =	sshll.u32 s26, $0x1;
	_ =	strace $0x80000046;
	[dreg:$0x1] =	wrdreg $0xFFFFFFFF  }
0xa7: {  	s28 =	simm.s32 $_size_execute0_lowered;
	s3 =	sadd.s32 s3, s5;
	[dreg:$0x0] =	wrdreg $0x0  }
0xa8: {  	s5 =	sshll.u32 s28, $0x1;
	[dreg:$0x2] =	wrdreg s3  }
0xa9: {  	[dreg:$0x3] =	wrdreg s5  }
0xaa: {  	[dreg:$0x4] =	wrdreg $0xC0  }
0xab: {  	_ =	task [dreg:s7], $0x5FFFF  }
0xac: {  	[dreg:$0x1] =	wrdreg $0xFFFFFFFF  }
0xad: {  	[dreg:$0x0] =	wrdreg $0x60  }
0xae: {  	[dreg:$0x2] =	wrdreg s2  }
0xaf: {  	[dreg:$0x3] =	wrdreg s24  }
0xb0: {  	[dreg:$0x4] =	wrdreg $0x4F000  }
0xb1: {  	[dreg:$0x5] =	wrdreg $0x9  }
0xb2: {  	_ =	task.clear_ibuf [dreg:s7], $0x6FFFF;
	_ =	strace $0x90000046  }
0xb3: {  	s29 =	simm.s32 $0x9;
	_ =	strace $0x80000048  }
0xb4: {  	_ =	swait.ge [sflag:s29], $0x1  }
0xb5: {  	[sflag:s29] =	ssyncadd.s32 $0xFFFFFFFF  }
0xb6: {  	_ =	strace $0x90000048  }
0xb7: {  	_ =	sfence  }
0xb8: {  	s30 =	sld [smem:$0x0];
	_ =	sdelay $0x2  }
0xb9: {  	s31 =	sshll.u32 s1, $0xD;
	s1 =	sshrl.u32 s1, $0x2  }
0xba: {  	s3 =	sand.u32 $0x4000, s31;
	s1 =	sadd.s32 s1, s30  }
0xbb: {  	s0 =	sor.u32 s3, s0;
	s1 =	sshll.u32 s1, $0x11  }
0xbc: {  	s0 =	sor.u32 s1, s0  }
0xbd: {  	s0 =	sadd.s32 $0x8F2B, s0  }
0xbe: {  	[sflag:s0] =	ssyncadd.remote.s32 $0x1  }
0xbf: {  	_ =	sfence.sel $0xFFFF  }
0xc0: {  	[dreg:$0x0] =	wrdreg $0xFFFFFFFF;
	(pc) =	sbr.abs _section_cstart, $3  }
0xc1: {  	[dreg:$0x1] =	wrdreg $0xFFFFFFFF  }
0xc2: {  	_ =	task.clear_ibuf [dreg:s7], $0x2FFFF;
	_ =	strace $0x9FFFFFFF  }
0xc3: {  	(tm) =	ssettm $0x7FFFFFFF  }
tec
execute0_lowered:
.L_overlay_start_1:
0x0: {  	(tag) =	ssettag $0x1  }
0x1: {  	s0 =	rddreg [dreg:$0x0]  }
0x2: {  	s1 =	rddreg [dreg:$0x1];
	s2 =	srdreg.scid  }
0x3: {  	s3 =	stileid.u32;
	s18 =	simm.s32 $0x0;
	s14 =	simm.s32 $0x80  }
0x4: {  	s15 =	simm.s32 $0x400;
	s28 =	simm.s32 $0x2;
	s29 =	simm.s32 $0x3  }
0x5: {  	s30 =	simm.s32 $0x4;
	s31 =	simm.s32 $0x5;
	s16 =	simm.s32 $0x7  }
0x6: {  	s5 =	sand.u32 $0x1, s2;
	s17 =	sshrl.u32 s3, $0x2;
	s2 =	rddreg [dreg:$0x2]  }
0x7: {  	s4 =	sshll.u32 s3, $0x8;
	[smem:$0x7FF] =	sst s18;
	s8 =	smul.u32 $0x4E000, s3  }
0x8: {  	s10 =	smul.u32 $0x2700, s3;
	s22 =	sshll.u32 s3, $0x6;
	p0 =	sne.s32 s3, $0x0  }
0x9: {  	s18 =	simm.s32 $0x18780;
	s3 =	simm.s32 $0x0;
	s6 =	smul.u32 $0x13C00, s17  }
0xa: {  	s7 =	sshll.u32 s5, $0x7;
	s4 =	sand.u32 $0x300, s4;
	s21 =	smul.u32 $0x138800, s5  }
0xb: {  	_ =	strace $0x80000047;
	s20 =	ssub.s32 $0x2, s5;
	s12 =	smul.u32 $0x27100, s5  }
0xc: {  	s5 =	sor.u32 $0x1C0B, s22;
	s13 =	sadd.s32 $0x138000, s2;
	s17 =	simm.s32 $0x28  }
0xd: {  	s22 =	simm.s32 $0x9;
	s4 =	sor.u32 s7, s4;
	s9 =	sshrl.u32 s20, $0x1  }
0xe: {  	s8 =	sshrl.u32 s8, $0x2;
	s13 =	sshrl.u32 @!p0 s13, $0x3;
	s4 =	sor.u32 s6, s4  }
0xf: {  	s7 =	ssub.s32 s20, s9;
	s11 =	sadd.s32 s8, s2;
	s23 =	sshrl.u32 s21, $0x3  }
0x10: {  	s25 =	sadd.s32 s10, s12;
	s12 =	simm.s32 $0xB;
	s21 =	simm.s32 $0x1AF80  }
0x11: {  	s20 =	simm.s32 $0x8;
	s4 =	sshrl.u32 s4, $0x3;
	s10 =	smax.u32 s7, $0x1  }
0x12: {  	s19 =	sadd.s32 s4, s1;
	s4 =	sadd.s32 $0x16E00, s1;
	s1 =	sadd.s32 $0x19600, s1  }
0x13: {  	s11 =	sshrl.u32 s11, $0x3;
	s24 =	sadd.s32 $0x3200, s19;
	s26 =	sadd.s32 s1, s23  }
0x14: {  	s6 =	sadd.s32 $0xD000, s19;
	s1 =	sadd.s32 s1, s25;
	[dreg:$0x4] =	wrdreg s24  }
0x15: {  	s19 =	simm.s32 $0x19B80;
	s23 =	simm.s32 $0x1C380;
	[dreg:$0x5] =	wrdreg s6  }
0x16: {  	s25 =	simm.s32 $0x1D780;
	[dreg:$0x6] =	wrdreg s1;
	s9 =	sadd.s32 $0x27000, s26  }
0x17: {  	s26 =	simm.s32 $0x1;
	s1 =	simm.s32 $0x6;
	s24 =	simm.s32 $0xA  }
.LBB2_1:
0x18: {  	[spmem:s11], [sflag:s5] =	dma.local [hbm:s4], $0x2700  }
0x19: {  	_ =	swait.ge [sflag:s12], $0x2700  }
0x1a: {  	[sflag:s12] =	ssyncset.done $0x0  }
0x1b: {  	s6 =	simm.s32 @!p0 $0xB;
	[sflag:s12] =	ssyncadd.s32 $0xFFFFD900  }
0x1c: {  	[spmem:s13], [sflag:s5] =	dma.local @!p0 [hbm:s4], $0x100  }
0x1d: {  	_ =	swait.ge @!p0 [sflag:s6], $0x100  }
0x1e: {  	[sflag:s6] =	ssyncset.done @!p0 $0x0  }
0x1f: {  	s7 =	rddreg [dreg:$0x4];
	[sflag:s6] =	ssyncadd.s32 @!p0 $0xFFFFFF00;
	s6 =	simm.s32 $0x0  }
0x20: {  	[tilespmem:s6], [sflag:$0xB] =	stream.strided.gather [hbm4b:s7+s14], $0x2780, s15, s14, $0x38;
	[tilespmem:$0x1EB80] =	vst v63  }
0x21: {  	_ =	swait.ge [sflag:s12], $0x2780  }
0x22: {  	[sflag:s12] =	ssyncset.done $0x0  }
0x23: {  	s8 =	simm.s32 $0x2780;
	s7 =	rddreg [dreg:$0x5];
	[sflag:s12] =	ssyncadd.s32 $0xFFFFD880  }
0x24: {  	[tilespmem:s8], [sflag:$0xB] =	stream.strided.gather [hbm4b:s7+s14], $0x2780, s15, s14, $0x38;
	[tilespmem:$0x1EB80] =	vst v63  }
0x25: {  	_ =	swait.ge [sflag:s12], $0x2780  }
0x26: {  	[sflag:s12] =	ssyncset.done $0x0  }
0x27: {  	[sflag:s12] =	ssyncadd.s32 $0xFFFFD880  }
0x28: {  	[bflag:$0x0] =	sbarrier.arrive $0xFFFF  }
0x29: {  	[tilespmem:s18], [sflag:$0x1] =	stream.indirect.gather [hbm4b:s0+s17], $0x80, s6, s17, $0xb8;
	[tilespmem:$0x1EB80] =	vst v63  }
0x2a: {  	_ = 	snop  }
0x2b: {  	[tilespmem:s19], [sflag:$0x2] =	stream.indirect.gather [hbm4b:s0+s17], $0x80, s17, s17, $0xb8;
	[tilespmem:$0x1EB80] =	vst v63  }
0x2c: {  	s7 =	simm.s32 $0x50  }
0x2d: {  	[tilespmem:s21], [sflag:$0x3] =	stream.indirect.gather [hbm4b:s0+s17], $0x80, s7, s17, $0xb8;
	[tilespmem:$0x1EB80] =	vst v63  }
0x2e: {  	s8 =	simm.s32 $0x78  }
0x2f: {  	[tilespmem:s23], [sflag:$0x4] =	stream.indirect.gather [hbm4b:s0+s17], $0x80, s8, s17, $0xb8;
	[tilespmem:$0x1EB80] =	vst v63  }
0x30: {  	s7 =	simm.s32 $0xA0  }
0x31: {  	[tilespmem:s25], [sflag:$0x5] =	stream.indirect.gather [hbm4b:s0+s17], $0x80, s7, s17, $0xb8;
	[tilespmem:$0x1EB80] =	vst v63  }
0x32: {  	_ =	swait.ge [sflag:s26], $0x1400  }
0x33: {  	[sflag:s26] =	ssyncset.done $0x0  }
0x34: {  	s8 =	simm.s32 $0x2780;
	[sflag:s26] =	ssyncadd.s32 $0xFFFFEC00  }
0x35: {  	[spmem:s2] =	stream.indirect.scatter.add.f32 [tilespmem:s18], [sflag:$0x6], $0x80, s8, s17, $0xb8;
	[tilespmem:$0x1EB80] =	vst v63  }
0x36: {  	_ =	swait.ge [sflag:s28], $0x1400  }
0x37: {  	[sflag:s28] =	ssyncset.done $0x0  }
0x38: {  	s7 =	simm.s32 $0x27A8;
	[sflag:s28] =	ssyncadd.s32 $0xFFFFEC00  }
0x39: {  	[spmem:s2] =	stream.indirect.scatter.add.f32 [tilespmem:s19], [sflag:$0x7], $0x80, s7, s17, $0xb8;
	[tilespmem:$0x1EB80] =	vst v63  }
0x3a: {  	_ =	swait.ge [sflag:s29], $0x1400  }
0x3b: {  	[sflag:s29] =	ssyncset.done $0x0  }
0x3c: {  	s8 =	simm.s32 $0x27D0;
	[sflag:s29] =	ssyncadd.s32 $0xFFFFEC00  }
0x3d: {  	[spmem:s2] =	stream.indirect.scatter.add.f32 [tilespmem:s21], [sflag:$0x8], $0x80, s8, s17, $0xb8;
	[tilespmem:$0x1EB80] =	vst v63  }
0x3e: {  	_ =	swait.ge [sflag:s30], $0x1400  }
0x3f: {  	[sflag:s30] =	ssyncset.done $0x0  }
0x40: {  	s7 =	simm.s32 $0x27F8;
	[sflag:s30] =	ssyncadd.s32 $0xFFFFEC00  }
0x41: {  	[spmem:s2] =	stream.indirect.scatter.add.f32 [tilespmem:s23], [sflag:$0x9], $0x80, s7, s17, $0xb8;
	[tilespmem:$0x1EB80] =	vst v63  }
0x42: {  	_ =	swait.ge [sflag:s31], $0x1400  }
0x43: {  	[sflag:s31] =	ssyncset.done $0x0  }
0x44: {  	s8 =	simm.s32 $0x2820;
	[sflag:s31] =	ssyncadd.s32 $0xFFFFEC00  }
0x45: {  	[spmem:s2] =	stream.indirect.scatter.add.f32 [tilespmem:s25], [sflag:$0xA], $0x80, s8, s17, $0xb8;
	[tilespmem:$0x1EB80] =	vst v63  }
0x46: {  	_ =	swait.ge [sflag:s1], $0x1400  }
0x47: {  	[sflag:s1] =	ssyncset.done $0x0  }
0x48: {  	s7 =	simm.s32 $0xC8;
	[sflag:s1] =	ssyncadd.s32 $0xFFFFEC00  }
0x49: {  	[tilespmem:s18], [sflag:$0x1] =	stream.indirect.gather [hbm4b:s0+s17], $0x80, s7, s17, $0xb8;
	[tilespmem:$0x1EB80] =	vst v63  }
0x4a: {  	_ =	swait.ge [sflag:s16], $0x1400  }
0x4b: {  	[sflag:s16] =	ssyncset.done $0x0  }
0x4c: {  	s8 =	simm.s32 $0xF0;
	[sflag:s16] =	ssyncadd.s32 $0xFFFFEC00  }
0x4d: {  	[tilespmem:s19], [sflag:$0x2] =	stream.indirect.gather [hbm4b:s0+s17], $0x80, s8, s17, $0xb8;
	[tilespmem:$0x1EB80] =	vst v63  }
0x4e: {  	_ =	swait.ge [sflag:s20], $0x1400  }
0x4f: {  	[sflag:s20] =	ssyncset.done $0x0  }
0x50: {  	s7 =	simm.s32 $0x118;
	[sflag:s20] =	ssyncadd.s32 $0xFFFFEC00  }
0x51: {  	[tilespmem:s21], [sflag:$0x3] =	stream.indirect.gather [hbm4b:s0+s17], $0x80, s7, s17, $0xb8;
	[tilespmem:$0x1EB80] =	vst v63  }
0x52: {  	_ =	swait.ge [sflag:s22], $0x1400  }
0x53: {  	[sflag:s22] =	ssyncset.done $0x0  }
0x54: {  	s8 =	simm.s32 $0x140;
	[sflag:s22] =	ssyncadd.s32 $0xFFFFEC00  }
0x55: {  	[tilespmem:s23], [sflag:$0x4] =	stream.indirect.gather [hbm4b:s0+s17], $0x80, s8, s17, $0xb8;
	[tilespmem:$0x1EB80] =	vst v63  }
0x56: {  	_ =	swait.ge [sflag:s24], $0x1400  }
0x57: {  	[sflag:s24] =	ssyncset.done $0x0  }
0x58: {  	s6 =	simm.s32 $0x320;
	s7 =	simm.s32 $0x168;
	[sflag:s24] =	ssyncadd.s32 $0xFFFFEC00  }
.LBB2_2:
0x59: {  	[tilespmem:s25], [sflag:$0x5] =	stream.indirect.gather [hbm4b:s0+s17], $0x80, s7, s17, $0xb8;
	[tilespmem:$0x1EB80] =	vst v63  }
0x5a: {  	s7 =	smov.u32 s6  }
0x5b: {  	p1 =	sne.s32 s6, $0x9600;
	s6 =	sadd.s32 $0x320, s6;
	_ =	swait.ge [sflag:s26], $0x1400  }
0x5c: {  	s7 =	sshra.s32 s7, $0x2;
	[sflag:s26] =	ssyncset.done $0x0  }
0x5d: {  	s8 =	sadd.s32 $0x2780, s7;
	[sflag:s26] =	ssyncadd.s32 $0xFFFFEC00  }
0x5e: {  	[spmem:s2] =	stream.indirect.scatter.add.f32 [tilespmem:s18], [sflag:$0x6], $0x80, s8, s17, $0xb8;
	[tilespmem:$0x1EB80] =	vst v63  }
0x5f: {  	_ =	swait.ge [sflag:s28], $0x1400  }
0x60: {  	[sflag:s28] =	ssyncset.done $0x0  }
0x61: {  	s8 =	sadd.s32 $0x27A8, s7;
	[sflag:s28] =	ssyncadd.s32 $0xFFFFEC00  }
0x62: {  	[spmem:s2] =	stream.indirect.scatter.add.f32 [tilespmem:s19], [sflag:$0x7], $0x80, s8, s17, $0xb8;
	[tilespmem:$0x1EB80] =	vst v63  }
0x63: {  	_ =	swait.ge [sflag:s29], $0x1400  }
0x64: {  	[sflag:s29] =	ssyncset.done $0x0  }
0x65: {  	s8 =	sadd.s32 $0x27D0, s7;
	[sflag:s29] =	ssyncadd.s32 $0xFFFFEC00  }
0x66: {  	[spmem:s2] =	stream.indirect.scatter.add.f32 [tilespmem:s21], [sflag:$0x8], $0x80, s8, s17, $0xb8;
	[tilespmem:$0x1EB80] =	vst v63  }
0x67: {  	_ =	swait.ge [sflag:s30], $0x1400  }
0x68: {  	[sflag:s30] =	ssyncset.done $0x0  }
0x69: {  	s8 =	sadd.s32 $0x27F8, s7;
	[sflag:s30] =	ssyncadd.s32 $0xFFFFEC00  }
0x6a: {  	[spmem:s2] =	stream.indirect.scatter.add.f32 [tilespmem:s23], [sflag:$0x9], $0x80, s8, s17, $0xb8;
	[tilespmem:$0x1EB80] =	vst v63  }
0x6b: {  	_ =	swait.ge [sflag:s31], $0x1400  }
0x6c: {  	[sflag:s31] =	ssyncset.done $0x0  }
0x6d: {  	s8 =	sadd.s32 $0x2820, s7;
	[sflag:s31] =	ssyncadd.s32 $0xFFFFEC00  }
0x6e: {  	[spmem:s2] =	stream.indirect.scatter.add.f32 [tilespmem:s25], [sflag:$0xA], $0x80, s8, s17, $0xb8;
	[tilespmem:$0x1EB80] =	vst v63  }
0x6f: {  	_ =	swait.ge [sflag:s1], $0x1400  }
0x70: {  	[sflag:s1] =	ssyncset.done $0x0  }
0x71: {  	s8 =	sadd.s32 $0xC8, s7;
	[sflag:s1] =	ssyncadd.s32 $0xFFFFEC00  }
0x72: {  	[tilespmem:s18], [sflag:$0x1] =	stream.indirect.gather [hbm4b:s0+s17], $0x80, s8, s17, $0xb8;
	[tilespmem:$0x1EB80] =	vst v63  }
0x73: {  	_ =	swait.ge [sflag:s16], $0x1400  }
0x74: {  	[sflag:s16] =	ssyncset.done $0x0  }
0x75: {  	s8 =	sadd.s32 $0xF0, s7;
	[sflag:s16] =	ssyncadd.s32 $0xFFFFEC00  }
0x76: {  	[tilespmem:s19], [sflag:$0x2] =	stream.indirect.gather [hbm4b:s0+s17], $0x80, s8, s17, $0xb8;
	[tilespmem:$0x1EB80] =	vst v63  }
0x77: {  	_ =	swait.ge [sflag:s20], $0x1400  }
0x78: {  	[sflag:s20] =	ssyncset.done $0x0  }
0x79: {  	s8 =	sadd.s32 $0x118, s7;
	[sflag:s20] =	ssyncadd.s32 $0xFFFFEC00  }
0x7a: {  	[tilespmem:s21], [sflag:$0x3] =	stream.indirect.gather [hbm4b:s0+s17], $0x80, s8, s17, $0xb8;
	[tilespmem:$0x1EB80] =	vst v63  }
0x7b: {  	_ =	swait.ge [sflag:s22], $0x1400  }
0x7c: {  	[sflag:s22] =	ssyncset.done $0x0  }
.Ltmp0:
0x7d: {  	s8 =	sadd.s32 $0x140, s7;
	[sflag:s22] =	ssyncadd.s32 $0xFFFFEC00;
	(pc) =	sbr.rel @p1 .LBB2_2-.Ltmp0, $4  }
0x7e: {  	[tilespmem:s23], [sflag:$0x4] =	stream.indirect.gather [hbm4b:s0+s17], $0x80, s8, s17, $0xb8;
	[tilespmem:$0x1EB80] =	vst v63  }
0x7f: {  	_ =	swait.ge [sflag:s24], $0x1400  }
0x80: {  	[sflag:s24] =	ssyncset.done $0x0  }
0x81: {  	s7 =	sadd.s32 $0x168, s7;
	[sflag:s24] =	ssyncadd.s32 $0xFFFFEC00  }
0x82: {  	[tilespmem:s25], [sflag:$0x5] =	stream.indirect.gather [hbm4b:s0+s17], $0x80, s7, s17, $0xb8;
	[tilespmem:$0x1EB80] =	vst v63  }
0x83: {  	_ =	swait.ge [sflag:s26], $0x1400  }
0x84: {  	[sflag:s26] =	ssyncset.done $0x0  }
0x85: {  	s6 =	simm.s32 $0x4DC8;
	[sflag:s26] =	ssyncadd.s32 $0xFFFFEC00  }
0x86: {  	[spmem:s2] =	stream.indirect.scatter.add.f32 [tilespmem:s18], [sflag:$0x6], $0x80, s6, s17, $0xb8;
	[tilespmem:$0x1EB80] =	vst v63  }
0x87: {  	_ =	swait.ge [sflag:s28], $0x1400  }
0x88: {  	[sflag:s28] =	ssyncset.done $0x0  }
0x89: {  	s8 =	simm.s32 $0x4DF0;
	[sflag:s28] =	ssyncadd.s32 $0xFFFFEC00  }
0x8a: {  	[spmem:s2] =	stream.indirect.scatter.add.f32 [tilespmem:s19], [sflag:$0x7], $0x80, s8, s17, $0xb8;
	[tilespmem:$0x1EB80] =	vst v63  }
0x8b: {  	_ =	swait.ge [sflag:s29], $0x1400  }
0x8c: {  	[sflag:s29] =	ssyncset.done $0x0  }
0x8d: {  	s7 =	simm.s32 $0x4E18;
	[sflag:s29] =	ssyncadd.s32 $0xFFFFEC00  }
0x8e: {  	[spmem:s2] =	stream.indirect.scatter.add.f32 [tilespmem:s21], [sflag:$0x8], $0x80, s7, s17, $0xb8;
	[tilespmem:$0x1EB80] =	vst v63  }
0x8f: {  	_ =	swait.ge [sflag:s30], $0x1400  }
0x90: {  	[sflag:s30] =	ssyncset.done $0x0  }
0x91: {  	s8 =	simm.s32 $0x4E40;
	[sflag:s30] =	ssyncadd.s32 $0xFFFFEC00  }
0x92: {  	[spmem:s2] =	stream.indirect.scatter.add.f32 [tilespmem:s23], [sflag:$0x9], $0x80, s8, s17, $0xb8;
	[tilespmem:$0x1EB80] =	vst v63  }
0x93: {  	_ =	swait.ge [sflag:s31], $0x1400  }
0x94: {  	[sflag:s31] =	ssyncset.done $0x0  }
0x95: {  	s7 =	simm.s32 $0x4E68;
	[sflag:s31] =	ssyncadd.s32 $0xFFFFEC00  }
0x96: {  	[spmem:s2] =	stream.indirect.scatter.add.f32 [tilespmem:s25], [sflag:$0xA], $0x80, s7, s17, $0xb8;
	[tilespmem:$0x1EB80] =	vst v63  }
0x97: {  	_ =	swait.ge [sflag:s1], $0x1400  }
0x98: {  	[sflag:s1] =	ssyncset.done $0x0  }
0x99: {  	[sflag:s1] =	ssyncadd.s32 $0xFFFFEC00  }
0x9a: {  	_ =	swait.ge [sflag:s16], $0x1400  }
0x9b: {  	[sflag:s16] =	ssyncset.done $0x0  }
0x9c: {  	[sflag:s16] =	ssyncadd.s32 $0xFFFFEC00  }
0x9d: {  	_ =	swait.ge [sflag:s20], $0x1400  }
0x9e: {  	[sflag:s20] =	ssyncset.done $0x0  }
0x9f: {  	[sflag:s20] =	ssyncadd.s32 $0xFFFFEC00  }
0xa0: {  	_ =	swait.ge [sflag:s22], $0x1400  }
0xa1: {  	[sflag:s22] =	ssyncset.done $0x0  }
0xa2: {  	[sflag:s22] =	ssyncadd.s32 $0xFFFFEC00  }
0xa3: {  	_ =	swait.ge [sflag:s24], $0x1400  }
0xa4: {  	[sflag:s24] =	ssyncset.done $0x0  }
0xa5: {  	[sflag:s24] =	ssyncadd.s32 $0xFFFFEC00  }
0xa6: {  	[bflag:$0x0] =	sbarrier.arrive $0xFFFF  }
0xa7: {  	s8 =	rddreg [dreg:$0x6]  }
0xa8: {  	[hbm:s8], [sflag:s5] =	dma.local [spmem:s11], $0x2700  }
0xa9: {  	s3 =	sadd.s32 $0x1, s3;
	_ =	swait.ge [sflag:s12], $0x2700  }
0xaa: {  	p1 =	sne.s32 s3, s10;
	[sflag:s12] =	ssyncset.done $0x0  }
.Ltmp1:
0xab: {  	s6 =	simm.s32 @!p0 $0xB;
	[sflag:s12] =	ssyncadd.s32 $0xFFFFD900;
	(pc) =	sbr.rel @p1 .LBB2_1-.Ltmp1, $4  }
0xac: {  	[hbm:s9], [sflag:s5] =	dma.local @!p0 [spmem:s13], $0x100  }
0xad: {  	_ =	swait.ge @!p0 [sflag:s6], $0x100  }
0xae: {  	[sflag:s6] =	ssyncset.done @!p0 $0x0  }
0xaf: {  	[sflag:s6] =	ssyncadd.s32 @!p0 $0xFFFFFF00  }
0xb0: {  	_ =	sfence.sel $0x180000  }
0xb1: {  	[bflag:$0x0] =	sbarrier.arrive $0xFFFF  }
0xb2: {  	_ =	strace $0x90000047  }
0xb3: {  	[bflag:$0x2] =	sbarrier.arrive $0xFFFF  }
0xb4: {  	s0 =	rddreg [dreg:$0x3]  }
0xb5: {  	s0 =	sadd.s32 @!p0 $0x100000, s0  }
0xb6: {  	[sflag:s0] =	ssyncadd.tile.s32 @!p0 $0x1;
	_ =	shalt  }
.Lfunc_end2:
_tile_overlayer_lowered:
.L_overlay_start_2:
0xb7: {  	(tag) =	ssettag $0x2  }
0xb8: {  	s0 =	rddreg [dreg:$0x0];
	s2 =	stileid.u32  }
0xb9: {  	s1 =	rddreg [dreg:$0x1];
	p0 =	sne.s32 s2, $0x0  }
0xba: {  	s3 =	rddreg [dreg:$0x2];
	[bflag:$0x3] =	sbarrier.arrive $0xFFFF;
	s2 =	simm.s32 @!p0 $0x1C0B  }
0xbb: {  	[timem:s3], [sflag:s2] =	dma.local @!p0 [hbm:s0], s1  }
0xbc: {  	s0 =	simm.s32 @!p0 $0xB  }
0xbd: {  	_ =	swait.ge @!p0 [sflag:s0], s1  }
0xbe: {  	s1 =	ssub.s32 @!p0 $0x0, s1;
	[sflag:s0] =	ssyncset.done @!p0 $0x0  }
0xbf: {  	[sflag:s0] =	ssyncadd.s32 @!p0 s1  }
0xc0: {  	[bflag:$0x3] =	sbarrier.arrive $0xFFFF  }
0xc1: {  	_ =	shalt  }

</sc_bundles>
